<compile_context>
chip_gen: v7x
topology: tpu7x:2x2x1
jax: 0.10.2.dev20260603
libtpu: 0.0.44.dev20260713+nightly
codegen_flags: <defaults>
</compile_context>

<pallas_src>
import functools

import jax
import jax.numpy as jnp
from jax import lax
from jax.experimental import pallas as pl
from jax.experimental.pallas import tpu as pltpu
from jax.experimental.pallas import tpu_sc as plsc

_S = 3.0 ** -0.5

_NC = 2
_NS = 16
_NW = _NC * _NS
_C = 32


def _bcast_lane(v, i):
    idx = jnp.full((16, 1), i, jnp.int32)
    dnums = lax.GatherDimensionNumbers(
        offset_dims=(), collapsed_slice_dims=(0,), start_index_map=(0,))
    return lax.gather(v, idx, dnums, (1,),
                      mode=lax.GatherScatterMode.PROMISE_IN_BOUNDS)


def _sc_row_compute(xb, yb, ob, xoff, ymax, off, ooff):
    ra = lax.bitwise_and(off, ~15)
    rl = lax.bitwise_and(off, 15)
    y0 = _bcast_lane(yb[pl.ds(ra, 16)], rl)
    y1 = _bcast_lane(yb[pl.ds(ymax + ra, 16)], rl)
    y2 = _bcast_lane(yb[pl.ds(2 * ymax + ra, 16)], rl)
    y3 = _bcast_lane(yb[pl.ds(3 * ymax + ra, 16)], rl)
    for j in range(8):
        lo = 16 * j
        xv0 = xb[pl.ds(xoff + lo, 16)]
        xv1 = xb[pl.ds(xoff + 128 + lo, 16)]
        xv2 = xb[pl.ds(xoff + 256 + lo, 16)]
        xv3 = xb[pl.ds(xoff + 384 + lo, 16)]
        ob[pl.ds(ooff + lo, 16)] = xv0 * y0
        ob[pl.ds(ooff + 128 + lo, 16)] = xv0 * y1
        ob[pl.ds(ooff + 256 + lo, 16)] = xv0 * y2
        ob[pl.ds(ooff + 384 + lo, 16)] = xv0 * y3
        ob[pl.ds(ooff + 512 + lo, 16)] = xv1 * y0
        ob[pl.ds(ooff + 640 + lo, 16)] = xv2 * y0
        ob[pl.ds(ooff + 768 + lo, 16)] = xv3 * y0
        ob[pl.ds(ooff + 896 + lo, 16)] = (xv1 * y1 + xv2 * y2 + xv3 * y3) * _S


def _sc_body(x_hbm, y_hbm, o_hbm, xb, yb, ob, sem_ix, sem_iy, sem_o):
    n = x_hbm.shape[0] // 512
    gtot = n // _C
    cmin = gtot // _NW
    rem = gtot % _NW
    cmax = cmin + (1 if rem else 0)
    ymax = cmax * _C
    wid = lax.axis_index("s") * _NC + lax.axis_index("c")
    nch = cmin + jnp.where(wid < rem, 1, 0)
    gbase = cmin * wid + jnp.minimum(wid, rem)

    def in_copy(k, b):
        g = gbase + k
        return pltpu.make_async_copy(
            x_hbm.at[pl.ds(g * (_C * 512), _C * 512)],
            xb.at[pl.ds(b * (_C * 512), _C * 512)], sem_ix)

    def out_copy(k, b):
        g = gbase + k
        return pltpu.make_async_copy(
            ob.at[pl.ds(b * (_C * 1024), _C * 1024)],
            o_hbm.at[pl.ds(g * (_C * 1024), _C * 1024)], sem_o)

    for k in (0, 1):
        in_copy(k, k).start()

    y_main = [
        pltpu.make_async_copy(
            y_hbm.at[pl.ds(kk * n + gbase * _C, cmin * _C)],
            yb.at[pl.ds(kk * ymax, cmin * _C)], sem_iy)
        for kk in range(4)
    ]
    for c in y_main:
        c.start()

    def y_tail(kk):
        return pltpu.make_async_copy(
            y_hbm.at[pl.ds(kk * n + gbase * _C + cmin * _C, _C)],
            yb.at[pl.ds(kk * ymax + cmin * _C, _C)], sem_iy)

    has_tail = rem and jnp.less(wid, rem)
    if rem:
        @pl.when(has_tail)
        def _():
            for kk in range(4):
                y_tail(kk).start()

    for c in y_main:
        c.wait()
    if rem:
        @pl.when(has_tail)
        def _():
            for kk in range(4):
                y_tail(kk).wait()

    def chunk_body(k, carry):
        b = lax.rem(k, 2)

        @pl.when(k >= 2)
        def _():
            out_copy(k - 2, b).wait()

        in_copy(k, b).wait()

        def row_body(r, c):
            _sc_row_compute(
                xb, yb, ob,
                b * (_C * 512) + r * 512,
                ymax,
                k * _C + r,
                b * (_C * 1024) + r * 1024,
            )
            return c

        lax.fori_loop(0, _C, row_body, 0)

        out_copy(k, b).start()

        @pl.when(k + 2 < nch)
        def _():
            in_copy(k + 2, b).start()

        return carry

    lax.fori_loop(0, nch, chunk_body, 0)

    out_copy(nch - 2, lax.rem(nch - 2, 2)).wait()
    out_copy(nch - 1, lax.rem(nch - 1, 2)).wait()


def _sc_kernel(xf, yf):
    n = xf.shape[0] // 512
    gtot = n // _C
    cmax = gtot // _NW + (1 if gtot % _NW else 0)
    mesh = plsc.VectorSubcoreMesh(core_axis_name="c", subcore_axis_name="s")
    f = functools.partial(
        pl.kernel,
        mesh=mesh,
        out_type=jax.ShapeDtypeStruct((n * 1024,), jnp.float32),
        scratch_types=[
            pltpu.VMEM((2 * _C * 512,), jnp.float32),
            pltpu.VMEM((4 * cmax * _C + 16,), jnp.float32),
            pltpu.VMEM((2 * _C * 1024,), jnp.float32),
            pltpu.SemaphoreType.DMA,
            pltpu.SemaphoreType.DMA,
            pltpu.SemaphoreType.DMA,
        ],
    )(_sc_body)
    return f(xf, yf)


def kernel(x, y):
    n = x.shape[0]
    yf = y.reshape(n, 4).T.reshape(n * 4)
    out = _sc_kernel(x.reshape(n * 512), yf)
    return out.reshape(n, 8, 128)

# --- scband reference (transcript-rebuilt; emitter-appended) ---
"""Pipeline reference for scband-tensor-product-45268955300486 (READ-ONLY COPY).

The authoritative reference and input builder live on the scoring server;
editing this copy changes nothing except your own understanding.
"""

import jax, jax.numpy as jnp
import numpy as np

# Hardcoded e3nn real-basis Wigner-3j sparse structure for irreps_in1 = 1x0e+1x1o,
# irreps_in2 = 1x0e+1x1o, target = 1x0e+1x1o with 'uvu' instructions and
# component irrep_normalization (path_weight = sqrt(2*l3+1), one path per output slot).
# Instructions: (0e,0e)->0e, (0e,1o)->1o, (1o,0e)->1o, (1o,1o)->0e
# irreps_out = 1x0e + 1x1o + 1x1o + 1x0e  (dim 8)
# wigner_3j(0,0,0)=1; wigner_3j(0,1,1)[0,m,m]=1/sqrt(3) (x path_weight sqrt(3) -> 1);
# wigner_3j(1,0,1)[m,0,m]=1/sqrt(3) (-> 1); wigner_3j(1,1,0)[m,m,0]=1/sqrt(3) (x 1 -> 1/sqrt(3)).
_S = 3.0 ** -0.5
MU1 = jnp.array([0, 0, 0, 0, 1, 2, 3, 1, 2, 3], dtype=jnp.int32)
MU2 = jnp.array([0, 1, 2, 3, 0, 0, 0, 1, 2, 3], dtype=jnp.int32)
MU3 = jnp.array([0, 1, 2, 3, 4, 5, 6, 7, 7, 7], dtype=jnp.int32)
CG = jnp.array([1.0, 1.0, 1.0, 1.0, 1.0, 1.0, 1.0, _S, _S, _S], dtype=jnp.float32)
OUT_DIM = 8


def setup_inputs(seed: int = 0) -> dict:
    key = jax.random.key(seed)
    k1, k2 = jax.random.split(key)
    x = jax.random.normal(k1, (100000, 4, 128), dtype=jnp.float32)
    y = jax.random.normal(k2, (100000, 4, 1), dtype=jnp.float32)
    return {"x": x, "y": y}


def reference(x, y):
    # gather along the irrep-component axis, multiply by sparse CG values,
    # scatter-add into output irrep components (segment reduce over mu3),
    # vectorized over the batch dimension (torch code loops over batch).
    g = x[:, MU1, :] * CG[None, :, None] * y[:, MU2, :]
    out = jnp.zeros((x.shape[0], OUT_DIM, x.shape[2]), dtype=x.dtype)
    out = out.at[:, MU3, :].add(g)
    return out

if __name__ == "__main__":
    import jax
    _d = setup_inputs()
    print(jax.jit(kernel)(*tuple(_d.values())))

</pallas_src>

<mosaic_0001>
#map = affine_map<(d0, d1) -> (0)>
module attributes {stable_mosaic.version = 14 : i64} {
  func.func @_sc_body(%arg0: i32, %arg1: i32, %arg2: memref<51200000xf32, #tpu.memory_space<hbm>>, %arg3: memref<400000xf32, #tpu.memory_space<hbm>>, %arg4: memref<102400000xf32, #tpu.memory_space<hbm>>, %arg5: memref<32768xf32, #tpu.memory_space<vmem>>, %arg6: memref<12560xf32, #tpu.memory_space<vmem>>, %arg7: memref<65536xf32, #tpu.memory_space<vmem>>, %arg8: memref<!tpu.dma_semaphore, #tpu.memory_space<semaphore_mem>>, %arg9: memref<!tpu.dma_semaphore, #tpu.memory_space<semaphore_mem>>, %arg10: memref<!tpu.dma_semaphore, #tpu.memory_space<semaphore_mem>>) attributes {dimension_semantics = [#tpu.dimension_semantics<core_parallel>, #tpu.dimension_semantics<subcore_parallel>], iteration_bounds = array<i64: 2, 16>, scalar_prefetch = 0 : i64, scratch_operands = 6 : i64, tpu.core_type = #tpu.core_type<sc_vector_subcore>, window_params = [{transform_indices = #map}, {transform_indices = #map}, {transform_indices = #map}]} {
    %mul3A = arith.constant 2 : i32
    %mul3A_0 = arith.muli %arg1, %mul3A : i32
    %add3A = arith.addi %mul3A_0, %arg0 : i32
    %lt3A = arith.constant 21 : i32
    %lt3A_1 = arith.cmpi slt, %add3A, %lt3A : i32
    %jit3A = arith.constant 1 : i32
    %jit3A_2 = arith.constant 0 : i32
    %select_n3A = arith.select %lt3A_1, %jit3A, %jit3A_2 : i32
    %add3A_3 = arith.constant 97 : i32
    %add3A_4 = arith.addi %add3A_3, %select_n3A : i32
    %mul3A_5 = arith.constant 97 : i32
    %mul3A_6 = arith.muli %mul3A_5, %add3A : i32
    %min3A = arith.constant 21 : i32
    %min3A_7 = arith.minsi %add3A, %min3A : i32
    %add3A_8 = arith.addi %mul3A_6, %min3A_7 : i32
    %add3A_9 = arith.constant 0 : i32
    %add3A_10 = arith.addi %add3A_8, %add3A_9 : i32
    %mul3A_11 = arith.constant 16384 : i32
    %mul3A_12 = arith.muli %add3A_10, %mul3A_11 : i32
    %dma_start3A = arith.constant 0 : i32
    %dma_start3A_13 = tpu.memref_slice %arg5[%dma_start3A] : memref<32768xf32, #tpu.memory_space<vmem>> -> memref<16384xf32, #tpu.memory_space<vmem>>
    %dma_start3A_14 = tpu.memref_slice %arg2[%mul3A_12] : memref<51200000xf32, #tpu.memory_space<hbm>> -> memref<16384xf32, #tpu.memory_space<hbm>>
    %dma_start3A_15 = arith.constant 0 : i32
    %dma_start3A_16 = tpu.memref_slice %arg5[%dma_start3A_15] : memref<32768xf32, #tpu.memory_space<vmem>> -> memref<16384xf32, #tpu.memory_space<vmem>>
    %dma_start3A_17 = tpu.memref_slice %arg2[%mul3A_12] : memref<51200000xf32, #tpu.memory_space<hbm>> -> memref<16384xf32, #tpu.memory_space<hbm>>
    tpu.enqueue_dma source(%dma_start3A_17 : memref<16384xf32, #tpu.memory_space<hbm>>) target(%dma_start3A_16 : memref<16384xf32, #tpu.memory_space<vmem>>) target_semaphore(%arg8 : memref<!tpu.dma_semaphore, #tpu.memory_space<semaphore_mem>>)
    %add3A_18 = arith.constant 1 : i32
    %add3A_19 = arith.addi %add3A_8, %add3A_18 : i32
    %mul3A_20 = arith.constant 16384 : i32
    %mul3A_21 = arith.muli %add3A_19, %mul3A_20 : i32
    %dma_start3A_22 = arith.constant 16384 : i32
    %dma_start3A_23 = tpu.memref_slice %arg5[%dma_start3A_22] : memref<32768xf32, #tpu.memory_space<vmem>> -> memref<16384xf32, #tpu.memory_space<vmem>>
    %dma_start3A_24 = tpu.memref_slice %arg2[%mul3A_21] : memref<51200000xf32, #tpu.memory_space<hbm>> -> memref<16384xf32, #tpu.memory_space<hbm>>
    %dma_start3A_25 = arith.constant 16384 : i32
    %dma_start3A_26 = tpu.memref_slice %arg5[%dma_start3A_25] : memref<32768xf32, #tpu.memory_space<vmem>> -> memref<16384xf32, #tpu.memory_space<vmem>>
    %dma_start3A_27 = tpu.memref_slice %arg2[%mul3A_21] : memref<51200000xf32, #tpu.memory_space<hbm>> -> memref<16384xf32, #tpu.memory_space<hbm>>
    tpu.enqueue_dma source(%dma_start3A_27 : memref<16384xf32, #tpu.memory_space<hbm>>) target(%dma_start3A_26 : memref<16384xf32, #tpu.memory_space<vmem>>) target_semaphore(%arg8 : memref<!tpu.dma_semaphore, #tpu.memory_space<semaphore_mem>>)
    %mul3A_28 = arith.constant 32 : i32
    %mul3A_29 = arith.muli %add3A_8, %mul3A_28 : i32
    %add3A_30 = arith.constant 0 : i32
    %add3A_31 = arith.addi %add3A_30, %mul3A_29 : i32
    %mul3A_32 = arith.constant 32 : i32
    %mul3A_33 = arith.muli %add3A_8, %mul3A_32 : i32
    %add3A_34 = arith.constant 100000 : i32
    %add3A_35 = arith.addi %add3A_34, %mul3A_33 : i32
    %mul3A_36 = arith.constant 32 : i32
    %mul3A_37 = arith.muli %add3A_8, %mul3A_36 : i32
    %add3A_38 = arith.constant 200000 : i32
    %add3A_39 = arith.addi %add3A_38, %mul3A_37 : i32
    %mul3A_40 = arith.constant 32 : i32
    %mul3A_41 = arith.muli %add3A_8, %mul3A_40 : i32
    %add3A_42 = arith.constant 300000 : i32
    %add3A_43 = arith.addi %add3A_42, %mul3A_41 : i32
    %dma_start3A_44 = arith.constant 0 : i32
    %dma_start3A_45 = tpu.memref_slice %arg6[%dma_start3A_44] : memref<12560xf32, #tpu.memory_space<vmem>> -> memref<3104xf32, #tpu.memory_space<vmem>>
    %dma_start3A_46 = tpu.memref_slice %arg3[%add3A_31] : memref<400000xf32, #tpu.memory_space<hbm>> -> memref<3104xf32, #tpu.memory_space<hbm>>
    %dma_start3A_47 = arith.constant 0 : i32
    %dma_start3A_48 = tpu.memref_slice %arg6[%dma_start3A_47] : memref<12560xf32, #tpu.memory_space<vmem>> -> memref<3104xf32, #tpu.memory_space<vmem>>
    %dma_start3A_49 = tpu.memref_slice %arg3[%add3A_31] : memref<400000xf32, #tpu.memory_space<hbm>> -> memref<3104xf32, #tpu.memory_space<hbm>>
    tpu.enqueue_dma source(%dma_start3A_49 : memref<3104xf32, #tpu.memory_space<hbm>>) target(%dma_start3A_48 : memref<3104xf32, #tpu.memory_space<vmem>>) target_semaphore(%arg9 : memref<!tpu.dma_semaphore, #tpu.memory_space<semaphore_mem>>)
    %dma_start3A_50 = arith.constant 3136 : i32
    %dma_start3A_51 = tpu.memref_slice %arg6[%dma_start3A_50] : memref<12560xf32, #tpu.memory_space<vmem>> -> memref<3104xf32, #tpu.memory_space<vmem>>
    %dma_start3A_52 = tpu.memref_slice %arg3[%add3A_35] : memref<400000xf32, #tpu.memory_space<hbm>> -> memref<3104xf32, #tpu.memory_space<hbm>>
    %dma_start3A_53 = arith.constant 3136 : i32
    %dma_start3A_54 = tpu.memref_slice %arg6[%dma_start3A_53] : memref<12560xf32, #tpu.memory_space<vmem>> -> memref<3104xf32, #tpu.memory_space<vmem>>
    %dma_start3A_55 = tpu.memref_slice %arg3[%add3A_35] : memref<400000xf32, #tpu.memory_space<hbm>> -> memref<3104xf32, #tpu.memory_space<hbm>>
    tpu.enqueue_dma source(%dma_start3A_55 : memref<3104xf32, #tpu.memory_space<hbm>>) target(%dma_start3A_54 : memref<3104xf32, #tpu.memory_space<vmem>>) target_semaphore(%arg9 : memref<!tpu.dma_semaphore, #tpu.memory_space<semaphore_mem>>)
    %dma_start3A_56 = arith.constant 6272 : i32
    %dma_start3A_57 = tpu.memref_slice %arg6[%dma_start3A_56] : memref<12560xf32, #tpu.memory_space<vmem>> -> memref<3104xf32, #tpu.memory_space<vmem>>
    %dma_start3A_58 = tpu.memref_slice %arg3[%add3A_39] : memref<400000xf32, #tpu.memory_space<hbm>> -> memref<3104xf32, #tpu.memory_space<hbm>>
    %dma_start3A_59 = arith.constant 6272 : i32
    %dma_start3A_60 = tpu.memref_slice %arg6[%dma_start3A_59] : memref<12560xf32, #tpu.memory_space<vmem>> -> memref<3104xf32, #tpu.memory_space<vmem>>
    %dma_start3A_61 = tpu.memref_slice %arg3[%add3A_39] : memref<400000xf32, #tpu.memory_space<hbm>> -> memref<3104xf32, #tpu.memory_space<hbm>>
    tpu.enqueue_dma source(%dma_start3A_61 : memref<3104xf32, #tpu.memory_space<hbm>>) target(%dma_start3A_60 : memref<3104xf32, #tpu.memory_space<vmem>>) target_semaphore(%arg9 : memref<!tpu.dma_semaphore, #tpu.memory_space<semaphore_mem>>)
    %dma_start3A_62 = arith.constant 9408 : i32
    %dma_start3A_63 = tpu.memref_slice %arg6[%dma_start3A_62] : memref<12560xf32, #tpu.memory_space<vmem>> -> memref<3104xf32, #tpu.memory_space<vmem>>
    %dma_start3A_64 = tpu.memref_slice %arg3[%add3A_43] : memref<400000xf32, #tpu.memory_space<hbm>> -> memref<3104xf32, #tpu.memory_space<hbm>>
    %dma_start3A_65 = arith.constant 9408 : i32
    %dma_start3A_66 = tpu.memref_slice %arg6[%dma_start3A_65] : memref<12560xf32, #tpu.memory_space<vmem>> -> memref<3104xf32, #tpu.memory_space<vmem>>
    %dma_start3A_67 = tpu.memref_slice %arg3[%add3A_43] : memref<400000xf32, #tpu.memory_space<hbm>> -> memref<3104xf32, #tpu.memory_space<hbm>>
    tpu.enqueue_dma source(%dma_start3A_67 : memref<3104xf32, #tpu.memory_space<hbm>>) target(%dma_start3A_66 : memref<3104xf32, #tpu.memory_space<vmem>>) target_semaphore(%arg9 : memref<!tpu.dma_semaphore, #tpu.memory_space<semaphore_mem>>)
    %lt3A_68 = arith.constant 21 : i32
    %lt3A_69 = arith.cmpi slt, %add3A, %lt3A_68 : i32
    %convert_element_type3A = arith.extui %lt3A_69 : i1 to i32
    %cond3A = arith.constant 0 : i32
    %cond3A_70 = arith.cmpi ne, %convert_element_type3A, %cond3A : i32
    scf.if %cond3A_70 {
      %mul3A_134 = arith.constant 32 : i32
      %mul3A_135 = arith.muli %add3A_8, %mul3A_134 : i32
      %add3A_136 = arith.constant 0 : i32
      %add3A_137 = arith.addi %add3A_136, %mul3A_135 : i32
      %add3A_138 = arith.constant 3104 : i32
      %add3A_139 = arith.addi %add3A_137, %add3A_138 : i32
      %dma_start3A_140 = arith.constant 3104 : i32
      %dma_start3A_141 = tpu.memref_slice %arg6[%dma_start3A_140] : memref<12560xf32, #tpu.memory_space<vmem>> -> memref<32xf32, #tpu.memory_space<vmem>>
      %dma_start3A_142 = tpu.memref_slice %arg3[%add3A_139] : memref<400000xf32, #tpu.memory_space<hbm>> -> memref<32xf32, #tpu.memory_space<hbm>>
      %dma_start3A_143 = arith.constant 3104 : i32
      %dma_start3A_144 = tpu.memref_slice %arg6[%dma_start3A_143] : memref<12560xf32, #tpu.memory_space<vmem>> -> memref<32xf32, #tpu.memory_space<vmem>>
      %dma_start3A_145 = tpu.memref_slice %arg3[%add3A_139] : memref<400000xf32, #tpu.memory_space<hbm>> -> memref<32xf32, #tpu.memory_space<hbm>>
      tpu.enqueue_dma source(%dma_start3A_145 : memref<32xf32, #tpu.memory_space<hbm>>) target(%dma_start3A_144 : memref<32xf32, #tpu.memory_space<vmem>>) target_semaphore(%arg9 : memref<!tpu.dma_semaphore, #tpu.memory_space<semaphore_mem>>)
      %mul3A_146 = arith.constant 32 : i32
      %mul3A_147 = arith.muli %add3A_8, %mul3A_146 : i32
      %add3A_148 = arith.constant 100000 : i32
      %add3A_149 = arith.addi %add3A_148, %mul3A_147 : i32
      %add3A_150 = arith.constant 3104 : i32
      %add3A_151 = arith.addi %add3A_149, %add3A_150 : i32
      %dma_start3A_152 = arith.constant 6240 : i32
      %dma_start3A_153 = tpu.memref_slice %arg6[%dma_start3A_152] : memref<12560xf32, #tpu.memory_space<vmem>> -> memref<32xf32, #tpu.memory_space<vmem>>
      %dma_start3A_154 = tpu.memref_slice %arg3[%add3A_151] : memref<400000xf32, #tpu.memory_space<hbm>> -> memref<32xf32, #tpu.memory_space<hbm>>
      %dma_start3A_155 = arith.constant 6240 : i32
      %dma_start3A_156 = tpu.memref_slice %arg6[%dma_start3A_155] : memref<12560xf32, #tpu.memory_space<vmem>> -> memref<32xf32, #tpu.memory_space<vmem>>
      %dma_start3A_157 = tpu.memref_slice %arg3[%add3A_151] : memref<400000xf32, #tpu.memory_space<hbm>> -> memref<32xf32, #tpu.memory_space<hbm>>
      tpu.enqueue_dma source(%dma_start3A_157 : memref<32xf32, #tpu.memory_space<hbm>>) target(%dma_start3A_156 : memref<32xf32, #tpu.memory_space<vmem>>) target_semaphore(%arg9 : memref<!tpu.dma_semaphore, #tpu.memory_space<semaphore_mem>>)
      %mul3A_158 = arith.constant 32 : i32
      %mul3A_159 = arith.muli %add3A_8, %mul3A_158 : i32
      %add3A_160 = arith.constant 200000 : i32
      %add3A_161 = arith.addi %add3A_160, %mul3A_159 : i32
      %add3A_162 = arith.constant 3104 : i32
      %add3A_163 = arith.addi %add3A_161, %add3A_162 : i32
      %dma_start3A_164 = arith.constant 9376 : i32
      %dma_start3A_165 = tpu.memref_slice %arg6[%dma_start3A_164] : memref<12560xf32, #tpu.memory_space<vmem>> -> memref<32xf32, #tpu.memory_space<vmem>>
      %dma_start3A_166 = tpu.memref_slice %arg3[%add3A_163] : memref<400000xf32, #tpu.memory_space<hbm>> -> memref<32xf32, #tpu.memory_space<hbm>>
      %dma_start3A_167 = arith.constant 9376 : i32
      %dma_start3A_168 = tpu.memref_slice %arg6[%dma_start3A_167] : memref<12560xf32, #tpu.memory_space<vmem>> -> memref<32xf32, #tpu.memory_space<vmem>>
      %dma_start3A_169 = tpu.memref_slice %arg3[%add3A_163] : memref<400000xf32, #tpu.memory_space<hbm>> -> memref<32xf32, #tpu.memory_space<hbm>>
      tpu.enqueue_dma source(%dma_start3A_169 : memref<32xf32, #tpu.memory_space<hbm>>) target(%dma_start3A_168 : memref<32xf32, #tpu.memory_space<vmem>>) target_semaphore(%arg9 : memref<!tpu.dma_semaphore, #tpu.memory_space<semaphore_mem>>)
      %mul3A_170 = arith.constant 32 : i32
      %mul3A_171 = arith.muli %add3A_8, %mul3A_170 : i32
      %add3A_172 = arith.constant 300000 : i32
      %add3A_173 = arith.addi %add3A_172, %mul3A_171 : i32
      %add3A_174 = arith.constant 3104 : i32
      %add3A_175 = arith.addi %add3A_173, %add3A_174 : i32
      %dma_start3A_176 = arith.constant 12512 : i32
      %dma_start3A_177 = tpu.memref_slice %arg6[%dma_start3A_176] : memref<12560xf32, #tpu.memory_space<vmem>> -> memref<32xf32, #tpu.memory_space<vmem>>
      %dma_start3A_178 = tpu.memref_slice %arg3[%add3A_175] : memref<400000xf32, #tpu.memory_space<hbm>> -> memref<32xf32, #tpu.memory_space<hbm>>
      %dma_start3A_179 = arith.constant 12512 : i32
      %dma_start3A_180 = tpu.memref_slice %arg6[%dma_start3A_179] : memref<12560xf32, #tpu.memory_space<vmem>> -> memref<32xf32, #tpu.memory_space<vmem>>
      %dma_start3A_181 = tpu.memref_slice %arg3[%add3A_175] : memref<400000xf32, #tpu.memory_space<hbm>> -> memref<32xf32, #tpu.memory_space<hbm>>
      tpu.enqueue_dma source(%dma_start3A_181 : memref<32xf32, #tpu.memory_space<hbm>>) target(%dma_start3A_180 : memref<32xf32, #tpu.memory_space<vmem>>) target_semaphore(%arg9 : memref<!tpu.dma_semaphore, #tpu.memory_space<semaphore_mem>>)
    } else {
    }
    %dma_wait3A = arith.constant 0 : i32
    %dma_wait3A_71 = tpu.memref_slice %arg6[%dma_wait3A] : memref<12560xf32, #tpu.memory_space<vmem>> -> memref<3104xf32, #tpu.memory_space<vmem>>
    %dma_wait3A_72 = tpu.memref_slice %arg3[%add3A_31] : memref<400000xf32, #tpu.memory_space<hbm>> -> memref<3104xf32, #tpu.memory_space<hbm>>
    %dma_wait3A_73 = arith.constant 0 : i32
    %dma_wait3A_74 = tpu.memref_slice %arg6[%dma_wait3A_73] : memref<12560xf32, #tpu.memory_space<vmem>> -> memref<3104xf32, #tpu.memory_space<vmem>>
    %dma_wait3A_75 = tpu.memref_slice %arg3[%add3A_31] : memref<400000xf32, #tpu.memory_space<hbm>> -> memref<3104xf32, #tpu.memory_space<hbm>>
    tpu.wait_dma2 semaphore(%arg9 : memref<!tpu.dma_semaphore, #tpu.memory_space<semaphore_mem>>) src(%dma_wait3A_75 : memref<3104xf32, #tpu.memory_space<hbm>>) dst(%dma_wait3A_74 : memref<3104xf32, #tpu.memory_space<vmem>>)
    %dma_wait3A_76 = arith.constant 3136 : i32
    %dma_wait3A_77 = tpu.memref_slice %arg6[%dma_wait3A_76] : memref<12560xf32, #tpu.memory_space<vmem>> -> memref<3104xf32, #tpu.memory_space<vmem>>
    %dma_wait3A_78 = tpu.memref_slice %arg3[%add3A_35] : memref<400000xf32, #tpu.memory_space<hbm>> -> memref<3104xf32, #tpu.memory_space<hbm>>
    %dma_wait3A_79 = arith.constant 3136 : i32
    %dma_wait3A_80 = tpu.memref_slice %arg6[%dma_wait3A_79] : memref<12560xf32, #tpu.memory_space<vmem>> -> memref<3104xf32, #tpu.memory_space<vmem>>
    %dma_wait3A_81 = tpu.memref_slice %arg3[%add3A_35] : memref<400000xf32, #tpu.memory_space<hbm>> -> memref<3104xf32, #tpu.memory_space<hbm>>
    tpu.wait_dma2 semaphore(%arg9 : memref<!tpu.dma_semaphore, #tpu.memory_space<semaphore_mem>>) src(%dma_wait3A_81 : memref<3104xf32, #tpu.memory_space<hbm>>) dst(%dma_wait3A_80 : memref<3104xf32, #tpu.memory_space<vmem>>)
    %dma_wait3A_82 = arith.constant 6272 : i32
    %dma_wait3A_83 = tpu.memref_slice %arg6[%dma_wait3A_82] : memref<12560xf32, #tpu.memory_space<vmem>> -> memref<3104xf32, #tpu.memory_space<vmem>>
    %dma_wait3A_84 = tpu.memref_slice %arg3[%add3A_39] : memref<400000xf32, #tpu.memory_space<hbm>> -> memref<3104xf32, #tpu.memory_space<hbm>>
    %dma_wait3A_85 = arith.constant 6272 : i32
    %dma_wait3A_86 = tpu.memref_slice %arg6[%dma_wait3A_85] : memref<12560xf32, #tpu.memory_space<vmem>> -> memref<3104xf32, #tpu.memory_space<vmem>>
    %dma_wait3A_87 = tpu.memref_slice %arg3[%add3A_39] : memref<400000xf32, #tpu.memory_space<hbm>> -> memref<3104xf32, #tpu.memory_space<hbm>>
    tpu.wait_dma2 semaphore(%arg9 : memref<!tpu.dma_semaphore, #tpu.memory_space<semaphore_mem>>) src(%dma_wait3A_87 : memref<3104xf32, #tpu.memory_space<hbm>>) dst(%dma_wait3A_86 : memref<3104xf32, #tpu.memory_space<vmem>>)
    %dma_wait3A_88 = arith.constant 9408 : i32
    %dma_wait3A_89 = tpu.memref_slice %arg6[%dma_wait3A_88] : memref<12560xf32, #tpu.memory_space<vmem>> -> memref<3104xf32, #tpu.memory_space<vmem>>
    %dma_wait3A_90 = tpu.memref_slice %arg3[%add3A_43] : memref<400000xf32, #tpu.memory_space<hbm>> -> memref<3104xf32, #tpu.memory_space<hbm>>
    %dma_wait3A_91 = arith.constant 9408 : i32
    %dma_wait3A_92 = tpu.memref_slice %arg6[%dma_wait3A_91] : memref<12560xf32, #tpu.memory_space<vmem>> -> memref<3104xf32, #tpu.memory_space<vmem>>
    %dma_wait3A_93 = tpu.memref_slice %arg3[%add3A_43] : memref<400000xf32, #tpu.memory_space<hbm>> -> memref<3104xf32, #tpu.memory_space<hbm>>
    tpu.wait_dma2 semaphore(%arg9 : memref<!tpu.dma_semaphore, #tpu.memory_space<semaphore_mem>>) src(%dma_wait3A_93 : memref<3104xf32, #tpu.memory_space<hbm>>) dst(%dma_wait3A_92 : memref<3104xf32, #tpu.memory_space<vmem>>)
    %convert_element_type3A_94 = arith.extui %lt3A_69 : i1 to i32
    %cond3A_95 = arith.constant 0 : i32
    %cond3A_96 = arith.cmpi ne, %convert_element_type3A_94, %cond3A_95 : i32
    scf.if %cond3A_96 {
      %mul3A_134 = arith.constant 32 : i32
      %mul3A_135 = arith.muli %add3A_8, %mul3A_134 : i32
      %add3A_136 = arith.constant 0 : i32
      %add3A_137 = arith.addi %add3A_136, %mul3A_135 : i32
      %add3A_138 = arith.constant 3104 : i32
      %add3A_139 = arith.addi %add3A_137, %add3A_138 : i32
      %dma_wait3A_140 = arith.constant 3104 : i32
      %dma_wait3A_141 = tpu.memref_slice %arg6[%dma_wait3A_140] : memref<12560xf32, #tpu.memory_space<vmem>> -> memref<32xf32, #tpu.memory_space<vmem>>
      %dma_wait3A_142 = tpu.memref_slice %arg3[%add3A_139] : memref<400000xf32, #tpu.memory_space<hbm>> -> memref<32xf32, #tpu.memory_space<hbm>>
      %dma_wait3A_143 = arith.constant 3104 : i32
      %dma_wait3A_144 = tpu.memref_slice %arg6[%dma_wait3A_143] : memref<12560xf32, #tpu.memory_space<vmem>> -> memref<32xf32, #tpu.memory_space<vmem>>
      %dma_wait3A_145 = tpu.memref_slice %arg3[%add3A_139] : memref<400000xf32, #tpu.memory_space<hbm>> -> memref<32xf32, #tpu.memory_space<hbm>>
      tpu.wait_dma2 semaphore(%arg9 : memref<!tpu.dma_semaphore, #tpu.memory_space<semaphore_mem>>) src(%dma_wait3A_145 : memref<32xf32, #tpu.memory_space<hbm>>) dst(%dma_wait3A_144 : memref<32xf32, #tpu.memory_space<vmem>>)
      %mul3A_146 = arith.constant 32 : i32
      %mul3A_147 = arith.muli %add3A_8, %mul3A_146 : i32
      %add3A_148 = arith.constant 100000 : i32
      %add3A_149 = arith.addi %add3A_148, %mul3A_147 : i32
      %add3A_150 = arith.constant 3104 : i32
      %add3A_151 = arith.addi %add3A_149, %add3A_150 : i32
      %dma_wait3A_152 = arith.constant 6240 : i32
      %dma_wait3A_153 = tpu.memref_slice %arg6[%dma_wait3A_152] : memref<12560xf32, #tpu.memory_space<vmem>> -> memref<32xf32, #tpu.memory_space<vmem>>
      %dma_wait3A_154 = tpu.memref_slice %arg3[%add3A_151] : memref<400000xf32, #tpu.memory_space<hbm>> -> memref<32xf32, #tpu.memory_space<hbm>>
      %dma_wait3A_155 = arith.constant 6240 : i32
      %dma_wait3A_156 = tpu.memref_slice %arg6[%dma_wait3A_155] : memref<12560xf32, #tpu.memory_space<vmem>> -> memref<32xf32, #tpu.memory_space<vmem>>
      %dma_wait3A_157 = tpu.memref_slice %arg3[%add3A_151] : memref<400000xf32, #tpu.memory_space<hbm>> -> memref<32xf32, #tpu.memory_space<hbm>>
      tpu.wait_dma2 semaphore(%arg9 : memref<!tpu.dma_semaphore, #tpu.memory_space<semaphore_mem>>) src(%dma_wait3A_157 : memref<32xf32, #tpu.memory_space<hbm>>) dst(%dma_wait3A_156 : memref<32xf32, #tpu.memory_space<vmem>>)
      %mul3A_158 = arith.constant 32 : i32
      %mul3A_159 = arith.muli %add3A_8, %mul3A_158 : i32
      %add3A_160 = arith.constant 200000 : i32
      %add3A_161 = arith.addi %add3A_160, %mul3A_159 : i32
      %add3A_162 = arith.constant 3104 : i32
      %add3A_163 = arith.addi %add3A_161, %add3A_162 : i32
      %dma_wait3A_164 = arith.constant 9376 : i32
      %dma_wait3A_165 = tpu.memref_slice %arg6[%dma_wait3A_164] : memref<12560xf32, #tpu.memory_space<vmem>> -> memref<32xf32, #tpu.memory_space<vmem>>
      %dma_wait3A_166 = tpu.memref_slice %arg3[%add3A_163] : memref<400000xf32, #tpu.memory_space<hbm>> -> memref<32xf32, #tpu.memory_space<hbm>>
      %dma_wait3A_167 = arith.constant 9376 : i32
      %dma_wait3A_168 = tpu.memref_slice %arg6[%dma_wait3A_167] : memref<12560xf32, #tpu.memory_space<vmem>> -> memref<32xf32, #tpu.memory_space<vmem>>
      %dma_wait3A_169 = tpu.memref_slice %arg3[%add3A_163] : memref<400000xf32, #tpu.memory_space<hbm>> -> memref<32xf32, #tpu.memory_space<hbm>>
      tpu.wait_dma2 semaphore(%arg9 : memref<!tpu.dma_semaphore, #tpu.memory_space<semaphore_mem>>) src(%dma_wait3A_169 : memref<32xf32, #tpu.memory_space<hbm>>) dst(%dma_wait3A_168 : memref<32xf32, #tpu.memory_space<vmem>>)
      %mul3A_170 = arith.constant 32 : i32
      %mul3A_171 = arith.muli %add3A_8, %mul3A_170 : i32
      %add3A_172 = arith.constant 300000 : i32
      %add3A_173 = arith.addi %add3A_172, %mul3A_171 : i32
      %add3A_174 = arith.constant 3104 : i32
      %add3A_175 = arith.addi %add3A_173, %add3A_174 : i32
      %dma_wait3A_176 = arith.constant 12512 : i32
      %dma_wait3A_177 = tpu.memref_slice %arg6[%dma_wait3A_176] : memref<12560xf32, #tpu.memory_space<vmem>> -> memref<32xf32, #tpu.memory_space<vmem>>
      %dma_wait3A_178 = tpu.memref_slice %arg3[%add3A_175] : memref<400000xf32, #tpu.memory_space<hbm>> -> memref<32xf32, #tpu.memory_space<hbm>>
      %dma_wait3A_179 = arith.constant 12512 : i32
      %dma_wait3A_180 = tpu.memref_slice %arg6[%dma_wait3A_179] : memref<12560xf32, #tpu.memory_space<vmem>> -> memref<32xf32, #tpu.memory_space<vmem>>
      %dma_wait3A_181 = tpu.memref_slice %arg3[%add3A_175] : memref<400000xf32, #tpu.memory_space<hbm>> -> memref<32xf32, #tpu.memory_space<hbm>>
      tpu.wait_dma2 semaphore(%arg9 : memref<!tpu.dma_semaphore, #tpu.memory_space<semaphore_mem>>) src(%dma_wait3A_181 : memref<32xf32, #tpu.memory_space<hbm>>) dst(%dma_wait3A_180 : memref<32xf32, #tpu.memory_space<vmem>>)
    } else {
    }
    %while3A = arith.constant 0 : i32
    %while3A_97 = arith.constant 0 : i32
    %while3A_98 = arith.subi %add3A_4, %while3A_97 : i32
    %while3A_99 = arith.addi %while3A_97, %while3A_98 : i32
    %while3A_100 = arith.constant 1 : i32
    %while3A_101 = arith.divsi %while3A_98, %while3A_100 : i32
    %while3A_102 = arith.muli %while3A_101, %while3A_100 : i32
    %while3A_103 = arith.addi %while3A_97, %while3A_102 : i32
    %while3A_104 = arith.constant 1 : i32
    scf.for %while3A_134 = %while3A_97 to %while3A_103 step %while3A_104  : i32 {
      %rem3A_135 = arith.constant 2 : i32
      %rem3A_136 = arith.remsi %while3A_134, %rem3A_135 : i32
      %ge3A = arith.constant 2 : i32
      %ge3A_137 = arith.cmpi sge, %while3A_134, %ge3A : i32
      %convert_element_type3A_138 = arith.extui %ge3A_137 : i1 to i32
      %cond3A_139 = arith.constant 0 : i32
      %cond3A_140 = arith.cmpi ne, %convert_element_type3A_138, %cond3A_139 : i32
      scf.if %cond3A_140 {
        %sub3A_170 = arith.constant 2 : i32
        %sub3A_171 = arith.subi %while3A_134, %sub3A_170 : i32
        %add3A_172 = arith.addi %add3A_8, %sub3A_171 : i32
        %mul3A_173 = arith.constant 32768 : i32
        %mul3A_174 = arith.muli %rem3A_136, %mul3A_173 : i32
        %mul3A_175 = arith.constant 32768 : i32
        %mul3A_176 = arith.muli %add3A_172, %mul3A_175 : i32
        %dma_wait3A_177 = tpu.memref_slice %arg7[%mul3A_174] : memref<65536xf32, #tpu.memory_space<vmem>> -> memref<32768xf32, #tpu.memory_space<vmem>>
        %dma_wait3A_178 = tpu.memref_slice %arg4[%mul3A_176] : memref<102400000xf32, #tpu.memory_space<hbm>> -> memref<32768xf32, #tpu.memory_space<hbm>>
        %dma_wait3A_179 = tpu.memref_slice %arg4[%mul3A_176] : memref<102400000xf32, #tpu.memory_space<hbm>> -> memref<32768xf32, #tpu.memory_space<hbm>>
        %dma_wait3A_180 = tpu.memref_slice %arg7[%mul3A_174] : memref<65536xf32, #tpu.memory_space<vmem>> -> memref<32768xf32, #tpu.memory_space<vmem>>
        tpu.wait_dma2 semaphore(%arg10 : memref<!tpu.dma_semaphore, #tpu.memory_space<semaphore_mem>>) src(%dma_wait3A_180 : memref<32768xf32, #tpu.memory_space<vmem>>) dst(%dma_wait3A_179 : memref<32768xf32, #tpu.memory_space<hbm>>)
      } else {
      }
      %add3A_141 = arith.addi %add3A_8, %while3A_134 : i32
      %mul3A_142 = arith.constant 16384 : i32
      %mul3A_143 = arith.muli %add3A_141, %mul3A_142 : i32
      %mul3A_144 = arith.constant 16384 : i32
      %mul3A_145 = arith.muli %rem3A_136, %mul3A_144 : i32
      %dma_wait3A_146 = tpu.memref_slice %arg5[%mul3A_145] : memref<32768xf32, #tpu.memory_space<vmem>> -> memref<16384xf32, #tpu.memory_space<vmem>>
      %dma_wait3A_147 = tpu.memref_slice %arg2[%mul3A_143] : memref<51200000xf32, #tpu.memory_space<hbm>> -> memref<16384xf32, #tpu.memory_space<hbm>>
      %dma_wait3A_148 = tpu.memref_slice %arg5[%mul3A_145] : memref<32768xf32, #tpu.memory_space<vmem>> -> memref<16384xf32, #tpu.memory_space<vmem>>
      %dma_wait3A_149 = tpu.memref_slice %arg2[%mul3A_143] : memref<51200000xf32, #tpu.memory_space<hbm>> -> memref<16384xf32, #tpu.memory_space<hbm>>
      tpu.wait_dma2 semaphore(%arg8 : memref<!tpu.dma_semaphore, #tpu.memory_space<semaphore_mem>>) src(%dma_wait3A_149 : memref<16384xf32, #tpu.memory_space<hbm>>) dst(%dma_wait3A_148 : memref<16384xf32, #tpu.memory_space<vmem>>)
      %scan3A = arith.constant 0 : i32
      %scan3A_150 = arith.constant 0 : i32
      %scan3A_151 = arith.constant 32 : i32
      %scan3A_152 = arith.addi %scan3A_150, %scan3A_151 : i32
      %scan3A_153 = arith.constant 1 : i32
      scf.for %scan3A_170 = %scan3A_150 to %scan3A_152 step %scan3A_153  : i32 {
        %mul3A_171 = arith.constant 16384 : i32
        %mul3A_172 = arith.muli %rem3A_136, %mul3A_171 : i32
        %mul3A_173 = arith.constant 512 : i32
        %mul3A_174 = arith.muli %scan3A_170, %mul3A_173 : i32
        %add3A_175 = arith.addi %mul3A_172, %mul3A_174 : i32
        %mul3A_176 = arith.constant 32 : i32
        %mul3A_177 = arith.muli %while3A_134, %mul3A_176 : i32
        %add3A_178 = arith.addi %mul3A_177, %scan3A_170 : i32
        %mul3A_179 = arith.constant 32768 : i32
        %mul3A_180 = arith.muli %rem3A_136, %mul3A_179 : i32
        %mul3A_181 = arith.constant 1024 : i32
        %mul3A_182 = arith.muli %scan3A_170, %mul3A_181 : i32
        %add3A_183 = arith.addi %mul3A_180, %mul3A_182 : i32
        %and3A = arith.constant -16 : i32
        %and3A_184 = arith.andi %add3A_178, %and3A : i32
        %and3A_185 = arith.constant 15 : i32
        %and3A_186 = arith.andi %add3A_178, %and3A_185 : i32
        %get3A = arith.index_cast %and3A_184 : i32 to index
        %get3A_187 = tpu.vector_load %arg6[%get3A] {strides = array<i32>} : memref<12560xf32, #tpu.memory_space<vmem>>, vector<16xf32>,
        %get3A_188 = vector.shape_cast %get3A_187 : vector<16xf32> to vector<16xf32>
        %broadcast_in_dim3A = vector.broadcast %and3A_186 : i32 to vector<16x1xi32>
        %gather3A = vector.shape_cast %broadcast_in_dim3A : vector<16x1xi32> to vector<16xi32>
        %gather3A_189 = tpu.dynamic_gather %get3A_188[%gather3A] in [0] : vector<16xf32>, vector<16xi32> -> vector<16xf32>
        %add3A_190 = arith.constant 3136 : i32
        %add3A_191 = arith.addi %add3A_190, %and3A_184 : i32
        %get3A_192 = arith.index_cast %add3A_191 : i32 to index
        %get3A_193 = tpu.vector_load %arg6[%get3A_192] {strides = array<i32>} : memref<12560xf32, #tpu.memory_space<vmem>>, vector<16xf32>,
        %get3A_194 = vector.shape_cast %get3A_193 : vector<16xf32> to vector<16xf32>
        %broadcast_in_dim3A_195 = vector.broadcast %and3A_186 : i32 to vector<16x1xi32>
        %gather3A_196 = vector.shape_cast %broadcast_in_dim3A_195 : vector<16x1xi32> to vector<16xi32>
        %gather3A_197 = tpu.dynamic_gather %get3A_194[%gather3A_196] in [0] : vector<16xf32>, vector<16xi32> -> vector<16xf32>
        %add3A_198 = arith.constant 6272 : i32
        %add3A_199 = arith.addi %add3A_198, %and3A_184 : i32
        %get3A_200 = arith.index_cast %add3A_199 : i32 to index
        %get3A_201 = tpu.vector_load %arg6[%get3A_200] {strides = array<i32>} : memref<12560xf32, #tpu.memory_space<vmem>>, vector<16xf32>,
        %get3A_202 = vector.shape_cast %get3A_201 : vector<16xf32> to vector<16xf32>
        %broadcast_in_dim3A_203 = vector.broadcast %and3A_186 : i32 to vector<16x1xi32>
        %gather3A_204 = vector.shape_cast %broadcast_in_dim3A_203 : vector<16x1xi32> to vector<16xi32>
        %gather3A_205 = tpu.dynamic_gather %get3A_202[%gather3A_204] in [0] : vector<16xf32>, vector<16xi32> -> vector<16xf32>
        %add3A_206 = arith.constant 9408 : i32
        %add3A_207 = arith.addi %add3A_206, %and3A_184 : i32
        %get3A_208 = arith.index_cast %add3A_207 : i32 to index
        %get3A_209 = tpu.vector_load %arg6[%get3A_208] {strides = array<i32>} : memref<12560xf32, #tpu.memory_space<vmem>>, vector<16xf32>,
        %get3A_210 = vector.shape_cast %get3A_209 : vector<16xf32> to vector<16xf32>
        %broadcast_in_dim3A_211 = vector.broadcast %and3A_186 : i32 to vector<16x1xi32>
        %gather3A_212 = vector.shape_cast %broadcast_in_dim3A_211 : vector<16x1xi32> to vector<16xi32>
        %gather3A_213 = tpu.dynamic_gather %get3A_210[%gather3A_212] in [0] : vector<16xf32>, vector<16xi32> -> vector<16xf32>
        %add3A_214 = arith.constant 0 : i32
        %add3A_215 = arith.addi %add3A_175, %add3A_214 : i32
        %get3A_216 = arith.index_cast %add3A_215 : i32 to index
        %get3A_217 = tpu.vector_load %arg5[%get3A_216] {strides = array<i32>} : memref<32768xf32, #tpu.memory_space<vmem>>, vector<16xf32>,
        %get3A_218 = vector.shape_cast %get3A_217 : vector<16xf32> to vector<16xf32>
        %add3A_219 = arith.constant 128 : i32
        %add3A_220 = arith.addi %add3A_175, %add3A_219 : i32
        %add3A_221 = arith.constant 0 : i32
        %add3A_222 = arith.addi %add3A_220, %add3A_221 : i32
        %get3A_223 = arith.index_cast %add3A_222 : i32 to index
        %get3A_224 = tpu.vector_load %arg5[%get3A_223] {strides = array<i32>} : memref<32768xf32, #tpu.memory_space<vmem>>, vector<16xf32>,
        %get3A_225 = vector.shape_cast %get3A_224 : vector<16xf32> to vector<16xf32>
        %add3A_226 = arith.constant 256 : i32
        %add3A_227 = arith.addi %add3A_175, %add3A_226 : i32
        %add3A_228 = arith.constant 0 : i32
        %add3A_229 = arith.addi %add3A_227, %add3A_228 : i32
        %get3A_230 = arith.index_cast %add3A_229 : i32 to index
        %get3A_231 = tpu.vector_load %arg5[%get3A_230] {strides = array<i32>} : memref<32768xf32, #tpu.memory_space<vmem>>, vector<16xf32>,
        %get3A_232 = vector.shape_cast %get3A_231 : vector<16xf32> to vector<16xf32>
        %add3A_233 = arith.constant 384 : i32
        %add3A_234 = arith.addi %add3A_175, %add3A_233 : i32
        %add3A_235 = arith.constant 0 : i32
        %add3A_236 = arith.addi %add3A_234, %add3A_235 : i32
        %get3A_237 = arith.index_cast %add3A_236 : i32 to index
        %get3A_238 = tpu.vector_load %arg5[%get3A_237] {strides = array<i32>} : memref<32768xf32, #tpu.memory_space<vmem>>, vector<16xf32>,
        %get3A_239 = vector.shape_cast %get3A_238 : vector<16xf32> to vector<16xf32>
        %mul3A_240 = arith.mulf %get3A_218, %gather3A_189 : vector<16xf32>
        %add3A_241 = arith.constant 0 : i32
        %add3A_242 = arith.addi %add3A_183, %add3A_241 : i32
        %swap3A = arith.index_cast %add3A_242 : i32 to index
        %swap3A_243 = tpu.vector_load %arg7[%swap3A] {strides = array<i32>} : memref<65536xf32, #tpu.memory_space<vmem>>, vector<16xf32>,
        %swap3A_244 = vector.shape_cast %swap3A_243 : vector<16xf32> to vector<16xf32>
        %swap3A_245 = vector.shape_cast %mul3A_240 : vector<16xf32> to vector<16xf32>
        tpu.vector_store %arg7[%swap3A], %swap3A_245 {strides = array<i32>} : memref<65536xf32, #tpu.memory_space<vmem>>, vector<16xf32>,
        %mul3A_246 = arith.mulf %get3A_218, %gather3A_197 : vector<16xf32>
        %add3A_247 = arith.constant 128 : i32
        %add3A_248 = arith.addi %add3A_183, %add3A_247 : i32
        %add3A_249 = arith.constant 0 : i32
        %add3A_250 = arith.addi %add3A_248, %add3A_249 : i32
        %swap3A_251 = arith.index_cast %add3A_250 : i32 to index
        %swap3A_252 = tpu.vector_load %arg7[%swap3A_251] {strides = array<i32>} : memref<65536xf32, #tpu.memory_space<vmem>>, vector<16xf32>,
        %swap3A_253 = vector.shape_cast %swap3A_252 : vector<16xf32> to vector<16xf32>
        %swap3A_254 = vector.shape_cast %mul3A_246 : vector<16xf32> to vector<16xf32>
        tpu.vector_store %arg7[%swap3A_251], %swap3A_254 {strides = array<i32>} : memref<65536xf32, #tpu.memory_space<vmem>>, vector<16xf32>,
        %mul3A_255 = arith.mulf %get3A_218, %gather3A_205 : vector<16xf32>
        %add3A_256 = arith.constant 256 : i32
        %add3A_257 = arith.addi %add3A_183, %add3A_256 : i32
        %add3A_258 = arith.constant 0 : i32
        %add3A_259 = arith.addi %add3A_257, %add3A_258 : i32
        %swap3A_260 = arith.index_cast %add3A_259 : i32 to index
        %swap3A_261 = tpu.vector_load %arg7[%swap3A_260] {strides = array<i32>} : memref<65536xf32, #tpu.memory_space<vmem>>, vector<16xf32>,
        %swap3A_262 = vector.shape_cast %swap3A_261 : vector<16xf32> to vector<16xf32>
        %swap3A_263 = vector.shape_cast %mul3A_255 : vector<16xf32> to vector<16xf32>
        tpu.vector_store %arg7[%swap3A_260], %swap3A_263 {strides = array<i32>} : memref<65536xf32, #tpu.memory_space<vmem>>, vector<16xf32>,
        %mul3A_264 = arith.mulf %get3A_218, %gather3A_213 : vector<16xf32>
        %add3A_265 = arith.constant 384 : i32
        %add3A_266 = arith.addi %add3A_183, %add3A_265 : i32
        %add3A_267 = arith.constant 0 : i32
        %add3A_268 = arith.addi %add3A_266, %add3A_267 : i32
        %swap3A_269 = arith.index_cast %add3A_268 : i32 to index
        %swap3A_270 = tpu.vector_load %arg7[%swap3A_269] {strides = array<i32>} : memref<65536xf32, #tpu.memory_space<vmem>>, vector<16xf32>,
        %swap3A_271 = vector.shape_cast %swap3A_270 : vector<16xf32> to vector<16xf32>
        %swap3A_272 = vector.shape_cast %mul3A_264 : vector<16xf32> to vector<16xf32>
        tpu.vector_store %arg7[%swap3A_269], %swap3A_272 {strides = array<i32>} : memref<65536xf32, #tpu.memory_space<vmem>>, vector<16xf32>,
        %mul3A_273 = arith.mulf %get3A_225, %gather3A_189 : vector<16xf32>
        %add3A_274 = arith.constant 512 : i32
        %add3A_275 = arith.addi %add3A_183, %add3A_274 : i32
        %add3A_276 = arith.constant 0 : i32
        %add3A_277 = arith.addi %add3A_275, %add3A_276 : i32
        %swap3A_278 = arith.index_cast %add3A_277 : i32 to index
        %swap3A_279 = tpu.vector_load %arg7[%swap3A_278] {strides = array<i32>} : memref<65536xf32, #tpu.memory_space<vmem>>, vector<16xf32>,
        %swap3A_280 = vector.shape_cast %swap3A_279 : vector<16xf32> to vector<16xf32>
        %swap3A_281 = vector.shape_cast %mul3A_273 : vector<16xf32> to vector<16xf32>
        tpu.vector_store %arg7[%swap3A_278], %swap3A_281 {strides = array<i32>} : memref<65536xf32, #tpu.memory_space<vmem>>, vector<16xf32>,
        %mul3A_282 = arith.mulf %get3A_232, %gather3A_189 : vector<16xf32>
        %add3A_283 = arith.constant 640 : i32
        %add3A_284 = arith.addi %add3A_183, %add3A_283 : i32
        %add3A_285 = arith.constant 0 : i32
        %add3A_286 = arith.addi %add3A_284, %add3A_285 : i32
        %swap3A_287 = arith.index_cast %add3A_286 : i32 to index
        %swap3A_288 = tpu.vector_load %arg7[%swap3A_287] {strides = array<i32>} : memref<65536xf32, #tpu.memory_space<vmem>>, vector<16xf32>,
        %swap3A_289 = vector.shape_cast %swap3A_288 : vector<16xf32> to vector<16xf32>
        %swap3A_290 = vector.shape_cast %mul3A_282 : vector<16xf32> to vector<16xf32>
        tpu.vector_store %arg7[%swap3A_287], %swap3A_290 {strides = array<i32>} : memref<65536xf32, #tpu.memory_space<vmem>>, vector<16xf32>,
        %mul3A_291 = arith.mulf %get3A_239, %gather3A_189 : vector<16xf32>
        %add3A_292 = arith.constant 768 : i32
        %add3A_293 = arith.addi %add3A_183, %add3A_292 : i32
        %add3A_294 = arith.constant 0 : i32
        %add3A_295 = arith.addi %add3A_293, %add3A_294 : i32
        %swap3A_296 = arith.index_cast %add3A_295 : i32 to index
        %swap3A_297 = tpu.vector_load %arg7[%swap3A_296] {strides = array<i32>} : memref<65536xf32, #tpu.memory_space<vmem>>, vector<16xf32>,
        %swap3A_298 = vector.shape_cast %swap3A_297 : vector<16xf32> to vector<16xf32>
        %swap3A_299 = vector.shape_cast %mul3A_291 : vector<16xf32> to vector<16xf32>
        tpu.vector_store %arg7[%swap3A_296], %swap3A_299 {strides = array<i32>} : memref<65536xf32, #tpu.memory_space<vmem>>, vector<16xf32>,
        %mul3A_300 = arith.mulf %get3A_225, %gather3A_197 : vector<16xf32>
        %mul3A_301 = arith.mulf %get3A_232, %gather3A_205 : vector<16xf32>
        %add3A_302 = arith.addf %mul3A_300, %mul3A_301 : vector<16xf32>
        %mul3A_303 = arith.mulf %get3A_239, %gather3A_213 : vector<16xf32>
        %add3A_304 = arith.addf %add3A_302, %mul3A_303 : vector<16xf32>
        %mul3A_305 = arith.constant 0.577350259 : f32
        %mul3A_306 = vector.broadcast %mul3A_305 : f32 to vector<16xf32>
        %mul3A_307 = arith.mulf %add3A_304, %mul3A_306 : vector<16xf32>
        %add3A_308 = arith.constant 896 : i32
        %add3A_309 = arith.addi %add3A_183, %add3A_308 : i32
        %add3A_310 = arith.constant 0 : i32
        %add3A_311 = arith.addi %add3A_309, %add3A_310 : i32
        %swap3A_312 = arith.index_cast %add3A_311 : i32 to index
        %swap3A_313 = tpu.vector_load %arg7[%swap3A_312] {strides = array<i32>} : memref<65536xf32, #tpu.memory_space<vmem>>, vector<16xf32>,
        %swap3A_314 = vector.shape_cast %swap3A_313 : vector<16xf32> to vector<16xf32>
        %swap3A_315 = vector.shape_cast %mul3A_307 : vector<16xf32> to vector<16xf32>
        tpu.vector_store %arg7[%swap3A_312], %swap3A_315 {strides = array<i32>} : memref<65536xf32, #tpu.memory_space<vmem>>, vector<16xf32>,
        %add3A_316 = arith.constant 16 : i32
        %add3A_317 = arith.addi %add3A_175, %add3A_316 : i32
        %get3A_318 = arith.index_cast %add3A_317 : i32 to index
        %get3A_319 = tpu.vector_load %arg5[%get3A_318] {strides = array<i32>} : memref<32768xf32, #tpu.memory_space<vmem>>, vector<16xf32>,
        %get3A_320 = vector.shape_cast %get3A_319 : vector<16xf32> to vector<16xf32>
        %add3A_321 = arith.constant 128 : i32
        %add3A_322 = arith.addi %add3A_175, %add3A_321 : i32
        %add3A_323 = arith.constant 16 : i32
        %add3A_324 = arith.addi %add3A_322, %add3A_323 : i32
        %get3A_325 = arith.index_cast %add3A_324 : i32 to index
        %get3A_326 = tpu.vector_load %arg5[%get3A_325] {strides = array<i32>} : memref<32768xf32, #tpu.memory_space<vmem>>, vector<16xf32>,
        %get3A_327 = vector.shape_cast %get3A_326 : vector<16xf32> to vector<16xf32>
        %add3A_328 = arith.constant 256 : i32
        %add3A_329 = arith.addi %add3A_175, %add3A_328 : i32
        %add3A_330 = arith.constant 16 : i32
        %add3A_331 = arith.addi %add3A_329, %add3A_330 : i32
        %get3A_332 = arith.index_cast %add3A_331 : i32 to index
        %get3A_333 = tpu.vector_load %arg5[%get3A_332] {strides = array<i32>} : memref<32768xf32, #tpu.memory_space<vmem>>, vector<16xf32>,
        %get3A_334 = vector.shape_cast %get3A_333 : vector<16xf32> to vector<16xf32>
        %add3A_335 = arith.constant 384 : i32
        %add3A_336 = arith.addi %add3A_175, %add3A_335 : i32
        %add3A_337 = arith.constant 16 : i32
        %add3A_338 = arith.addi %add3A_336, %add3A_337 : i32
        %get3A_339 = arith.index_cast %add3A_338 : i32 to index
        %get3A_340 = tpu.vector_load %arg5[%get3A_339] {strides = array<i32>} : memref<32768xf32, #tpu.memory_space<vmem>>, vector<16xf32>,
        %get3A_341 = vector.shape_cast %get3A_340 : vector<16xf32> to vector<16xf32>
        %mul3A_342 = arith.mulf %get3A_320, %gather3A_189 : vector<16xf32>
        %add3A_343 = arith.constant 16 : i32
        %add3A_344 = arith.addi %add3A_183, %add3A_343 : i32
        %swap3A_345 = arith.index_cast %add3A_344 : i32 to index
        %swap3A_346 = tpu.vector_load %arg7[%swap3A_345] {strides = array<i32>} : memref<65536xf32, #tpu.memory_space<vmem>>, vector<16xf32>,
        %swap3A_347 = vector.shape_cast %swap3A_346 : vector<16xf32> to vector<16xf32>
        %swap3A_348 = vector.shape_cast %mul3A_342 : vector<16xf32> to vector<16xf32>
        tpu.vector_store %arg7[%swap3A_345], %swap3A_348 {strides = array<i32>} : memref<65536xf32, #tpu.memory_space<vmem>>, vector<16xf32>,
        %mul3A_349 = arith.mulf %get3A_320, %gather3A_197 : vector<16xf32>
        %add3A_350 = arith.constant 128 : i32
        %add3A_351 = arith.addi %add3A_183, %add3A_350 : i32
        %add3A_352 = arith.constant 16 : i32
        %add3A_353 = arith.addi %add3A_351, %add3A_352 : i32
        %swap3A_354 = arith.index_cast %add3A_353 : i32 to index
        %swap3A_355 = tpu.vector_load %arg7[%swap3A_354] {strides = array<i32>} : memref<65536xf32, #tpu.memory_space<vmem>>, vector<16xf32>,
        %swap3A_356 = vector.shape_cast %swap3A_355 : vector<16xf32> to vector<16xf32>
        %swap3A_357 = vector.shape_cast %mul3A_349 : vector<16xf32> to vector<16xf32>
        tpu.vector_store %arg7[%swap3A_354], %swap3A_357 {strides = array<i32>} : memref<65536xf32, #tpu.memory_space<vmem>>, vector<16xf32>,
        %mul3A_358 = arith.mulf %get3A_320, %gather3A_205 : vector<16xf32>
        %add3A_359 = arith.constant 256 : i32
        %add3A_360 = arith.addi %add3A_183, %add3A_359 : i32
        %add3A_361 = arith.constant 16 : i32
        %add3A_362 = arith.addi %add3A_360, %add3A_361 : i32
        %swap3A_363 = arith.index_cast %add3A_362 : i32 to index
        %swap3A_364 = tpu.vector_load %arg7[%swap3A_363] {strides = array<i32>} : memref<65536xf32, #tpu.memory_space<vmem>>, vector<16xf32>,
        %swap3A_365 = vector.shape_cast %swap3A_364 : vector<16xf32> to vector<16xf32>
        %swap3A_366 = vector.shape_cast %mul3A_358 : vector<16xf32> to vector<16xf32>
        tpu.vector_store %arg7[%swap3A_363], %swap3A_366 {strides = array<i32>} : memref<65536xf32, #tpu.memory_space<vmem>>, vector<16xf32>,
        %mul3A_367 = arith.mulf %get3A_320, %gather3A_213 : vector<16xf32>
        %add3A_368 = arith.constant 384 : i32
        %add3A_369 = arith.addi %add3A_183, %add3A_368 : i32
        %add3A_370 = arith.constant 16 : i32
        %add3A_371 = arith.addi %add3A_369, %add3A_370 : i32
        %swap3A_372 = arith.index_cast %add3A_371 : i32 to index
        %swap3A_373 = tpu.vector_load %arg7[%swap3A_372] {strides = array<i32>} : memref<65536xf32, #tpu.memory_space<vmem>>, vector<16xf32>,
        %swap3A_374 = vector.shape_cast %swap3A_373 : vector<16xf32> to vector<16xf32>
        %swap3A_375 = vector.shape_cast %mul3A_367 : vector<16xf32> to vector<16xf32>
        tpu.vector_store %arg7[%swap3A_372], %swap3A_375 {strides = array<i32>} : memref<65536xf32, #tpu.memory_space<vmem>>, vector<16xf32>,
        %mul3A_376 = arith.mulf %get3A_327, %gather3A_189 : vector<16xf32>
        %add3A_377 = arith.constant 512 : i32
        %add3A_378 = arith.addi %add3A_183, %add3A_377 : i32
        %add3A_379 = arith.constant 16 : i32
        %add3A_380 = arith.addi %add3A_378, %add3A_379 : i32
        %swap3A_381 = arith.index_cast %add3A_380 : i32 to index
        %swap3A_382 = tpu.vector_load %arg7[%swap3A_381] {strides = array<i32>} : memref<65536xf32, #tpu.memory_space<vmem>>, vector<16xf32>,
        %swap3A_383 = vector.shape_cast %swap3A_382 : vector<16xf32> to vector<16xf32>
        %swap3A_384 = vector.shape_cast %mul3A_376 : vector<16xf32> to vector<16xf32>
        tpu.vector_store %arg7[%swap3A_381], %swap3A_384 {strides = array<i32>} : memref<65536xf32, #tpu.memory_space<vmem>>, vector<16xf32>,
        %mul3A_385 = arith.mulf %get3A_334, %gather3A_189 : vector<16xf32>
        %add3A_386 = arith.constant 640 : i32
        %add3A_387 = arith.addi %add3A_183, %add3A_386 : i32
        %add3A_388 = arith.constant 16 : i32
        %add3A_389 = arith.addi %add3A_387, %add3A_388 : i32
        %swap3A_390 = arith.index_cast %add3A_389 : i32 to index
        %swap3A_391 = tpu.vector_load %arg7[%swap3A_390] {strides = array<i32>} : memref<65536xf32, #tpu.memory_space<vmem>>, vector<16xf32>,
        %swap3A_392 = vector.shape_cast %swap3A_391 : vector<16xf32> to vector<16xf32>
        %swap3A_393 = vector.shape_cast %mul3A_385 : vector<16xf32> to vector<16xf32>
        tpu.vector_store %arg7[%swap3A_390], %swap3A_393 {strides = array<i32>} : memref<65536xf32, #tpu.memory_space<vmem>>, vector<16xf32>,
        %mul3A_394 = arith.mulf %get3A_341, %gather3A_189 : vector<16xf32>
        %add3A_395 = arith.constant 768 : i32
        %add3A_396 = arith.addi %add3A_183, %add3A_395 : i32
        %add3A_397 = arith.constant 16 : i32
        %add3A_398 = arith.addi %add3A_396, %add3A_397 : i32
        %swap3A_399 = arith.index_cast %add3A_398 : i32 to index
        %swap3A_400 = tpu.vector_load %arg7[%swap3A_399] {strides = array<i32>} : memref<65536xf32, #tpu.memory_space<vmem>>, vector<16xf32>,
        %swap3A_401 = vector.shape_cast %swap3A_400 : vector<16xf32> to vector<16xf32>
        %swap3A_402 = vector.shape_cast %mul3A_394 : vector<16xf32> to vector<16xf32>
        tpu.vector_store %arg7[%swap3A_399], %swap3A_402 {strides = array<i32>} : memref<65536xf32, #tpu.memory_space<vmem>>, vector<16xf32>,
        %mul3A_403 = arith.mulf %get3A_327, %gather3A_197 : vector<16xf32>
        %mul3A_404 = arith.mulf %get3A_334, %gather3A_205 : vector<16xf32>
        %add3A_405 = arith.addf %mul3A_403, %mul3A_404 : vector<16xf32>
        %mul3A_406 = arith.mulf %get3A_341, %gather3A_213 : vector<16xf32>
        %add3A_407 = arith.addf %add3A_405, %mul3A_406 : vector<16xf32>
        %mul3A_408 = arith.constant 0.577350259 : f32
        %mul3A_409 = vector.broadcast %mul3A_408 : f32 to vector<16xf32>
        %mul3A_410 = arith.mulf %add3A_407, %mul3A_409 : vector<16xf32>
        %add3A_411 = arith.constant 896 : i32
        %add3A_412 = arith.addi %add3A_183, %add3A_411 : i32
        %add3A_413 = arith.constant 16 : i32
        %add3A_414 = arith.addi %add3A_412, %add3A_413 : i32
        %swap3A_415 = arith.index_cast %add3A_414 : i32 to index
        %swap3A_416 = tpu.vector_load %arg7[%swap3A_415] {strides = array<i32>} : memref<65536xf32, #tpu.memory_space<vmem>>, vector<16xf32>,
        %swap3A_417 = vector.shape_cast %swap3A_416 : vector<16xf32> to vector<16xf32>
        %swap3A_418 = vector.shape_cast %mul3A_410 : vector<16xf32> to vector<16xf32>
        tpu.vector_store %arg7[%swap3A_415], %swap3A_418 {strides = array<i32>} : memref<65536xf32, #tpu.memory_space<vmem>>, vector<16xf32>,
        %add3A_419 = arith.constant 32 : i32
        %add3A_420 = arith.addi %add3A_175, %add3A_419 : i32
        %get3A_421 = arith.index_cast %add3A_420 : i32 to index
        %get3A_422 = tpu.vector_load %arg5[%get3A_421] {strides = array<i32>} : memref<32768xf32, #tpu.memory_space<vmem>>, vector<16xf32>,
        %get3A_423 = vector.shape_cast %get3A_422 : vector<16xf32> to vector<16xf32>
        %add3A_424 = arith.constant 128 : i32
        %add3A_425 = arith.addi %add3A_175, %add3A_424 : i32
        %add3A_426 = arith.constant 32 : i32
        %add3A_427 = arith.addi %add3A_425, %add3A_426 : i32
        %get3A_428 = arith.index_cast %add3A_427 : i32 to index
        %get3A_429 = tpu.vector_load %arg5[%get3A_428] {strides = array<i32>} : memref<32768xf32, #tpu.memory_space<vmem>>, vector<16xf32>,
        %get3A_430 = vector.shape_cast %get3A_429 : vector<16xf32> to vector<16xf32>
        %add3A_431 = arith.constant 256 : i32
        %add3A_432 = arith.addi %add3A_175, %add3A_431 : i32
        %add3A_433 = arith.constant 32 : i32
        %add3A_434 = arith.addi %add3A_432, %add3A_433 : i32
        %get3A_435 = arith.index_cast %add3A_434 : i32 to index
        %get3A_436 = tpu.vector_load %arg5[%get3A_435] {strides = array<i32>} : memref<32768xf32, #tpu.memory_space<vmem>>, vector<16xf32>,
        %get3A_437 = vector.shape_cast %get3A_436 : vector<16xf32> to vector<16xf32>
        %add3A_438 = arith.constant 384 : i32
        %add3A_439 = arith.addi %add3A_175, %add3A_438 : i32
        %add3A_440 = arith.constant 32 : i32
        %add3A_441 = arith.addi %add3A_439, %add3A_440 : i32
        %get3A_442 = arith.index_cast %add3A_441 : i32 to index
        %get3A_443 = tpu.vector_load %arg5[%get3A_442] {strides = array<i32>} : memref<32768xf32, #tpu.memory_space<vmem>>, vector<16xf32>,
        %get3A_444 = vector.shape_cast %get3A_443 : vector<16xf32> to vector<16xf32>
        %mul3A_445 = arith.mulf %get3A_423, %gather3A_189 : vector<16xf32>
        %add3A_446 = arith.constant 32 : i32
        %add3A_447 = arith.addi %add3A_183, %add3A_446 : i32
        %swap3A_448 = arith.index_cast %add3A_447 : i32 to index
        %swap3A_449 = tpu.vector_load %arg7[%swap3A_448] {strides = array<i32>} : memref<65536xf32, #tpu.memory_space<vmem>>, vector<16xf32>,
        %swap3A_450 = vector.shape_cast %swap3A_449 : vector<16xf32> to vector<16xf32>
        %swap3A_451 = vector.shape_cast %mul3A_445 : vector<16xf32> to vector<16xf32>
        tpu.vector_store %arg7[%swap3A_448], %swap3A_451 {strides = array<i32>} : memref<65536xf32, #tpu.memory_space<vmem>>, vector<16xf32>,
        %mul3A_452 = arith.mulf %get3A_423, %gather3A_197 : vector<16xf32>
        %add3A_453 = arith.constant 128 : i32
        %add3A_454 = arith.addi %add3A_183, %add3A_453 : i32
        %add3A_455 = arith.constant 32 : i32
        %add3A_456 = arith.addi %add3A_454, %add3A_455 : i32
        %swap3A_457 = arith.index_cast %add3A_456 : i32 to index
        %swap3A_458 = tpu.vector_load %arg7[%swap3A_457] {strides = array<i32>} : memref<65536xf32, #tpu.memory_space<vmem>>, vector<16xf32>,
        %swap3A_459 = vector.shape_cast %swap3A_458 : vector<16xf32> to vector<16xf32>
        %swap3A_460 = vector.shape_cast %mul3A_452 : vector<16xf32> to vector<16xf32>
        tpu.vector_store %arg7[%swap3A_457], %swap3A_460 {strides = array<i32>} : memref<65536xf32, #tpu.memory_space<vmem>>, vector<16xf32>,
        %mul3A_461 = arith.mulf %get3A_423, %gather3A_205 : vector<16xf32>
        %add3A_462 = arith.constant 256 : i32
        %add3A_463 = arith.addi %add3A_183, %add3A_462 : i32
        %add3A_464 = arith.constant 32 : i32
        %add3A_465 = arith.addi %add3A_463, %add3A_464 : i32
        %swap3A_466 = arith.index_cast %add3A_465 : i32 to index
        %swap3A_467 = tpu.vector_load %arg7[%swap3A_466] {strides = array<i32>} : memref<65536xf32, #tpu.memory_space<vmem>>, vector<16xf32>,
        %swap3A_468 = vector.shape_cast %swap3A_467 : vector<16xf32> to vector<16xf32>
        %swap3A_469 = vector.shape_cast %mul3A_461 : vector<16xf32> to vector<16xf32>
        tpu.vector_store %arg7[%swap3A_466], %swap3A_469 {strides = array<i32>} : memref<65536xf32, #tpu.memory_space<vmem>>, vector<16xf32>,
        %mul3A_470 = arith.mulf %get3A_423, %gather3A_213 : vector<16xf32>
        %add3A_471 = arith.constant 384 : i32
        %add3A_472 = arith.addi %add3A_183, %add3A_471 : i32
        %add3A_473 = arith.constant 32 : i32
        %add3A_474 = arith.addi %add3A_472, %add3A_473 : i32
        %swap3A_475 = arith.index_cast %add3A_474 : i32 to index
        %swap3A_476 = tpu.vector_load %arg7[%swap3A_475] {strides = array<i32>} : memref<65536xf32, #tpu.memory_space<vmem>>, vector<16xf32>,
        %swap3A_477 = vector.shape_cast %swap3A_476 : vector<16xf32> to vector<16xf32>
        %swap3A_478 = vector.shape_cast %mul3A_470 : vector<16xf32> to vector<16xf32>
        tpu.vector_store %arg7[%swap3A_475], %swap3A_478 {strides = array<i32>} : memref<65536xf32, #tpu.memory_space<vmem>>, vector<16xf32>,
        %mul3A_479 = arith.mulf %get3A_430, %gather3A_189 : vector<16xf32>
        %add3A_480 = arith.constant 512 : i32
        %add3A_481 = arith.addi %add3A_183, %add3A_480 : i32
        %add3A_482 = arith.constant 32 : i32
        %add3A_483 = arith.addi %add3A_481, %add3A_482 : i32
        %swap3A_484 = arith.index_cast %add3A_483 : i32 to index
        %swap3A_485 = tpu.vector_load %arg7[%swap3A_484] {strides = array<i32>} : memref<65536xf32, #tpu.memory_space<vmem>>, vector<16xf32>,
        %swap3A_486 = vector.shape_cast %swap3A_485 : vector<16xf32> to vector<16xf32>
        %swap3A_487 = vector.shape_cast %mul3A_479 : vector<16xf32> to vector<16xf32>
        tpu.vector_store %arg7[%swap3A_484], %swap3A_487 {strides = array<i32>} : memref<65536xf32, #tpu.memory_space<vmem>>, vector<16xf32>,
        %mul3A_488 = arith.mulf %get3A_437, %gather3A_189 : vector<16xf32>
        %add3A_489 = arith.constant 640 : i32
        %add3A_490 = arith.addi %add3A_183, %add3A_489 : i32
        %add3A_491 = arith.constant 32 : i32
        %add3A_492 = arith.addi %add3A_490, %add3A_491 : i32
        %swap3A_493 = arith.index_cast %add3A_492 : i32 to index
        %swap3A_494 = tpu.vector_load %arg7[%swap3A_493] {strides = array<i32>} : memref<65536xf32, #tpu.memory_space<vmem>>, vector<16xf32>,
        %swap3A_495 = vector.shape_cast %swap3A_494 : vector<16xf32> to vector<16xf32>
        %swap3A_496 = vector.shape_cast %mul3A_488 : vector<16xf32> to vector<16xf32>
        tpu.vector_store %arg7[%swap3A_493], %swap3A_496 {strides = array<i32>} : memref<65536xf32, #tpu.memory_space<vmem>>, vector<16xf32>,
        %mul3A_497 = arith.mulf %get3A_444, %gather3A_189 : vector<16xf32>
        %add3A_498 = arith.constant 768 : i32
        %add3A_499 = arith.addi %add3A_183, %add3A_498 : i32
        %add3A_500 = arith.constant 32 : i32
        %add3A_501 = arith.addi %add3A_499, %add3A_500 : i32
        %swap3A_502 = arith.index_cast %add3A_501 : i32 to index
        %swap3A_503 = tpu.vector_load %arg7[%swap3A_502] {strides = array<i32>} : memref<65536xf32, #tpu.memory_space<vmem>>, vector<16xf32>,
        %swap3A_504 = vector.shape_cast %swap3A_503 : vector<16xf32> to vector<16xf32>
        %swap3A_505 = vector.shape_cast %mul3A_497 : vector<16xf32> to vector<16xf32>
        tpu.vector_store %arg7[%swap3A_502], %swap3A_505 {strides = array<i32>} : memref<65536xf32, #tpu.memory_space<vmem>>, vector<16xf32>,
        %mul3A_506 = arith.mulf %get3A_430, %gather3A_197 : vector<16xf32>
        %mul3A_507 = arith.mulf %get3A_437, %gather3A_205 : vector<16xf32>
        %add3A_508 = arith.addf %mul3A_506, %mul3A_507 : vector<16xf32>
        %mul3A_509 = arith.mulf %get3A_444, %gather3A_213 : vector<16xf32>
        %add3A_510 = arith.addf %add3A_508, %mul3A_509 : vector<16xf32>
        %mul3A_511 = arith.constant 0.577350259 : f32
        %mul3A_512 = vector.broadcast %mul3A_511 : f32 to vector<16xf32>
        %mul3A_513 = arith.mulf %add3A_510, %mul3A_512 : vector<16xf32>
        %add3A_514 = arith.constant 896 : i32
        %add3A_515 = arith.addi %add3A_183, %add3A_514 : i32
        %add3A_516 = arith.constant 32 : i32
        %add3A_517 = arith.addi %add3A_515, %add3A_516 : i32
        %swap3A_518 = arith.index_cast %add3A_517 : i32 to index
        %swap3A_519 = tpu.vector_load %arg7[%swap3A_518] {strides = array<i32>} : memref<65536xf32, #tpu.memory_space<vmem>>, vector<16xf32>,
        %swap3A_520 = vector.shape_cast %swap3A_519 : vector<16xf32> to vector<16xf32>
        %swap3A_521 = vector.shape_cast %mul3A_513 : vector<16xf32> to vector<16xf32>
        tpu.vector_store %arg7[%swap3A_518], %swap3A_521 {strides = array<i32>} : memref<65536xf32, #tpu.memory_space<vmem>>, vector<16xf32>,
        %add3A_522 = arith.constant 48 : i32
        %add3A_523 = arith.addi %add3A_175, %add3A_522 : i32
        %get3A_524 = arith.index_cast %add3A_523 : i32 to index
        %get3A_525 = tpu.vector_load %arg5[%get3A_524] {strides = array<i32>} : memref<32768xf32, #tpu.memory_space<vmem>>, vector<16xf32>,
        %get3A_526 = vector.shape_cast %get3A_525 : vector<16xf32> to vector<16xf32>
        %add3A_527 = arith.constant 128 : i32
        %add3A_528 = arith.addi %add3A_175, %add3A_527 : i32
        %add3A_529 = arith.constant 48 : i32
        %add3A_530 = arith.addi %add3A_528, %add3A_529 : i32
        %get3A_531 = arith.index_cast %add3A_530 : i32 to index
        %get3A_532 = tpu.vector_load %arg5[%get3A_531] {strides = array<i32>} : memref<32768xf32, #tpu.memory_space<vmem>>, vector<16xf32>,
        %get3A_533 = vector.shape_cast %get3A_532 : vector<16xf32> to vector<16xf32>
        %add3A_534 = arith.constant 256 : i32
        %add3A_535 = arith.addi %add3A_175, %add3A_534 : i32
        %add3A_536 = arith.constant 48 : i32
        %add3A_537 = arith.addi %add3A_535, %add3A_536 : i32
        %get3A_538 = arith.index_cast %add3A_537 : i32 to index
        %get3A_539 = tpu.vector_load %arg5[%get3A_538] {strides = array<i32>} : memref<32768xf32, #tpu.memory_space<vmem>>, vector<16xf32>,
        %get3A_540 = vector.shape_cast %get3A_539 : vector<16xf32> to vector<16xf32>
        %add3A_541 = arith.constant 384 : i32
        %add3A_542 = arith.addi %add3A_175, %add3A_541 : i32
        %add3A_543 = arith.constant 48 : i32
        %add3A_544 = arith.addi %add3A_542, %add3A_543 : i32
        %get3A_545 = arith.index_cast %add3A_544 : i32 to index
        %get3A_546 = tpu.vector_load %arg5[%get3A_545] {strides = array<i32>} : memref<32768xf32, #tpu.memory_space<vmem>>, vector<16xf32>,
        %get3A_547 = vector.shape_cast %get3A_546 : vector<16xf32> to vector<16xf32>
        %mul3A_548 = arith.mulf %get3A_526, %gather3A_189 : vector<16xf32>
        %add3A_549 = arith.constant 48 : i32
        %add3A_550 = arith.addi %add3A_183, %add3A_549 : i32
        %swap3A_551 = arith.index_cast %add3A_550 : i32 to index
        %swap3A_552 = tpu.vector_load %arg7[%swap3A_551] {strides = array<i32>} : memref<65536xf32, #tpu.memory_space<vmem>>, vector<16xf32>,
        %swap3A_553 = vector.shape_cast %swap3A_552 : vector<16xf32> to vector<16xf32>
        %swap3A_554 = vector.shape_cast %mul3A_548 : vector<16xf32> to vector<16xf32>
        tpu.vector_store %arg7[%swap3A_551], %swap3A_554 {strides = array<i32>} : memref<65536xf32, #tpu.memory_space<vmem>>, vector<16xf32>,
        %mul3A_555 = arith.mulf %get3A_526, %gather3A_197 : vector<16xf32>
        %add3A_556 = arith.constant 128 : i32
        %add3A_557 = arith.addi %add3A_183, %add3A_556 : i32
        %add3A_558 = arith.constant 48 : i32
        %add3A_559 = arith.addi %add3A_557, %add3A_558 : i32
        %swap3A_560 = arith.index_cast %add3A_559 : i32 to index
        %swap3A_561 = tpu.vector_load %arg7[%swap3A_560] {strides = array<i32>} : memref<65536xf32, #tpu.memory_space<vmem>>, vector<16xf32>,
        %swap3A_562 = vector.shape_cast %swap3A_561 : vector<16xf32> to vector<16xf32>
        %swap3A_563 = vector.shape_cast %mul3A_555 : vector<16xf32> to vector<16xf32>
        tpu.vector_store %arg7[%swap3A_560], %swap3A_563 {strides = array<i32>} : memref<65536xf32, #tpu.memory_space<vmem>>, vector<16xf32>,
        %mul3A_564 = arith.mulf %get3A_526, %gather3A_205 : vector<16xf32>
        %add3A_565 = arith.constant 256 : i32
        %add3A_566 = arith.addi %add3A_183, %add3A_565 : i32
        %add3A_567 = arith.constant 48 : i32
        %add3A_568 = arith.addi %add3A_566, %add3A_567 : i32
        %swap3A_569 = arith.index_cast %add3A_568 : i32 to index
        %swap3A_570 = tpu.vector_load %arg7[%swap3A_569] {strides = array<i32>} : memref<65536xf32, #tpu.memory_space<vmem>>, vector<16xf32>,
        %swap3A_571 = vector.shape_cast %swap3A_570 : vector<16xf32> to vector<16xf32>
        %swap3A_572 = vector.shape_cast %mul3A_564 : vector<16xf32> to vector<16xf32>
        tpu.vector_store %arg7[%swap3A_569], %swap3A_572 {strides = array<i32>} : memref<65536xf32, #tpu.memory_space<vmem>>, vector<16xf32>,
        %mul3A_573 = arith.mulf %get3A_526, %gather3A_213 : vector<16xf32>
        %add3A_574 = arith.constant 384 : i32
        %add3A_575 = arith.addi %add3A_183, %add3A_574 : i32
        %add3A_576 = arith.constant 48 : i32
        %add3A_577 = arith.addi %add3A_575, %add3A_576 : i32
        %swap3A_578 = arith.index_cast %add3A_577 : i32 to index
        %swap3A_579 = tpu.vector_load %arg7[%swap3A_578] {strides = array<i32>} : memref<65536xf32, #tpu.memory_space<vmem>>, vector<16xf32>,
        %swap3A_580 = vector.shape_cast %swap3A_579 : vector<16xf32> to vector<16xf32>
        %swap3A_581 = vector.shape_cast %mul3A_573 : vector<16xf32> to vector<16xf32>
        tpu.vector_store %arg7[%swap3A_578], %swap3A_581 {strides = array<i32>} : memref<65536xf32, #tpu.memory_space<vmem>>, vector<16xf32>,
        %mul3A_582 = arith.mulf %get3A_533, %gather3A_189 : vector<16xf32>
        %add3A_583 = arith.constant 512 : i32
        %add3A_584 = arith.addi %add3A_183, %add3A_583 : i32
        %add3A_585 = arith.constant 48 : i32
        %add3A_586 = arith.addi %add3A_584, %add3A_585 : i32
        %swap3A_587 = arith.index_cast %add3A_586 : i32 to index
        %swap3A_588 = tpu.vector_load %arg7[%swap3A_587] {strides = array<i32>} : memref<65536xf32, #tpu.memory_space<vmem>>, vector<16xf32>,
        %swap3A_589 = vector.shape_cast %swap3A_588 : vector<16xf32> to vector<16xf32>
        %swap3A_590 = vector.shape_cast %mul3A_582 : vector<16xf32> to vector<16xf32>
        tpu.vector_store %arg7[%swap3A_587], %swap3A_590 {strides = array<i32>} : memref<65536xf32, #tpu.memory_space<vmem>>, vector<16xf32>,
        %mul3A_591 = arith.mulf %get3A_540, %gather3A_189 : vector<16xf32>
        %add3A_592 = arith.constant 640 : i32
        %add3A_593 = arith.addi %add3A_183, %add3A_592 : i32
        %add3A_594 = arith.constant 48 : i32
        %add3A_595 = arith.addi %add3A_593, %add3A_594 : i32
        %swap3A_596 = arith.index_cast %add3A_595 : i32 to index
        %swap3A_597 = tpu.vector_load %arg7[%swap3A_596] {strides = array<i32>} : memref<65536xf32, #tpu.memory_space<vmem>>, vector<16xf32>,
        %swap3A_598 = vector.shape_cast %swap3A_597 : vector<16xf32> to vector<16xf32>
        %swap3A_599 = vector.shape_cast %mul3A_591 : vector<16xf32> to vector<16xf32>
        tpu.vector_store %arg7[%swap3A_596], %swap3A_599 {strides = array<i32>} : memref<65536xf32, #tpu.memory_space<vmem>>, vector<16xf32>,
        %mul3A_600 = arith.mulf %get3A_547, %gather3A_189 : vector<16xf32>
        %add3A_601 = arith.constant 768 : i32
        %add3A_602 = arith.addi %add3A_183, %add3A_601 : i32
        %add3A_603 = arith.constant 48 : i32
        %add3A_604 = arith.addi %add3A_602, %add3A_603 : i32
        %swap3A_605 = arith.index_cast %add3A_604 : i32 to index
        %swap3A_606 = tpu.vector_load %arg7[%swap3A_605] {strides = array<i32>} : memref<65536xf32, #tpu.memory_space<vmem>>, vector<16xf32>,
        %swap3A_607 = vector.shape_cast %swap3A_606 : vector<16xf32> to vector<16xf32>
        %swap3A_608 = vector.shape_cast %mul3A_600 : vector<16xf32> to vector<16xf32>
        tpu.vector_store %arg7[%swap3A_605], %swap3A_608 {strides = array<i32>} : memref<65536xf32, #tpu.memory_space<vmem>>, vector<16xf32>,
        %mul3A_609 = arith.mulf %get3A_533, %gather3A_197 : vector<16xf32>
        %mul3A_610 = arith.mulf %get3A_540, %gather3A_205 : vector<16xf32>
        %add3A_611 = arith.addf %mul3A_609, %mul3A_610 : vector<16xf32>
        %mul3A_612 = arith.mulf %get3A_547, %gather3A_213 : vector<16xf32>
        %add3A_613 = arith.addf %add3A_611, %mul3A_612 : vector<16xf32>
        %mul3A_614 = arith.constant 0.577350259 : f32
        %mul3A_615 = vector.broadcast %mul3A_614 : f32 to vector<16xf32>
        %mul3A_616 = arith.mulf %add3A_613, %mul3A_615 : vector<16xf32>
        %add3A_617 = arith.constant 896 : i32
        %add3A_618 = arith.addi %add3A_183, %add3A_617 : i32
        %add3A_619 = arith.constant 48 : i32
        %add3A_620 = arith.addi %add3A_618, %add3A_619 : i32
        %swap3A_621 = arith.index_cast %add3A_620 : i32 to index
        %swap3A_622 = tpu.vector_load %arg7[%swap3A_621] {strides = array<i32>} : memref<65536xf32, #tpu.memory_space<vmem>>, vector<16xf32>,
        %swap3A_623 = vector.shape_cast %swap3A_622 : vector<16xf32> to vector<16xf32>
        %swap3A_624 = vector.shape_cast %mul3A_616 : vector<16xf32> to vector<16xf32>
        tpu.vector_store %arg7[%swap3A_621], %swap3A_624 {strides = array<i32>} : memref<65536xf32, #tpu.memory_space<vmem>>, vector<16xf32>,
        %add3A_625 = arith.constant 64 : i32
        %add3A_626 = arith.addi %add3A_175, %add3A_625 : i32
        %get3A_627 = arith.index_cast %add3A_626 : i32 to index
        %get3A_628 = tpu.vector_load %arg5[%get3A_627] {strides = array<i32>} : memref<32768xf32, #tpu.memory_space<vmem>>, vector<16xf32>,
        %get3A_629 = vector.shape_cast %get3A_628 : vector<16xf32> to vector<16xf32>
        %add3A_630 = arith.constant 128 : i32
        %add3A_631 = arith.addi %add3A_175, %add3A_630 : i32
        %add3A_632 = arith.constant 64 : i32
        %add3A_633 = arith.addi %add3A_631, %add3A_632 : i32
        %get3A_634 = arith.index_cast %add3A_633 : i32 to index
        %get3A_635 = tpu.vector_load %arg5[%get3A_634] {strides = array<i32>} : memref<32768xf32, #tpu.memory_space<vmem>>, vector<16xf32>,
        %get3A_636 = vector.shape_cast %get3A_635 : vector<16xf32> to vector<16xf32>
        %add3A_637 = arith.constant 256 : i32
        %add3A_638 = arith.addi %add3A_175, %add3A_637 : i32
        %add3A_639 = arith.constant 64 : i32
        %add3A_640 = arith.addi %add3A_638, %add3A_639 : i32
        %get3A_641 = arith.index_cast %add3A_640 : i32 to index
        %get3A_642 = tpu.vector_load %arg5[%get3A_641] {strides = array<i32>} : memref<32768xf32, #tpu.memory_space<vmem>>, vector<16xf32>,
        %get3A_643 = vector.shape_cast %get3A_642 : vector<16xf32> to vector<16xf32>
        %add3A_644 = arith.constant 384 : i32
        %add3A_645 = arith.addi %add3A_175, %add3A_644 : i32
        %add3A_646 = arith.constant 64 : i32
        %add3A_647 = arith.addi %add3A_645, %add3A_646 : i32
        %get3A_648 = arith.index_cast %add3A_647 : i32 to index
        %get3A_649 = tpu.vector_load %arg5[%get3A_648] {strides = array<i32>} : memref<32768xf32, #tpu.memory_space<vmem>>, vector<16xf32>,
        %get3A_650 = vector.shape_cast %get3A_649 : vector<16xf32> to vector<16xf32>
        %mul3A_651 = arith.mulf %get3A_629, %gather3A_189 : vector<16xf32>
        %add3A_652 = arith.constant 64 : i32
        %add3A_653 = arith.addi %add3A_183, %add3A_652 : i32
        %swap3A_654 = arith.index_cast %add3A_653 : i32 to index
        %swap3A_655 = tpu.vector_load %arg7[%swap3A_654] {strides = array<i32>} : memref<65536xf32, #tpu.memory_space<vmem>>, vector<16xf32>,
        %swap3A_656 = vector.shape_cast %swap3A_655 : vector<16xf32> to vector<16xf32>
        %swap3A_657 = vector.shape_cast %mul3A_651 : vector<16xf32> to vector<16xf32>
        tpu.vector_store %arg7[%swap3A_654], %swap3A_657 {strides = array<i32>} : memref<65536xf32, #tpu.memory_space<vmem>>, vector<16xf32>,
        %mul3A_658 = arith.mulf %get3A_629, %gather3A_197 : vector<16xf32>
        %add3A_659 = arith.constant 128 : i32
        %add3A_660 = arith.addi %add3A_183, %add3A_659 : i32
        %add3A_661 = arith.constant 64 : i32
        %add3A_662 = arith.addi %add3A_660, %add3A_661 : i32
        %swap3A_663 = arith.index_cast %add3A_662 : i32 to index
        %swap3A_664 = tpu.vector_load %arg7[%swap3A_663] {strides = array<i32>} : memref<65536xf32, #tpu.memory_space<vmem>>, vector<16xf32>,
        %swap3A_665 = vector.shape_cast %swap3A_664 : vector<16xf32> to vector<16xf32>
        %swap3A_666 = vector.shape_cast %mul3A_658 : vector<16xf32> to vector<16xf32>
        tpu.vector_store %arg7[%swap3A_663], %swap3A_666 {strides = array<i32>} : memref<65536xf32, #tpu.memory_space<vmem>>, vector<16xf32>,
        %mul3A_667 = arith.mulf %get3A_629, %gather3A_205 : vector<16xf32>
        %add3A_668 = arith.constant 256 : i32
        %add3A_669 = arith.addi %add3A_183, %add3A_668 : i32
        %add3A_670 = arith.constant 64 : i32
        %add3A_671 = arith.addi %add3A_669, %add3A_670 : i32
        %swap3A_672 = arith.index_cast %add3A_671 : i32 to index
        %swap3A_673 = tpu.vector_load %arg7[%swap3A_672] {strides = array<i32>} : memref<65536xf32, #tpu.memory_space<vmem>>, vector<16xf32>,
        %swap3A_674 = vector.shape_cast %swap3A_673 : vector<16xf32> to vector<16xf32>
        %swap3A_675 = vector.shape_cast %mul3A_667 : vector<16xf32> to vector<16xf32>
        tpu.vector_store %arg7[%swap3A_672], %swap3A_675 {strides = array<i32>} : memref<65536xf32, #tpu.memory_space<vmem>>, vector<16xf32>,
        %mul3A_676 = arith.mulf %get3A_629, %gather3A_213 : vector<16xf32>
        %add3A_677 = arith.constant 384 : i32
        %add3A_678 = arith.addi %add3A_183, %add3A_677 : i32
        %add3A_679 = arith.constant 64 : i32
        %add3A_680 = arith.addi %add3A_678, %add3A_679 : i32
        %swap3A_681 = arith.index_cast %add3A_680 : i32 to index
        %swap3A_682 = tpu.vector_load %arg7[%swap3A_681] {strides = array<i32>} : memref<65536xf32, #tpu.memory_space<vmem>>, vector<16xf32>,
        %swap3A_683 = vector.shape_cast %swap3A_682 : vector<16xf32> to vector<16xf32>
        %swap3A_684 = vector.shape_cast %mul3A_676 : vector<16xf32> to vector<16xf32>
        tpu.vector_store %arg7[%swap3A_681], %swap3A_684 {strides = array<i32>} : memref<65536xf32, #tpu.memory_space<vmem>>, vector<16xf32>,
        %mul3A_685 = arith.mulf %get3A_636, %gather3A_189 : vector<16xf32>
        %add3A_686 = arith.constant 512 : i32
        %add3A_687 = arith.addi %add3A_183, %add3A_686 : i32
        %add3A_688 = arith.constant 64 : i32
        %add3A_689 = arith.addi %add3A_687, %add3A_688 : i32
        %swap3A_690 = arith.index_cast %add3A_689 : i32 to index
        %swap3A_691 = tpu.vector_load %arg7[%swap3A_690] {strides = array<i32>} : memref<65536xf32, #tpu.memory_space<vmem>>, vector<16xf32>,
        %swap3A_692 = vector.shape_cast %swap3A_691 : vector<16xf32> to vector<16xf32>
        %swap3A_693 = vector.shape_cast %mul3A_685 : vector<16xf32> to vector<16xf32>
        tpu.vector_store %arg7[%swap3A_690], %swap3A_693 {strides = array<i32>} : memref<65536xf32, #tpu.memory_space<vmem>>, vector<16xf32>,
        %mul3A_694 = arith.mulf %get3A_643, %gather3A_189 : vector<16xf32>
        %add3A_695 = arith.constant 640 : i32
        %add3A_696 = arith.addi %add3A_183, %add3A_695 : i32
        %add3A_697 = arith.constant 64 : i32
        %add3A_698 = arith.addi %add3A_696, %add3A_697 : i32
        %swap3A_699 = arith.index_cast %add3A_698 : i32 to index
        %swap3A_700 = tpu.vector_load %arg7[%swap3A_699] {strides = array<i32>} : memref<65536xf32, #tpu.memory_space<vmem>>, vector<16xf32>,
        %swap3A_701 = vector.shape_cast %swap3A_700 : vector<16xf32> to vector<16xf32>
        %swap3A_702 = vector.shape_cast %mul3A_694 : vector<16xf32> to vector<16xf32>
        tpu.vector_store %arg7[%swap3A_699], %swap3A_702 {strides = array<i32>} : memref<65536xf32, #tpu.memory_space<vmem>>, vector<16xf32>,
        %mul3A_703 = arith.mulf %get3A_650, %gather3A_189 : vector<16xf32>
        %add3A_704 = arith.constant 768 : i32
        %add3A_705 = arith.addi %add3A_183, %add3A_704 : i32
        %add3A_706 = arith.constant 64 : i32
        %add3A_707 = arith.addi %add3A_705, %add3A_706 : i32
        %swap3A_708 = arith.index_cast %add3A_707 : i32 to index
        %swap3A_709 = tpu.vector_load %arg7[%swap3A_708] {strides = array<i32>} : memref<65536xf32, #tpu.memory_space<vmem>>, vector<16xf32>,
        %swap3A_710 = vector.shape_cast %swap3A_709 : vector<16xf32> to vector<16xf32>
        %swap3A_711 = vector.shape_cast %mul3A_703 : vector<16xf32> to vector<16xf32>
        tpu.vector_store %arg7[%swap3A_708], %swap3A_711 {strides = array<i32>} : memref<65536xf32, #tpu.memory_space<vmem>>, vector<16xf32>,
        %mul3A_712 = arith.mulf %get3A_636, %gather3A_197 : vector<16xf32>
        %mul3A_713 = arith.mulf %get3A_643, %gather3A_205 : vector<16xf32>
        %add3A_714 = arith.addf %mul3A_712, %mul3A_713 : vector<16xf32>
        %mul3A_715 = arith.mulf %get3A_650, %gather3A_213 : vector<16xf32>
        %add3A_716 = arith.addf %add3A_714, %mul3A_715 : vector<16xf32>
        %mul3A_717 = arith.constant 0.577350259 : f32
        %mul3A_718 = vector.broadcast %mul3A_717 : f32 to vector<16xf32>
        %mul3A_719 = arith.mulf %add3A_716, %mul3A_718 : vector<16xf32>
        %add3A_720 = arith.constant 896 : i32
        %add3A_721 = arith.addi %add3A_183, %add3A_720 : i32
        %add3A_722 = arith.constant 64 : i32
        %add3A_723 = arith.addi %add3A_721, %add3A_722 : i32
        %swap3A_724 = arith.index_cast %add3A_723 : i32 to index
        %swap3A_725 = tpu.vector_load %arg7[%swap3A_724] {strides = array<i32>} : memref<65536xf32, #tpu.memory_space<vmem>>, vector<16xf32>,
        %swap3A_726 = vector.shape_cast %swap3A_725 : vector<16xf32> to vector<16xf32>
        %swap3A_727 = vector.shape_cast %mul3A_719 : vector<16xf32> to vector<16xf32>
        tpu.vector_store %arg7[%swap3A_724], %swap3A_727 {strides = array<i32>} : memref<65536xf32, #tpu.memory_space<vmem>>, vector<16xf32>,
        %add3A_728 = arith.constant 80 : i32
        %add3A_729 = arith.addi %add3A_175, %add3A_728 : i32
        %get3A_730 = arith.index_cast %add3A_729 : i32 to index
        %get3A_731 = tpu.vector_load %arg5[%get3A_730] {strides = array<i32>} : memref<32768xf32, #tpu.memory_space<vmem>>, vector<16xf32>,
        %get3A_732 = vector.shape_cast %get3A_731 : vector<16xf32> to vector<16xf32>
        %add3A_733 = arith.constant 128 : i32
        %add3A_734 = arith.addi %add3A_175, %add3A_733 : i32
        %add3A_735 = arith.constant 80 : i32
        %add3A_736 = arith.addi %add3A_734, %add3A_735 : i32
        %get3A_737 = arith.index_cast %add3A_736 : i32 to index
        %get3A_738 = tpu.vector_load %arg5[%get3A_737] {strides = array<i32>} : memref<32768xf32, #tpu.memory_space<vmem>>, vector<16xf32>,
        %get3A_739 = vector.shape_cast %get3A_738 : vector<16xf32> to vector<16xf32>
        %add3A_740 = arith.constant 256 : i32
        %add3A_741 = arith.addi %add3A_175, %add3A_740 : i32
        %add3A_742 = arith.constant 80 : i32
        %add3A_743 = arith.addi %add3A_741, %add3A_742 : i32
        %get3A_744 = arith.index_cast %add3A_743 : i32 to index
        %get3A_745 = tpu.vector_load %arg5[%get3A_744] {strides = array<i32>} : memref<32768xf32, #tpu.memory_space<vmem>>, vector<16xf32>,
        %get3A_746 = vector.shape_cast %get3A_745 : vector<16xf32> to vector<16xf32>
        %add3A_747 = arith.constant 384 : i32
        %add3A_748 = arith.addi %add3A_175, %add3A_747 : i32
        %add3A_749 = arith.constant 80 : i32
        %add3A_750 = arith.addi %add3A_748, %add3A_749 : i32
        %get3A_751 = arith.index_cast %add3A_750 : i32 to index
        %get3A_752 = tpu.vector_load %arg5[%get3A_751] {strides = array<i32>} : memref<32768xf32, #tpu.memory_space<vmem>>, vector<16xf32>,
        %get3A_753 = vector.shape_cast %get3A_752 : vector<16xf32> to vector<16xf32>
        %mul3A_754 = arith.mulf %get3A_732, %gather3A_189 : vector<16xf32>
        %add3A_755 = arith.constant 80 : i32
        %add3A_756 = arith.addi %add3A_183, %add3A_755 : i32
        %swap3A_757 = arith.index_cast %add3A_756 : i32 to index
        %swap3A_758 = tpu.vector_load %arg7[%swap3A_757] {strides = array<i32>} : memref<65536xf32, #tpu.memory_space<vmem>>, vector<16xf32>,
        %swap3A_759 = vector.shape_cast %swap3A_758 : vector<16xf32> to vector<16xf32>
        %swap3A_760 = vector.shape_cast %mul3A_754 : vector<16xf32> to vector<16xf32>
        tpu.vector_store %arg7[%swap3A_757], %swap3A_760 {strides = array<i32>} : memref<65536xf32, #tpu.memory_space<vmem>>, vector<16xf32>,
        %mul3A_761 = arith.mulf %get3A_732, %gather3A_197 : vector<16xf32>
        %add3A_762 = arith.constant 128 : i32
        %add3A_763 = arith.addi %add3A_183, %add3A_762 : i32
        %add3A_764 = arith.constant 80 : i32
        %add3A_765 = arith.addi %add3A_763, %add3A_764 : i32
        %swap3A_766 = arith.index_cast %add3A_765 : i32 to index
        %swap3A_767 = tpu.vector_load %arg7[%swap3A_766] {strides = array<i32>} : memref<65536xf32, #tpu.memory_space<vmem>>, vector<16xf32>,
        %swap3A_768 = vector.shape_cast %swap3A_767 : vector<16xf32> to vector<16xf32>
        %swap3A_769 = vector.shape_cast %mul3A_761 : vector<16xf32> to vector<16xf32>
        tpu.vector_store %arg7[%swap3A_766], %swap3A_769 {strides = array<i32>} : memref<65536xf32, #tpu.memory_space<vmem>>, vector<16xf32>,
        %mul3A_770 = arith.mulf %get3A_732, %gather3A_205 : vector<16xf32>
        %add3A_771 = arith.constant 256 : i32
        %add3A_772 = arith.addi %add3A_183, %add3A_771 : i32
        %add3A_773 = arith.constant 80 : i32
        %add3A_774 = arith.addi %add3A_772, %add3A_773 : i32
        %swap3A_775 = arith.index_cast %add3A_774 : i32 to index
        %swap3A_776 = tpu.vector_load %arg7[%swap3A_775] {strides = array<i32>} : memref<65536xf32, #tpu.memory_space<vmem>>, vector<16xf32>,
        %swap3A_777 = vector.shape_cast %swap3A_776 : vector<16xf32> to vector<16xf32>
        %swap3A_778 = vector.shape_cast %mul3A_770 : vector<16xf32> to vector<16xf32>
        tpu.vector_store %arg7[%swap3A_775], %swap3A_778 {strides = array<i32>} : memref<65536xf32, #tpu.memory_space<vmem>>, vector<16xf32>,
        %mul3A_779 = arith.mulf %get3A_732, %gather3A_213 : vector<16xf32>
        %add3A_780 = arith.constant 384 : i32
        %add3A_781 = arith.addi %add3A_183, %add3A_780 : i32
        %add3A_782 = arith.constant 80 : i32
        %add3A_783 = arith.addi %add3A_781, %add3A_782 : i32
        %swap3A_784 = arith.index_cast %add3A_783 : i32 to index
        %swap3A_785 = tpu.vector_load %arg7[%swap3A_784] {strides = array<i32>} : memref<65536xf32, #tpu.memory_space<vmem>>, vector<16xf32>,
        %swap3A_786 = vector.shape_cast %swap3A_785 : vector<16xf32> to vector<16xf32>
        %swap3A_787 = vector.shape_cast %mul3A_779 : vector<16xf32> to vector<16xf32>
        tpu.vector_store %arg7[%swap3A_784], %swap3A_787 {strides = array<i32>} : memref<65536xf32, #tpu.memory_space<vmem>>, vector<16xf32>,
        %mul3A_788 = arith.mulf %get3A_739, %gather3A_189 : vector<16xf32>
        %add3A_789 = arith.constant 512 : i32
        %add3A_790 = arith.addi %add3A_183, %add3A_789 : i32
        %add3A_791 = arith.constant 80 : i32
        %add3A_792 = arith.addi %add3A_790, %add3A_791 : i32
        %swap3A_793 = arith.index_cast %add3A_792 : i32 to index
        %swap3A_794 = tpu.vector_load %arg7[%swap3A_793] {strides = array<i32>} : memref<65536xf32, #tpu.memory_space<vmem>>, vector<16xf32>,
        %swap3A_795 = vector.shape_cast %swap3A_794 : vector<16xf32> to vector<16xf32>
        %swap3A_796 = vector.shape_cast %mul3A_788 : vector<16xf32> to vector<16xf32>
        tpu.vector_store %arg7[%swap3A_793], %swap3A_796 {strides = array<i32>} : memref<65536xf32, #tpu.memory_space<vmem>>, vector<16xf32>,
        %mul3A_797 = arith.mulf %get3A_746, %gather3A_189 : vector<16xf32>
        %add3A_798 = arith.constant 640 : i32
        %add3A_799 = arith.addi %add3A_183, %add3A_798 : i32
        %add3A_800 = arith.constant 80 : i32
        %add3A_801 = arith.addi %add3A_799, %add3A_800 : i32
        %swap3A_802 = arith.index_cast %add3A_801 : i32 to index
        %swap3A_803 = tpu.vector_load %arg7[%swap3A_802] {strides = array<i32>} : memref<65536xf32, #tpu.memory_space<vmem>>, vector<16xf32>,
        %swap3A_804 = vector.shape_cast %swap3A_803 : vector<16xf32> to vector<16xf32>
        %swap3A_805 = vector.shape_cast %mul3A_797 : vector<16xf32> to vector<16xf32>
        tpu.vector_store %arg7[%swap3A_802], %swap3A_805 {strides = array<i32>} : memref<65536xf32, #tpu.memory_space<vmem>>, vector<16xf32>,
        %mul3A_806 = arith.mulf %get3A_753, %gather3A_189 : vector<16xf32>
        %add3A_807 = arith.constant 768 : i32
        %add3A_808 = arith.addi %add3A_183, %add3A_807 : i32
        %add3A_809 = arith.constant 80 : i32
        %add3A_810 = arith.addi %add3A_808, %add3A_809 : i32
        %swap3A_811 = arith.index_cast %add3A_810 : i32 to index
        %swap3A_812 = tpu.vector_load %arg7[%swap3A_811] {strides = array<i32>} : memref<65536xf32, #tpu.memory_space<vmem>>, vector<16xf32>,
        %swap3A_813 = vector.shape_cast %swap3A_812 : vector<16xf32> to vector<16xf32>
        %swap3A_814 = vector.shape_cast %mul3A_806 : vector<16xf32> to vector<16xf32>
        tpu.vector_store %arg7[%swap3A_811], %swap3A_814 {strides = array<i32>} : memref<65536xf32, #tpu.memory_space<vmem>>, vector<16xf32>,
        %mul3A_815 = arith.mulf %get3A_739, %gather3A_197 : vector<16xf32>
        %mul3A_816 = arith.mulf %get3A_746, %gather3A_205 : vector<16xf32>
        %add3A_817 = arith.addf %mul3A_815, %mul3A_816 : vector<16xf32>
        %mul3A_818 = arith.mulf %get3A_753, %gather3A_213 : vector<16xf32>
        %add3A_819 = arith.addf %add3A_817, %mul3A_818 : vector<16xf32>
        %mul3A_820 = arith.constant 0.577350259 : f32
        %mul3A_821 = vector.broadcast %mul3A_820 : f32 to vector<16xf32>
        %mul3A_822 = arith.mulf %add3A_819, %mul3A_821 : vector<16xf32>
        %add3A_823 = arith.constant 896 : i32
        %add3A_824 = arith.addi %add3A_183, %add3A_823 : i32
        %add3A_825 = arith.constant 80 : i32
        %add3A_826 = arith.addi %add3A_824, %add3A_825 : i32
        %swap3A_827 = arith.index_cast %add3A_826 : i32 to index
        %swap3A_828 = tpu.vector_load %arg7[%swap3A_827] {strides = array<i32>} : memref<65536xf32, #tpu.memory_space<vmem>>, vector<16xf32>,
        %swap3A_829 = vector.shape_cast %swap3A_828 : vector<16xf32> to vector<16xf32>
        %swap3A_830 = vector.shape_cast %mul3A_822 : vector<16xf32> to vector<16xf32>
        tpu.vector_store %arg7[%swap3A_827], %swap3A_830 {strides = array<i32>} : memref<65536xf32, #tpu.memory_space<vmem>>, vector<16xf32>,
        %add3A_831 = arith.constant 96 : i32
        %add3A_832 = arith.addi %add3A_175, %add3A_831 : i32
        %get3A_833 = arith.index_cast %add3A_832 : i32 to index
        %get3A_834 = tpu.vector_load %arg5[%get3A_833] {strides = array<i32>} : memref<32768xf32, #tpu.memory_space<vmem>>, vector<16xf32>,
        %get3A_835 = vector.shape_cast %get3A_834 : vector<16xf32> to vector<16xf32>
        %add3A_836 = arith.constant 128 : i32
        %add3A_837 = arith.addi %add3A_175, %add3A_836 : i32
        %add3A_838 = arith.constant 96 : i32
        %add3A_839 = arith.addi %add3A_837, %add3A_838 : i32
        %get3A_840 = arith.index_cast %add3A_839 : i32 to index
        %get3A_841 = tpu.vector_load %arg5[%get3A_840] {strides = array<i32>} : memref<32768xf32, #tpu.memory_space<vmem>>, vector<16xf32>,
        %get3A_842 = vector.shape_cast %get3A_841 : vector<16xf32> to vector<16xf32>
        %add3A_843 = arith.constant 256 : i32
        %add3A_844 = arith.addi %add3A_175, %add3A_843 : i32
        %add3A_845 = arith.constant 96 : i32
        %add3A_846 = arith.addi %add3A_844, %add3A_845 : i32
        %get3A_847 = arith.index_cast %add3A_846 : i32 to index
        %get3A_848 = tpu.vector_load %arg5[%get3A_847] {strides = array<i32>} : memref<32768xf32, #tpu.memory_space<vmem>>, vector<16xf32>,
        %get3A_849 = vector.shape_cast %get3A_848 : vector<16xf32> to vector<16xf32>
        %add3A_850 = arith.constant 384 : i32
        %add3A_851 = arith.addi %add3A_175, %add3A_850 : i32
        %add3A_852 = arith.constant 96 : i32
        %add3A_853 = arith.addi %add3A_851, %add3A_852 : i32
        %get3A_854 = arith.index_cast %add3A_853 : i32 to index
        %get3A_855 = tpu.vector_load %arg5[%get3A_854] {strides = array<i32>} : memref<32768xf32, #tpu.memory_space<vmem>>, vector<16xf32>,
        %get3A_856 = vector.shape_cast %get3A_855 : vector<16xf32> to vector<16xf32>
        %mul3A_857 = arith.mulf %get3A_835, %gather3A_189 : vector<16xf32>
        %add3A_858 = arith.constant 96 : i32
        %add3A_859 = arith.addi %add3A_183, %add3A_858 : i32
        %swap3A_860 = arith.index_cast %add3A_859 : i32 to index
        %swap3A_861 = tpu.vector_load %arg7[%swap3A_860] {strides = array<i32>} : memref<65536xf32, #tpu.memory_space<vmem>>, vector<16xf32>,
        %swap3A_862 = vector.shape_cast %swap3A_861 : vector<16xf32> to vector<16xf32>
        %swap3A_863 = vector.shape_cast %mul3A_857 : vector<16xf32> to vector<16xf32>
        tpu.vector_store %arg7[%swap3A_860], %swap3A_863 {strides = array<i32>} : memref<65536xf32, #tpu.memory_space<vmem>>, vector<16xf32>,
        %mul3A_864 = arith.mulf %get3A_835, %gather3A_197 : vector<16xf32>
        %add3A_865 = arith.constant 128 : i32
        %add3A_866 = arith.addi %add3A_183, %add3A_865 : i32
        %add3A_867 = arith.constant 96 : i32
        %add3A_868 = arith.addi %add3A_866, %add3A_867 : i32
        %swap3A_869 = arith.index_cast %add3A_868 : i32 to index
        %swap3A_870 = tpu.vector_load %arg7[%swap3A_869] {strides = array<i32>} : memref<65536xf32, #tpu.memory_space<vmem>>, vector<16xf32>,
        %swap3A_871 = vector.shape_cast %swap3A_870 : vector<16xf32> to vector<16xf32>
        %swap3A_872 = vector.shape_cast %mul3A_864 : vector<16xf32> to vector<16xf32>
        tpu.vector_store %arg7[%swap3A_869], %swap3A_872 {strides = array<i32>} : memref<65536xf32, #tpu.memory_space<vmem>>, vector<16xf32>,
        %mul3A_873 = arith.mulf %get3A_835, %gather3A_205 : vector<16xf32>
        %add3A_874 = arith.constant 256 : i32
        %add3A_875 = arith.addi %add3A_183, %add3A_874 : i32
        %add3A_876 = arith.constant 96 : i32
        %add3A_877 = arith.addi %add3A_875, %add3A_876 : i32
        %swap3A_878 = arith.index_cast %add3A_877 : i32 to index
        %swap3A_879 = tpu.vector_load %arg7[%swap3A_878] {strides = array<i32>} : memref<65536xf32, #tpu.memory_space<vmem>>, vector<16xf32>,
        %swap3A_880 = vector.shape_cast %swap3A_879 : vector<16xf32> to vector<16xf32>
        %swap3A_881 = vector.shape_cast %mul3A_873 : vector<16xf32> to vector<16xf32>
        tpu.vector_store %arg7[%swap3A_878], %swap3A_881 {strides = array<i32>} : memref<65536xf32, #tpu.memory_space<vmem>>, vector<16xf32>,
        %mul3A_882 = arith.mulf %get3A_835, %gather3A_213 : vector<16xf32>
        %add3A_883 = arith.constant 384 : i32
        %add3A_884 = arith.addi %add3A_183, %add3A_883 : i32
        %add3A_885 = arith.constant 96 : i32
        %add3A_886 = arith.addi %add3A_884, %add3A_885 : i32
        %swap3A_887 = arith.index_cast %add3A_886 : i32 to index
        %swap3A_888 = tpu.vector_load %arg7[%swap3A_887] {strides = array<i32>} : memref<65536xf32, #tpu.memory_space<vmem>>, vector<16xf32>,
        %swap3A_889 = vector.shape_cast %swap3A_888 : vector<16xf32> to vector<16xf32>
        %swap3A_890 = vector.shape_cast %mul3A_882 : vector<16xf32> to vector<16xf32>
        tpu.vector_store %arg7[%swap3A_887], %swap3A_890 {strides = array<i32>} : memref<65536xf32, #tpu.memory_space<vmem>>, vector<16xf32>,
        %mul3A_891 = arith.mulf %get3A_842, %gather3A_189 : vector<16xf32>
        %add3A_892 = arith.constant 512 : i32
        %add3A_893 = arith.addi %add3A_183, %add3A_892 : i32
        %add3A_894 = arith.constant 96 : i32
        %add3A_895 = arith.addi %add3A_893, %add3A_894 : i32
        %swap3A_896 = arith.index_cast %add3A_895 : i32 to index
        %swap3A_897 = tpu.vector_load %arg7[%swap3A_896] {strides = array<i32>} : memref<65536xf32, #tpu.memory_space<vmem>>, vector<16xf32>,
        %swap3A_898 = vector.shape_cast %swap3A_897 : vector<16xf32> to vector<16xf32>
        %swap3A_899 = vector.shape_cast %mul3A_891 : vector<16xf32> to vector<16xf32>
        tpu.vector_store %arg7[%swap3A_896], %swap3A_899 {strides = array<i32>} : memref<65536xf32, #tpu.memory_space<vmem>>, vector<16xf32>,
        %mul3A_900 = arith.mulf %get3A_849, %gather3A_189 : vector<16xf32>
        %add3A_901 = arith.constant 640 : i32
        %add3A_902 = arith.addi %add3A_183, %add3A_901 : i32
        %add3A_903 = arith.constant 96 : i32
        %add3A_904 = arith.addi %add3A_902, %add3A_903 : i32
        %swap3A_905 = arith.index_cast %add3A_904 : i32 to index
        %swap3A_906 = tpu.vector_load %arg7[%swap3A_905] {strides = array<i32>} : memref<65536xf32, #tpu.memory_space<vmem>>, vector<16xf32>,
        %swap3A_907 = vector.shape_cast %swap3A_906 : vector<16xf32> to vector<16xf32>
        %swap3A_908 = vector.shape_cast %mul3A_900 : vector<16xf32> to vector<16xf32>
        tpu.vector_store %arg7[%swap3A_905], %swap3A_908 {strides = array<i32>} : memref<65536xf32, #tpu.memory_space<vmem>>, vector<16xf32>,
        %mul3A_909 = arith.mulf %get3A_856, %gather3A_189 : vector<16xf32>
        %add3A_910 = arith.constant 768 : i32
        %add3A_911 = arith.addi %add3A_183, %add3A_910 : i32
        %add3A_912 = arith.constant 96 : i32
        %add3A_913 = arith.addi %add3A_911, %add3A_912 : i32
        %swap3A_914 = arith.index_cast %add3A_913 : i32 to index
        %swap3A_915 = tpu.vector_load %arg7[%swap3A_914] {strides = array<i32>} : memref<65536xf32, #tpu.memory_space<vmem>>, vector<16xf32>,
        %swap3A_916 = vector.shape_cast %swap3A_915 : vector<16xf32> to vector<16xf32>
        %swap3A_917 = vector.shape_cast %mul3A_909 : vector<16xf32> to vector<16xf32>
        tpu.vector_store %arg7[%swap3A_914], %swap3A_917 {strides = array<i32>} : memref<65536xf32, #tpu.memory_space<vmem>>, vector<16xf32>,
        %mul3A_918 = arith.mulf %get3A_842, %gather3A_197 : vector<16xf32>
        %mul3A_919 = arith.mulf %get3A_849, %gather3A_205 : vector<16xf32>
        %add3A_920 = arith.addf %mul3A_918, %mul3A_919 : vector<16xf32>
        %mul3A_921 = arith.mulf %get3A_856, %gather3A_213 : vector<16xf32>
        %add3A_922 = arith.addf %add3A_920, %mul3A_921 : vector<16xf32>
        %mul3A_923 = arith.constant 0.577350259 : f32
        %mul3A_924 = vector.broadcast %mul3A_923 : f32 to vector<16xf32>
        %mul3A_925 = arith.mulf %add3A_922, %mul3A_924 : vector<16xf32>
        %add3A_926 = arith.constant 896 : i32
        %add3A_927 = arith.addi %add3A_183, %add3A_926 : i32
        %add3A_928 = arith.constant 96 : i32
        %add3A_929 = arith.addi %add3A_927, %add3A_928 : i32
        %swap3A_930 = arith.index_cast %add3A_929 : i32 to index
        %swap3A_931 = tpu.vector_load %arg7[%swap3A_930] {strides = array<i32>} : memref<65536xf32, #tpu.memory_space<vmem>>, vector<16xf32>,
        %swap3A_932 = vector.shape_cast %swap3A_931 : vector<16xf32> to vector<16xf32>
        %swap3A_933 = vector.shape_cast %mul3A_925 : vector<16xf32> to vector<16xf32>
        tpu.vector_store %arg7[%swap3A_930], %swap3A_933 {strides = array<i32>} : memref<65536xf32, #tpu.memory_space<vmem>>, vector<16xf32>,
        %add3A_934 = arith.constant 112 : i32
        %add3A_935 = arith.addi %add3A_175, %add3A_934 : i32
        %get3A_936 = arith.index_cast %add3A_935 : i32 to index
        %get3A_937 = tpu.vector_load %arg5[%get3A_936] {strides = array<i32>} : memref<32768xf32, #tpu.memory_space<vmem>>, vector<16xf32>,
        %get3A_938 = vector.shape_cast %get3A_937 : vector<16xf32> to vector<16xf32>
        %add3A_939 = arith.constant 128 : i32
        %add3A_940 = arith.addi %add3A_175, %add3A_939 : i32
        %add3A_941 = arith.constant 112 : i32
        %add3A_942 = arith.addi %add3A_940, %add3A_941 : i32
        %get3A_943 = arith.index_cast %add3A_942 : i32 to index
        %get3A_944 = tpu.vector_load %arg5[%get3A_943] {strides = array<i32>} : memref<32768xf32, #tpu.memory_space<vmem>>, vector<16xf32>,
        %get3A_945 = vector.shape_cast %get3A_944 : vector<16xf32> to vector<16xf32>
        %add3A_946 = arith.constant 256 : i32
        %add3A_947 = arith.addi %add3A_175, %add3A_946 : i32
        %add3A_948 = arith.constant 112 : i32
        %add3A_949 = arith.addi %add3A_947, %add3A_948 : i32
        %get3A_950 = arith.index_cast %add3A_949 : i32 to index
        %get3A_951 = tpu.vector_load %arg5[%get3A_950] {strides = array<i32>} : memref<32768xf32, #tpu.memory_space<vmem>>, vector<16xf32>,
        %get3A_952 = vector.shape_cast %get3A_951 : vector<16xf32> to vector<16xf32>
        %add3A_953 = arith.constant 384 : i32
        %add3A_954 = arith.addi %add3A_175, %add3A_953 : i32
        %add3A_955 = arith.constant 112 : i32
        %add3A_956 = arith.addi %add3A_954, %add3A_955 : i32
        %get3A_957 = arith.index_cast %add3A_956 : i32 to index
        %get3A_958 = tpu.vector_load %arg5[%get3A_957] {strides = array<i32>} : memref<32768xf32, #tpu.memory_space<vmem>>, vector<16xf32>,
        %get3A_959 = vector.shape_cast %get3A_958 : vector<16xf32> to vector<16xf32>
        %mul3A_960 = arith.mulf %get3A_938, %gather3A_189 : vector<16xf32>
        %add3A_961 = arith.constant 112 : i32
        %add3A_962 = arith.addi %add3A_183, %add3A_961 : i32
        %swap3A_963 = arith.index_cast %add3A_962 : i32 to index
        %swap3A_964 = tpu.vector_load %arg7[%swap3A_963] {strides = array<i32>} : memref<65536xf32, #tpu.memory_space<vmem>>, vector<16xf32>,
        %swap3A_965 = vector.shape_cast %swap3A_964 : vector<16xf32> to vector<16xf32>
        %swap3A_966 = vector.shape_cast %mul3A_960 : vector<16xf32> to vector<16xf32>
        tpu.vector_store %arg7[%swap3A_963], %swap3A_966 {strides = array<i32>} : memref<65536xf32, #tpu.memory_space<vmem>>, vector<16xf32>,
        %mul3A_967 = arith.mulf %get3A_938, %gather3A_197 : vector<16xf32>
        %add3A_968 = arith.constant 128 : i32
        %add3A_969 = arith.addi %add3A_183, %add3A_968 : i32
        %add3A_970 = arith.constant 112 : i32
        %add3A_971 = arith.addi %add3A_969, %add3A_970 : i32
        %swap3A_972 = arith.index_cast %add3A_971 : i32 to index
        %swap3A_973 = tpu.vector_load %arg7[%swap3A_972] {strides = array<i32>} : memref<65536xf32, #tpu.memory_space<vmem>>, vector<16xf32>,
        %swap3A_974 = vector.shape_cast %swap3A_973 : vector<16xf32> to vector<16xf32>
        %swap3A_975 = vector.shape_cast %mul3A_967 : vector<16xf32> to vector<16xf32>
        tpu.vector_store %arg7[%swap3A_972], %swap3A_975 {strides = array<i32>} : memref<65536xf32, #tpu.memory_space<vmem>>, vector<16xf32>,
        %mul3A_976 = arith.mulf %get3A_938, %gather3A_205 : vector<16xf32>
        %add3A_977 = arith.constant 256 : i32
        %add3A_978 = arith.addi %add3A_183, %add3A_977 : i32
        %add3A_979 = arith.constant 112 : i32
        %add3A_980 = arith.addi %add3A_978, %add3A_979 : i32
        %swap3A_981 = arith.index_cast %add3A_980 : i32 to index
        %swap3A_982 = tpu.vector_load %arg7[%swap3A_981] {strides = array<i32>} : memref<65536xf32, #tpu.memory_space<vmem>>, vector<16xf32>,
        %swap3A_983 = vector.shape_cast %swap3A_982 : vector<16xf32> to vector<16xf32>
        %swap3A_984 = vector.shape_cast %mul3A_976 : vector<16xf32> to vector<16xf32>
        tpu.vector_store %arg7[%swap3A_981], %swap3A_984 {strides = array<i32>} : memref<65536xf32, #tpu.memory_space<vmem>>, vector<16xf32>,
        %mul3A_985 = arith.mulf %get3A_938, %gather3A_213 : vector<16xf32>
        %add3A_986 = arith.constant 384 : i32
        %add3A_987 = arith.addi %add3A_183, %add3A_986 : i32
        %add3A_988 = arith.constant 112 : i32
        %add3A_989 = arith.addi %add3A_987, %add3A_988 : i32
        %swap3A_990 = arith.index_cast %add3A_989 : i32 to index
        %swap3A_991 = tpu.vector_load %arg7[%swap3A_990] {strides = array<i32>} : memref<65536xf32, #tpu.memory_space<vmem>>, vector<16xf32>,
        %swap3A_992 = vector.shape_cast %swap3A_991 : vector<16xf32> to vector<16xf32>
        %swap3A_993 = vector.shape_cast %mul3A_985 : vector<16xf32> to vector<16xf32>
        tpu.vector_store %arg7[%swap3A_990], %swap3A_993 {strides = array<i32>} : memref<65536xf32, #tpu.memory_space<vmem>>, vector<16xf32>,
        %mul3A_994 = arith.mulf %get3A_945, %gather3A_189 : vector<16xf32>
        %add3A_995 = arith.constant 512 : i32
        %add3A_996 = arith.addi %add3A_183, %add3A_995 : i32
        %add3A_997 = arith.constant 112 : i32
        %add3A_998 = arith.addi %add3A_996, %add3A_997 : i32
        %swap3A_999 = arith.index_cast %add3A_998 : i32 to index
        %swap3A_1000 = tpu.vector_load %arg7[%swap3A_999] {strides = array<i32>} : memref<65536xf32, #tpu.memory_space<vmem>>, vector<16xf32>,
        %swap3A_1001 = vector.shape_cast %swap3A_1000 : vector<16xf32> to vector<16xf32>
        %swap3A_1002 = vector.shape_cast %mul3A_994 : vector<16xf32> to vector<16xf32>
        tpu.vector_store %arg7[%swap3A_999], %swap3A_1002 {strides = array<i32>} : memref<65536xf32, #tpu.memory_space<vmem>>, vector<16xf32>,
        %mul3A_1003 = arith.mulf %get3A_952, %gather3A_189 : vector<16xf32>
        %add3A_1004 = arith.constant 640 : i32
        %add3A_1005 = arith.addi %add3A_183, %add3A_1004 : i32
        %add3A_1006 = arith.constant 112 : i32
        %add3A_1007 = arith.addi %add3A_1005, %add3A_1006 : i32
        %swap3A_1008 = arith.index_cast %add3A_1007 : i32 to index
        %swap3A_1009 = tpu.vector_load %arg7[%swap3A_1008] {strides = array<i32>} : memref<65536xf32, #tpu.memory_space<vmem>>, vector<16xf32>,
        %swap3A_1010 = vector.shape_cast %swap3A_1009 : vector<16xf32> to vector<16xf32>
        %swap3A_1011 = vector.shape_cast %mul3A_1003 : vector<16xf32> to vector<16xf32>
        tpu.vector_store %arg7[%swap3A_1008], %swap3A_1011 {strides = array<i32>} : memref<65536xf32, #tpu.memory_space<vmem>>, vector<16xf32>,
        %mul3A_1012 = arith.mulf %get3A_959, %gather3A_189 : vector<16xf32>
        %add3A_1013 = arith.constant 768 : i32
        %add3A_1014 = arith.addi %add3A_183, %add3A_1013 : i32
        %add3A_1015 = arith.constant 112 : i32
        %add3A_1016 = arith.addi %add3A_1014, %add3A_1015 : i32
        %swap3A_1017 = arith.index_cast %add3A_1016 : i32 to index
        %swap3A_1018 = tpu.vector_load %arg7[%swap3A_1017] {strides = array<i32>} : memref<65536xf32, #tpu.memory_space<vmem>>, vector<16xf32>,
        %swap3A_1019 = vector.shape_cast %swap3A_1018 : vector<16xf32> to vector<16xf32>
        %swap3A_1020 = vector.shape_cast %mul3A_1012 : vector<16xf32> to vector<16xf32>
        tpu.vector_store %arg7[%swap3A_1017], %swap3A_1020 {strides = array<i32>} : memref<65536xf32, #tpu.memory_space<vmem>>, vector<16xf32>,
        %mul3A_1021 = arith.mulf %get3A_945, %gather3A_197 : vector<16xf32>
        %mul3A_1022 = arith.mulf %get3A_952, %gather3A_205 : vector<16xf32>
        %add3A_1023 = arith.addf %mul3A_1021, %mul3A_1022 : vector<16xf32>
        %mul3A_1024 = arith.mulf %get3A_959, %gather3A_213 : vector<16xf32>
        %add3A_1025 = arith.addf %add3A_1023, %mul3A_1024 : vector<16xf32>
        %mul3A_1026 = arith.constant 0.577350259 : f32
        %mul3A_1027 = vector.broadcast %mul3A_1026 : f32 to vector<16xf32>
        %mul3A_1028 = arith.mulf %add3A_1025, %mul3A_1027 : vector<16xf32>
        %add3A_1029 = arith.constant 896 : i32
        %add3A_1030 = arith.addi %add3A_183, %add3A_1029 : i32
        %add3A_1031 = arith.constant 112 : i32
        %add3A_1032 = arith.addi %add3A_1030, %add3A_1031 : i32
        %swap3A_1033 = arith.index_cast %add3A_1032 : i32 to index
        %swap3A_1034 = tpu.vector_load %arg7[%swap3A_1033] {strides = array<i32>} : memref<65536xf32, #tpu.memory_space<vmem>>, vector<16xf32>,
        %swap3A_1035 = vector.shape_cast %swap3A_1034 : vector<16xf32> to vector<16xf32>
        %swap3A_1036 = vector.shape_cast %mul3A_1028 : vector<16xf32> to vector<16xf32>
        tpu.vector_store %arg7[%swap3A_1033], %swap3A_1036 {strides = array<i32>} : memref<65536xf32, #tpu.memory_space<vmem>>, vector<16xf32>,
      }
      %scan3A_154 = arith.constant 32 : i32
      %add3A_155 = arith.addi %add3A_8, %while3A_134 : i32
      %mul3A_156 = arith.constant 32768 : i32
      %mul3A_157 = arith.muli %rem3A_136, %mul3A_156 : i32
      %mul3A_158 = arith.constant 32768 : i32
      %mul3A_159 = arith.muli %add3A_155, %mul3A_158 : i32
      %dma_start3A_160 = tpu.memref_slice %arg7[%mul3A_157] : memref<65536xf32, #tpu.memory_space<vmem>> -> memref<32768xf32, #tpu.memory_space<vmem>>
      %dma_start3A_161 = tpu.memref_slice %arg4[%mul3A_159] : memref<102400000xf32, #tpu.memory_space<hbm>> -> memref<32768xf32, #tpu.memory_space<hbm>>
      %dma_start3A_162 = tpu.memref_slice %arg4[%mul3A_159] : memref<102400000xf32, #tpu.memory_space<hbm>> -> memref<32768xf32, #tpu.memory_space<hbm>>
      %dma_start3A_163 = tpu.memref_slice %arg7[%mul3A_157] : memref<65536xf32, #tpu.memory_space<vmem>> -> memref<32768xf32, #tpu.memory_space<vmem>>
      tpu.enqueue_dma source(%dma_start3A_163 : memref<32768xf32, #tpu.memory_space<vmem>>) target(%dma_start3A_162 : memref<32768xf32, #tpu.memory_space<hbm>>) target_semaphore(%arg10 : memref<!tpu.dma_semaphore, #tpu.memory_space<semaphore_mem>>)
      %add3A_164 = arith.constant 2 : i32
      %add3A_165 = arith.addi %while3A_134, %add3A_164 : i32
      %lt3A_166 = arith.cmpi slt, %add3A_165, %add3A_4 : i32
      %convert_element_type3A_167 = arith.extui %lt3A_166 : i1 to i32
      %cond3A_168 = arith.constant 0 : i32
      %cond3A_169 = arith.cmpi ne, %convert_element_type3A_167, %cond3A_168 : i32
      scf.if %cond3A_169 {
        %add3A_170 = arith.constant 2 : i32
        %add3A_171 = arith.addi %while3A_134, %add3A_170 : i32
        %add3A_172 = arith.addi %add3A_8, %add3A_171 : i32
        %mul3A_173 = arith.constant 16384 : i32
        %mul3A_174 = arith.muli %add3A_172, %mul3A_173 : i32
        %mul3A_175 = arith.constant 16384 : i32
        %mul3A_176 = arith.muli %rem3A_136, %mul3A_175 : i32
        %dma_start3A_177 = tpu.memref_slice %arg5[%mul3A_176] : memref<32768xf32, #tpu.memory_space<vmem>> -> memref<16384xf32, #tpu.memory_space<vmem>>
        %dma_start3A_178 = tpu.memref_slice %arg2[%mul3A_174] : memref<51200000xf32, #tpu.memory_space<hbm>> -> memref<16384xf32, #tpu.memory_space<hbm>>
        %dma_start3A_179 = tpu.memref_slice %arg5[%mul3A_176] : memref<32768xf32, #tpu.memory_space<vmem>> -> memref<16384xf32, #tpu.memory_space<vmem>>
        %dma_start3A_180 = tpu.memref_slice %arg2[%mul3A_174] : memref<51200000xf32, #tpu.memory_space<hbm>> -> memref<16384xf32, #tpu.memory_space<hbm>>
        tpu.enqueue_dma source(%dma_start3A_180 : memref<16384xf32, #tpu.memory_space<hbm>>) target(%dma_start3A_179 : memref<16384xf32, #tpu.memory_space<vmem>>) target_semaphore(%arg8 : memref<!tpu.dma_semaphore, #tpu.memory_space<semaphore_mem>>)
      } else {
      }
    }
    %while3A_105 = arith.constant 1 : i32
    scf.for %while3A_134 = %while3A_103 to %while3A_99 step %while3A_105  : i32 {
      %rem3A_135 = arith.constant 2 : i32
      %rem3A_136 = arith.remsi %while3A_134, %rem3A_135 : i32
      %ge3A = arith.constant 2 : i32
      %ge3A_137 = arith.cmpi sge, %while3A_134, %ge3A : i32
      %convert_element_type3A_138 = arith.extui %ge3A_137 : i1 to i32
      %cond3A_139 = arith.constant 0 : i32
      %cond3A_140 = arith.cmpi ne, %convert_element_type3A_138, %cond3A_139 : i32
      scf.if %cond3A_140 {
        %sub3A_170 = arith.constant 2 : i32
        %sub3A_171 = arith.subi %while3A_134, %sub3A_170 : i32
        %add3A_172 = arith.addi %add3A_8, %sub3A_171 : i32
        %mul3A_173 = arith.constant 32768 : i32
        %mul3A_174 = arith.muli %rem3A_136, %mul3A_173 : i32
        %mul3A_175 = arith.constant 32768 : i32
        %mul3A_176 = arith.muli %add3A_172, %mul3A_175 : i32
        %dma_wait3A_177 = tpu.memref_slice %arg7[%mul3A_174] : memref<65536xf32, #tpu.memory_space<vmem>> -> memref<32768xf32, #tpu.memory_space<vmem>>
        %dma_wait3A_178 = tpu.memref_slice %arg4[%mul3A_176] : memref<102400000xf32, #tpu.memory_space<hbm>> -> memref<32768xf32, #tpu.memory_space<hbm>>
        %dma_wait3A_179 = tpu.memref_slice %arg4[%mul3A_176] : memref<102400000xf32, #tpu.memory_space<hbm>> -> memref<32768xf32, #tpu.memory_space<hbm>>
        %dma_wait3A_180 = tpu.memref_slice %arg7[%mul3A_174] : memref<65536xf32, #tpu.memory_space<vmem>> -> memref<32768xf32, #tpu.memory_space<vmem>>
        tpu.wait_dma2 semaphore(%arg10 : memref<!tpu.dma_semaphore, #tpu.memory_space<semaphore_mem>>) src(%dma_wait3A_180 : memref<32768xf32, #tpu.memory_space<vmem>>) dst(%dma_wait3A_179 : memref<32768xf32, #tpu.memory_space<hbm>>)
      } else {
      }
      %add3A_141 = arith.addi %add3A_8, %while3A_134 : i32
      %mul3A_142 = arith.constant 16384 : i32
      %mul3A_143 = arith.muli %add3A_141, %mul3A_142 : i32
      %mul3A_144 = arith.constant 16384 : i32
      %mul3A_145 = arith.muli %rem3A_136, %mul3A_144 : i32
      %dma_wait3A_146 = tpu.memref_slice %arg5[%mul3A_145] : memref<32768xf32, #tpu.memory_space<vmem>> -> memref<16384xf32, #tpu.memory_space<vmem>>
      %dma_wait3A_147 = tpu.memref_slice %arg2[%mul3A_143] : memref<51200000xf32, #tpu.memory_space<hbm>> -> memref<16384xf32, #tpu.memory_space<hbm>>
      %dma_wait3A_148 = tpu.memref_slice %arg5[%mul3A_145] : memref<32768xf32, #tpu.memory_space<vmem>> -> memref<16384xf32, #tpu.memory_space<vmem>>
      %dma_wait3A_149 = tpu.memref_slice %arg2[%mul3A_143] : memref<51200000xf32, #tpu.memory_space<hbm>> -> memref<16384xf32, #tpu.memory_space<hbm>>
      tpu.wait_dma2 semaphore(%arg8 : memref<!tpu.dma_semaphore, #tpu.memory_space<semaphore_mem>>) src(%dma_wait3A_149 : memref<16384xf32, #tpu.memory_space<hbm>>) dst(%dma_wait3A_148 : memref<16384xf32, #tpu.memory_space<vmem>>)
      %scan3A = arith.constant 0 : i32
      %scan3A_150 = arith.constant 0 : i32
      %scan3A_151 = arith.constant 32 : i32
      %scan3A_152 = arith.addi %scan3A_150, %scan3A_151 : i32
      %scan3A_153 = arith.constant 1 : i32
      scf.for %scan3A_170 = %scan3A_150 to %scan3A_152 step %scan3A_153  : i32 {
        %mul3A_171 = arith.constant 16384 : i32
        %mul3A_172 = arith.muli %rem3A_136, %mul3A_171 : i32
        %mul3A_173 = arith.constant 512 : i32
        %mul3A_174 = arith.muli %scan3A_170, %mul3A_173 : i32
        %add3A_175 = arith.addi %mul3A_172, %mul3A_174 : i32
        %mul3A_176 = arith.constant 32 : i32
        %mul3A_177 = arith.muli %while3A_134, %mul3A_176 : i32
        %add3A_178 = arith.addi %mul3A_177, %scan3A_170 : i32
        %mul3A_179 = arith.constant 32768 : i32
        %mul3A_180 = arith.muli %rem3A_136, %mul3A_179 : i32
        %mul3A_181 = arith.constant 1024 : i32
        %mul3A_182 = arith.muli %scan3A_170, %mul3A_181 : i32
        %add3A_183 = arith.addi %mul3A_180, %mul3A_182 : i32
        %and3A = arith.constant -16 : i32
        %and3A_184 = arith.andi %add3A_178, %and3A : i32
        %and3A_185 = arith.constant 15 : i32
        %and3A_186 = arith.andi %add3A_178, %and3A_185 : i32
        %get3A = arith.index_cast %and3A_184 : i32 to index
        %get3A_187 = tpu.vector_load %arg6[%get3A] {strides = array<i32>} : memref<12560xf32, #tpu.memory_space<vmem>>, vector<16xf32>,
        %get3A_188 = vector.shape_cast %get3A_187 : vector<16xf32> to vector<16xf32>
        %broadcast_in_dim3A = vector.broadcast %and3A_186 : i32 to vector<16x1xi32>
        %gather3A = vector.shape_cast %broadcast_in_dim3A : vector<16x1xi32> to vector<16xi32>
        %gather3A_189 = tpu.dynamic_gather %get3A_188[%gather3A] in [0] : vector<16xf32>, vector<16xi32> -> vector<16xf32>
        %add3A_190 = arith.constant 3136 : i32
        %add3A_191 = arith.addi %add3A_190, %and3A_184 : i32
        %get3A_192 = arith.index_cast %add3A_191 : i32 to index
        %get3A_193 = tpu.vector_load %arg6[%get3A_192] {strides = array<i32>} : memref<12560xf32, #tpu.memory_space<vmem>>, vector<16xf32>,
        %get3A_194 = vector.shape_cast %get3A_193 : vector<16xf32> to vector<16xf32>
        %broadcast_in_dim3A_195 = vector.broadcast %and3A_186 : i32 to vector<16x1xi32>
        %gather3A_196 = vector.shape_cast %broadcast_in_dim3A_195 : vector<16x1xi32> to vector<16xi32>
        %gather3A_197 = tpu.dynamic_gather %get3A_194[%gather3A_196] in [0] : vector<16xf32>, vector<16xi32> -> vector<16xf32>
        %add3A_198 = arith.constant 6272 : i32
        %add3A_199 = arith.addi %add3A_198, %and3A_184 : i32
        %get3A_200 = arith.index_cast %add3A_199 : i32 to index
        %get3A_201 = tpu.vector_load %arg6[%get3A_200] {strides = array<i32>} : memref<12560xf32, #tpu.memory_space<vmem>>, vector<16xf32>,
        %get3A_202 = vector.shape_cast %get3A_201 : vector<16xf32> to vector<16xf32>
        %broadcast_in_dim3A_203 = vector.broadcast %and3A_186 : i32 to vector<16x1xi32>
        %gather3A_204 = vector.shape_cast %broadcast_in_dim3A_203 : vector<16x1xi32> to vector<16xi32>
        %gather3A_205 = tpu.dynamic_gather %get3A_202[%gather3A_204] in [0] : vector<16xf32>, vector<16xi32> -> vector<16xf32>
        %add3A_206 = arith.constant 9408 : i32
        %add3A_207 = arith.addi %add3A_206, %and3A_184 : i32
        %get3A_208 = arith.index_cast %add3A_207 : i32 to index
        %get3A_209 = tpu.vector_load %arg6[%get3A_208] {strides = array<i32>} : memref<12560xf32, #tpu.memory_space<vmem>>, vector<16xf32>,
        %get3A_210 = vector.shape_cast %get3A_209 : vector<16xf32> to vector<16xf32>
        %broadcast_in_dim3A_211 = vector.broadcast %and3A_186 : i32 to vector<16x1xi32>
        %gather3A_212 = vector.shape_cast %broadcast_in_dim3A_211 : vector<16x1xi32> to vector<16xi32>
        %gather3A_213 = tpu.dynamic_gather %get3A_210[%gather3A_212] in [0] : vector<16xf32>, vector<16xi32> -> vector<16xf32>
        %add3A_214 = arith.constant 0 : i32
        %add3A_215 = arith.addi %add3A_175, %add3A_214 : i32
        %get3A_216 = arith.index_cast %add3A_215 : i32 to index
        %get3A_217 = tpu.vector_load %arg5[%get3A_216] {strides = array<i32>} : memref<32768xf32, #tpu.memory_space<vmem>>, vector<16xf32>,
        %get3A_218 = vector.shape_cast %get3A_217 : vector<16xf32> to vector<16xf32>
        %add3A_219 = arith.constant 128 : i32
        %add3A_220 = arith.addi %add3A_175, %add3A_219 : i32
        %add3A_221 = arith.constant 0 : i32
        %add3A_222 = arith.addi %add3A_220, %add3A_221 : i32
        %get3A_223 = arith.index_cast %add3A_222 : i32 to index
        %get3A_224 = tpu.vector_load %arg5[%get3A_223] {strides = array<i32>} : memref<32768xf32, #tpu.memory_space<vmem>>, vector<16xf32>,
        %get3A_225 = vector.shape_cast %get3A_224 : vector<16xf32> to vector<16xf32>
        %add3A_226 = arith.constant 256 : i32
        %add3A_227 = arith.addi %add3A_175, %add3A_226 : i32
        %add3A_228 = arith.constant 0 : i32
        %add3A_229 = arith.addi %add3A_227, %add3A_228 : i32
        %get3A_230 = arith.index_cast %add3A_229 : i32 to index
        %get3A_231 = tpu.vector_load %arg5[%get3A_230] {strides = array<i32>} : memref<32768xf32, #tpu.memory_space<vmem>>, vector<16xf32>,
        %get3A_232 = vector.shape_cast %get3A_231 : vector<16xf32> to vector<16xf32>
        %add3A_233 = arith.constant 384 : i32
        %add3A_234 = arith.addi %add3A_175, %add3A_233 : i32
        %add3A_235 = arith.constant 0 : i32
        %add3A_236 = arith.addi %add3A_234, %add3A_235 : i32
        %get3A_237 = arith.index_cast %add3A_236 : i32 to index
        %get3A_238 = tpu.vector_load %arg5[%get3A_237] {strides = array<i32>} : memref<32768xf32, #tpu.memory_space<vmem>>, vector<16xf32>,
        %get3A_239 = vector.shape_cast %get3A_238 : vector<16xf32> to vector<16xf32>
        %mul3A_240 = arith.mulf %get3A_218, %gather3A_189 : vector<16xf32>
        %add3A_241 = arith.constant 0 : i32
        %add3A_242 = arith.addi %add3A_183, %add3A_241 : i32
        %swap3A = arith.index_cast %add3A_242 : i32 to index
        %swap3A_243 = tpu.vector_load %arg7[%swap3A] {strides = array<i32>} : memref<65536xf32, #tpu.memory_space<vmem>>, vector<16xf32>,
        %swap3A_244 = vector.shape_cast %swap3A_243 : vector<16xf32> to vector<16xf32>
        %swap3A_245 = vector.shape_cast %mul3A_240 : vector<16xf32> to vector<16xf32>
        tpu.vector_store %arg7[%swap3A], %swap3A_245 {strides = array<i32>} : memref<65536xf32, #tpu.memory_space<vmem>>, vector<16xf32>,
        %mul3A_246 = arith.mulf %get3A_218, %gather3A_197 : vector<16xf32>
        %add3A_247 = arith.constant 128 : i32
        %add3A_248 = arith.addi %add3A_183, %add3A_247 : i32
        %add3A_249 = arith.constant 0 : i32
        %add3A_250 = arith.addi %add3A_248, %add3A_249 : i32
        %swap3A_251 = arith.index_cast %add3A_250 : i32 to index
        %swap3A_252 = tpu.vector_load %arg7[%swap3A_251] {strides = array<i32>} : memref<65536xf32, #tpu.memory_space<vmem>>, vector<16xf32>,
        %swap3A_253 = vector.shape_cast %swap3A_252 : vector<16xf32> to vector<16xf32>
        %swap3A_254 = vector.shape_cast %mul3A_246 : vector<16xf32> to vector<16xf32>
        tpu.vector_store %arg7[%swap3A_251], %swap3A_254 {strides = array<i32>} : memref<65536xf32, #tpu.memory_space<vmem>>, vector<16xf32>,
        %mul3A_255 = arith.mulf %get3A_218, %gather3A_205 : vector<16xf32>
        %add3A_256 = arith.constant 256 : i32
        %add3A_257 = arith.addi %add3A_183, %add3A_256 : i32
        %add3A_258 = arith.constant 0 : i32
        %add3A_259 = arith.addi %add3A_257, %add3A_258 : i32
        %swap3A_260 = arith.index_cast %add3A_259 : i32 to index
        %swap3A_261 = tpu.vector_load %arg7[%swap3A_260] {strides = array<i32>} : memref<65536xf32, #tpu.memory_space<vmem>>, vector<16xf32>,
        %swap3A_262 = vector.shape_cast %swap3A_261 : vector<16xf32> to vector<16xf32>
        %swap3A_263 = vector.shape_cast %mul3A_255 : vector<16xf32> to vector<16xf32>
        tpu.vector_store %arg7[%swap3A_260], %swap3A_263 {strides = array<i32>} : memref<65536xf32, #tpu.memory_space<vmem>>, vector<16xf32>,
        %mul3A_264 = arith.mulf %get3A_218, %gather3A_213 : vector<16xf32>
        %add3A_265 = arith.constant 384 : i32
        %add3A_266 = arith.addi %add3A_183, %add3A_265 : i32
        %add3A_267 = arith.constant 0 : i32
        %add3A_268 = arith.addi %add3A_266, %add3A_267 : i32
        %swap3A_269 = arith.index_cast %add3A_268 : i32 to index
        %swap3A_270 = tpu.vector_load %arg7[%swap3A_269] {strides = array<i32>} : memref<65536xf32, #tpu.memory_space<vmem>>, vector<16xf32>,
        %swap3A_271 = vector.shape_cast %swap3A_270 : vector<16xf32> to vector<16xf32>
        %swap3A_272 = vector.shape_cast %mul3A_264 : vector<16xf32> to vector<16xf32>
        tpu.vector_store %arg7[%swap3A_269], %swap3A_272 {strides = array<i32>} : memref<65536xf32, #tpu.memory_space<vmem>>, vector<16xf32>,
        %mul3A_273 = arith.mulf %get3A_225, %gather3A_189 : vector<16xf32>
        %add3A_274 = arith.constant 512 : i32
        %add3A_275 = arith.addi %add3A_183, %add3A_274 : i32
        %add3A_276 = arith.constant 0 : i32
        %add3A_277 = arith.addi %add3A_275, %add3A_276 : i32
        %swap3A_278 = arith.index_cast %add3A_277 : i32 to index
        %swap3A_279 = tpu.vector_load %arg7[%swap3A_278] {strides = array<i32>} : memref<65536xf32, #tpu.memory_space<vmem>>, vector<16xf32>,
        %swap3A_280 = vector.shape_cast %swap3A_279 : vector<16xf32> to vector<16xf32>
        %swap3A_281 = vector.shape_cast %mul3A_273 : vector<16xf32> to vector<16xf32>
        tpu.vector_store %arg7[%swap3A_278], %swap3A_281 {strides = array<i32>} : memref<65536xf32, #tpu.memory_space<vmem>>, vector<16xf32>,
        %mul3A_282 = arith.mulf %get3A_232, %gather3A_189 : vector<16xf32>
        %add3A_283 = arith.constant 640 : i32
        %add3A_284 = arith.addi %add3A_183, %add3A_283 : i32
        %add3A_285 = arith.constant 0 : i32
        %add3A_286 = arith.addi %add3A_284, %add3A_285 : i32
        %swap3A_287 = arith.index_cast %add3A_286 : i32 to index
        %swap3A_288 = tpu.vector_load %arg7[%swap3A_287] {strides = array<i32>} : memref<65536xf32, #tpu.memory_space<vmem>>, vector<16xf32>,
        %swap3A_289 = vector.shape_cast %swap3A_288 : vector<16xf32> to vector<16xf32>
        %swap3A_290 = vector.shape_cast %mul3A_282 : vector<16xf32> to vector<16xf32>
        tpu.vector_store %arg7[%swap3A_287], %swap3A_290 {strides = array<i32>} : memref<65536xf32, #tpu.memory_space<vmem>>, vector<16xf32>,
        %mul3A_291 = arith.mulf %get3A_239, %gather3A_189 : vector<16xf32>
        %add3A_292 = arith.constant 768 : i32
        %add3A_293 = arith.addi %add3A_183, %add3A_292 : i32
        %add3A_294 = arith.constant 0 : i32
        %add3A_295 = arith.addi %add3A_293, %add3A_294 : i32
        %swap3A_296 = arith.index_cast %add3A_295 : i32 to index
        %swap3A_297 = tpu.vector_load %arg7[%swap3A_296] {strides = array<i32>} : memref<65536xf32, #tpu.memory_space<vmem>>, vector<16xf32>,
        %swap3A_298 = vector.shape_cast %swap3A_297 : vector<16xf32> to vector<16xf32>
        %swap3A_299 = vector.shape_cast %mul3A_291 : vector<16xf32> to vector<16xf32>
        tpu.vector_store %arg7[%swap3A_296], %swap3A_299 {strides = array<i32>} : memref<65536xf32, #tpu.memory_space<vmem>>, vector<16xf32>,
        %mul3A_300 = arith.mulf %get3A_225, %gather3A_197 : vector<16xf32>
        %mul3A_301 = arith.mulf %get3A_232, %gather3A_205 : vector<16xf32>
        %add3A_302 = arith.addf %mul3A_300, %mul3A_301 : vector<16xf32>
        %mul3A_303 = arith.mulf %get3A_239, %gather3A_213 : vector<16xf32>
        %add3A_304 = arith.addf %add3A_302, %mul3A_303 : vector<16xf32>
        %mul3A_305 = arith.constant 0.577350259 : f32
        %mul3A_306 = vector.broadcast %mul3A_305 : f32 to vector<16xf32>
        %mul3A_307 = arith.mulf %add3A_304, %mul3A_306 : vector<16xf32>
        %add3A_308 = arith.constant 896 : i32
        %add3A_309 = arith.addi %add3A_183, %add3A_308 : i32
        %add3A_310 = arith.constant 0 : i32
        %add3A_311 = arith.addi %add3A_309, %add3A_310 : i32
        %swap3A_312 = arith.index_cast %add3A_311 : i32 to index
        %swap3A_313 = tpu.vector_load %arg7[%swap3A_312] {strides = array<i32>} : memref<65536xf32, #tpu.memory_space<vmem>>, vector<16xf32>,
        %swap3A_314 = vector.shape_cast %swap3A_313 : vector<16xf32> to vector<16xf32>
        %swap3A_315 = vector.shape_cast %mul3A_307 : vector<16xf32> to vector<16xf32>
        tpu.vector_store %arg7[%swap3A_312], %swap3A_315 {strides = array<i32>} : memref<65536xf32, #tpu.memory_space<vmem>>, vector<16xf32>,
        %add3A_316 = arith.constant 16 : i32
        %add3A_317 = arith.addi %add3A_175, %add3A_316 : i32
        %get3A_318 = arith.index_cast %add3A_317 : i32 to index
        %get3A_319 = tpu.vector_load %arg5[%get3A_318] {strides = array<i32>} : memref<32768xf32, #tpu.memory_space<vmem>>, vector<16xf32>,
        %get3A_320 = vector.shape_cast %get3A_319 : vector<16xf32> to vector<16xf32>
        %add3A_321 = arith.constant 128 : i32
        %add3A_322 = arith.addi %add3A_175, %add3A_321 : i32
        %add3A_323 = arith.constant 16 : i32
        %add3A_324 = arith.addi %add3A_322, %add3A_323 : i32
        %get3A_325 = arith.index_cast %add3A_324 : i32 to index
        %get3A_326 = tpu.vector_load %arg5[%get3A_325] {strides = array<i32>} : memref<32768xf32, #tpu.memory_space<vmem>>, vector<16xf32>,
        %get3A_327 = vector.shape_cast %get3A_326 : vector<16xf32> to vector<16xf32>
        %add3A_328 = arith.constant 256 : i32
        %add3A_329 = arith.addi %add3A_175, %add3A_328 : i32
        %add3A_330 = arith.constant 16 : i32
        %add3A_331 = arith.addi %add3A_329, %add3A_330 : i32
        %get3A_332 = arith.index_cast %add3A_331 : i32 to index
        %get3A_333 = tpu.vector_load %arg5[%get3A_332] {strides = array<i32>} : memref<32768xf32, #tpu.memory_space<vmem>>, vector<16xf32>,
        %get3A_334 = vector.shape_cast %get3A_333 : vector<16xf32> to vector<16xf32>
        %add3A_335 = arith.constant 384 : i32
        %add3A_336 = arith.addi %add3A_175, %add3A_335 : i32
        %add3A_337 = arith.constant 16 : i32
        %add3A_338 = arith.addi %add3A_336, %add3A_337 : i32
        %get3A_339 = arith.index_cast %add3A_338 : i32 to index
        %get3A_340 = tpu.vector_load %arg5[%get3A_339] {strides = array<i32>} : memref<32768xf32, #tpu.memory_space<vmem>>, vector<16xf32>,
        %get3A_341 = vector.shape_cast %get3A_340 : vector<16xf32> to vector<16xf32>
        %mul3A_342 = arith.mulf %get3A_320, %gather3A_189 : vector<16xf32>
        %add3A_343 = arith.constant 16 : i32
        %add3A_344 = arith.addi %add3A_183, %add3A_343 : i32
        %swap3A_345 = arith.index_cast %add3A_344 : i32 to index
        %swap3A_346 = tpu.vector_load %arg7[%swap3A_345] {strides = array<i32>} : memref<65536xf32, #tpu.memory_space<vmem>>, vector<16xf32>,
        %swap3A_347 = vector.shape_cast %swap3A_346 : vector<16xf32> to vector<16xf32>
        %swap3A_348 = vector.shape_cast %mul3A_342 : vector<16xf32> to vector<16xf32>
        tpu.vector_store %arg7[%swap3A_345], %swap3A_348 {strides = array<i32>} : memref<65536xf32, #tpu.memory_space<vmem>>, vector<16xf32>,
        %mul3A_349 = arith.mulf %get3A_320, %gather3A_197 : vector<16xf32>
        %add3A_350 = arith.constant 128 : i32
        %add3A_351 = arith.addi %add3A_183, %add3A_350 : i32
        %add3A_352 = arith.constant 16 : i32
        %add3A_353 = arith.addi %add3A_351, %add3A_352 : i32
        %swap3A_354 = arith.index_cast %add3A_353 : i32 to index
        %swap3A_355 = tpu.vector_load %arg7[%swap3A_354] {strides = array<i32>} : memref<65536xf32, #tpu.memory_space<vmem>>, vector<16xf32>,
        %swap3A_356 = vector.shape_cast %swap3A_355 : vector<16xf32> to vector<16xf32>
        %swap3A_357 = vector.shape_cast %mul3A_349 : vector<16xf32> to vector<16xf32>
        tpu.vector_store %arg7[%swap3A_354], %swap3A_357 {strides = array<i32>} : memref<65536xf32, #tpu.memory_space<vmem>>, vector<16xf32>,
        %mul3A_358 = arith.mulf %get3A_320, %gather3A_205 : vector<16xf32>
        %add3A_359 = arith.constant 256 : i32
        %add3A_360 = arith.addi %add3A_183, %add3A_359 : i32
        %add3A_361 = arith.constant 16 : i32
        %add3A_362 = arith.addi %add3A_360, %add3A_361 : i32
        %swap3A_363 = arith.index_cast %add3A_362 : i32 to index
        %swap3A_364 = tpu.vector_load %arg7[%swap3A_363] {strides = array<i32>} : memref<65536xf32, #tpu.memory_space<vmem>>, vector<16xf32>,
        %swap3A_365 = vector.shape_cast %swap3A_364 : vector<16xf32> to vector<16xf32>
        %swap3A_366 = vector.shape_cast %mul3A_358 : vector<16xf32> to vector<16xf32>
        tpu.vector_store %arg7[%swap3A_363], %swap3A_366 {strides = array<i32>} : memref<65536xf32, #tpu.memory_space<vmem>>, vector<16xf32>,
        %mul3A_367 = arith.mulf %get3A_320, %gather3A_213 : vector<16xf32>
        %add3A_368 = arith.constant 384 : i32
        %add3A_369 = arith.addi %add3A_183, %add3A_368 : i32
        %add3A_370 = arith.constant 16 : i32
        %add3A_371 = arith.addi %add3A_369, %add3A_370 : i32
        %swap3A_372 = arith.index_cast %add3A_371 : i32 to index
        %swap3A_373 = tpu.vector_load %arg7[%swap3A_372] {strides = array<i32>} : memref<65536xf32, #tpu.memory_space<vmem>>, vector<16xf32>,
        %swap3A_374 = vector.shape_cast %swap3A_373 : vector<16xf32> to vector<16xf32>
        %swap3A_375 = vector.shape_cast %mul3A_367 : vector<16xf32> to vector<16xf32>
        tpu.vector_store %arg7[%swap3A_372], %swap3A_375 {strides = array<i32>} : memref<65536xf32, #tpu.memory_space<vmem>>, vector<16xf32>,
        %mul3A_376 = arith.mulf %get3A_327, %gather3A_189 : vector<16xf32>
        %add3A_377 = arith.constant 512 : i32
        %add3A_378 = arith.addi %add3A_183, %add3A_377 : i32
        %add3A_379 = arith.constant 16 : i32
        %add3A_380 = arith.addi %add3A_378, %add3A_379 : i32
        %swap3A_381 = arith.index_cast %add3A_380 : i32 to index
        %swap3A_382 = tpu.vector_load %arg7[%swap3A_381] {strides = array<i32>} : memref<65536xf32, #tpu.memory_space<vmem>>, vector<16xf32>,
        %swap3A_383 = vector.shape_cast %swap3A_382 : vector<16xf32> to vector<16xf32>
        %swap3A_384 = vector.shape_cast %mul3A_376 : vector<16xf32> to vector<16xf32>
        tpu.vector_store %arg7[%swap3A_381], %swap3A_384 {strides = array<i32>} : memref<65536xf32, #tpu.memory_space<vmem>>, vector<16xf32>,
        %mul3A_385 = arith.mulf %get3A_334, %gather3A_189 : vector<16xf32>
        %add3A_386 = arith.constant 640 : i32
        %add3A_387 = arith.addi %add3A_183, %add3A_386 : i32
        %add3A_388 = arith.constant 16 : i32
        %add3A_389 = arith.addi %add3A_387, %add3A_388 : i32
        %swap3A_390 = arith.index_cast %add3A_389 : i32 to index
        %swap3A_391 = tpu.vector_load %arg7[%swap3A_390] {strides = array<i32>} : memref<65536xf32, #tpu.memory_space<vmem>>, vector<16xf32>,
        %swap3A_392 = vector.shape_cast %swap3A_391 : vector<16xf32> to vector<16xf32>
        %swap3A_393 = vector.shape_cast %mul3A_385 : vector<16xf32> to vector<16xf32>
        tpu.vector_store %arg7[%swap3A_390], %swap3A_393 {strides = array<i32>} : memref<65536xf32, #tpu.memory_space<vmem>>, vector<16xf32>,
        %mul3A_394 = arith.mulf %get3A_341, %gather3A_189 : vector<16xf32>
        %add3A_395 = arith.constant 768 : i32
        %add3A_396 = arith.addi %add3A_183, %add3A_395 : i32
        %add3A_397 = arith.constant 16 : i32
        %add3A_398 = arith.addi %add3A_396, %add3A_397 : i32
        %swap3A_399 = arith.index_cast %add3A_398 : i32 to index
        %swap3A_400 = tpu.vector_load %arg7[%swap3A_399] {strides = array<i32>} : memref<65536xf32, #tpu.memory_space<vmem>>, vector<16xf32>,
        %swap3A_401 = vector.shape_cast %swap3A_400 : vector<16xf32> to vector<16xf32>
        %swap3A_402 = vector.shape_cast %mul3A_394 : vector<16xf32> to vector<16xf32>
        tpu.vector_store %arg7[%swap3A_399], %swap3A_402 {strides = array<i32>} : memref<65536xf32, #tpu.memory_space<vmem>>, vector<16xf32>,
        %mul3A_403 = arith.mulf %get3A_327, %gather3A_197 : vector<16xf32>
        %mul3A_404 = arith.mulf %get3A_334, %gather3A_205 : vector<16xf32>
        %add3A_405 = arith.addf %mul3A_403, %mul3A_404 : vector<16xf32>
        %mul3A_406 = arith.mulf %get3A_341, %gather3A_213 : vector<16xf32>
        %add3A_407 = arith.addf %add3A_405, %mul3A_406 : vector<16xf32>
        %mul3A_408 = arith.constant 0.577350259 : f32
        %mul3A_409 = vector.broadcast %mul3A_408 : f32 to vector<16xf32>
        %mul3A_410 = arith.mulf %add3A_407, %mul3A_409 : vector<16xf32>
        %add3A_411 = arith.constant 896 : i32
        %add3A_412 = arith.addi %add3A_183, %add3A_411 : i32
        %add3A_413 = arith.constant 16 : i32
        %add3A_414 = arith.addi %add3A_412, %add3A_413 : i32
        %swap3A_415 = arith.index_cast %add3A_414 : i32 to index
        %swap3A_416 = tpu.vector_load %arg7[%swap3A_415] {strides = array<i32>} : memref<65536xf32, #tpu.memory_space<vmem>>, vector<16xf32>,
        %swap3A_417 = vector.shape_cast %swap3A_416 : vector<16xf32> to vector<16xf32>
        %swap3A_418 = vector.shape_cast %mul3A_410 : vector<16xf32> to vector<16xf32>
        tpu.vector_store %arg7[%swap3A_415], %swap3A_418 {strides = array<i32>} : memref<65536xf32, #tpu.memory_space<vmem>>, vector<16xf32>,
        %add3A_419 = arith.constant 32 : i32
        %add3A_420 = arith.addi %add3A_175, %add3A_419 : i32
        %get3A_421 = arith.index_cast %add3A_420 : i32 to index
        %get3A_422 = tpu.vector_load %arg5[%get3A_421] {strides = array<i32>} : memref<32768xf32, #tpu.memory_space<vmem>>, vector<16xf32>,
        %get3A_423 = vector.shape_cast %get3A_422 : vector<16xf32> to vector<16xf32>
        %add3A_424 = arith.constant 128 : i32
        %add3A_425 = arith.addi %add3A_175, %add3A_424 : i32
        %add3A_426 = arith.constant 32 : i32
        %add3A_427 = arith.addi %add3A_425, %add3A_426 : i32
        %get3A_428 = arith.index_cast %add3A_427 : i32 to index
        %get3A_429 = tpu.vector_load %arg5[%get3A_428] {strides = array<i32>} : memref<32768xf32, #tpu.memory_space<vmem>>, vector<16xf32>,
        %get3A_430 = vector.shape_cast %get3A_429 : vector<16xf32> to vector<16xf32>
        %add3A_431 = arith.constant 256 : i32
        %add3A_432 = arith.addi %add3A_175, %add3A_431 : i32
        %add3A_433 = arith.constant 32 : i32
        %add3A_434 = arith.addi %add3A_432, %add3A_433 : i32
        %get3A_435 = arith.index_cast %add3A_434 : i32 to index
        %get3A_436 = tpu.vector_load %arg5[%get3A_435] {strides = array<i32>} : memref<32768xf32, #tpu.memory_space<vmem>>, vector<16xf32>,
        %get3A_437 = vector.shape_cast %get3A_436 : vector<16xf32> to vector<16xf32>
        %add3A_438 = arith.constant 384 : i32
        %add3A_439 = arith.addi %add3A_175, %add3A_438 : i32
        %add3A_440 = arith.constant 32 : i32
        %add3A_441 = arith.addi %add3A_439, %add3A_440 : i32
        %get3A_442 = arith.index_cast %add3A_441 : i32 to index
        %get3A_443 = tpu.vector_load %arg5[%get3A_442] {strides = array<i32>} : memref<32768xf32, #tpu.memory_space<vmem>>, vector<16xf32>,
        %get3A_444 = vector.shape_cast %get3A_443 : vector<16xf32> to vector<16xf32>
        %mul3A_445 = arith.mulf %get3A_423, %gather3A_189 : vector<16xf32>
        %add3A_446 = arith.constant 32 : i32
        %add3A_447 = arith.addi %add3A_183, %add3A_446 : i32
        %swap3A_448 = arith.index_cast %add3A_447 : i32 to index
        %swap3A_449 = tpu.vector_load %arg7[%swap3A_448] {strides = array<i32>} : memref<65536xf32, #tpu.memory_space<vmem>>, vector<16xf32>,
        %swap3A_450 = vector.shape_cast %swap3A_449 : vector<16xf32> to vector<16xf32>
        %swap3A_451 = vector.shape_cast %mul3A_445 : vector<16xf32> to vector<16xf32>
        tpu.vector_store %arg7[%swap3A_448], %swap3A_451 {strides = array<i32>} : memref<65536xf32, #tpu.memory_space<vmem>>, vector<16xf32>,
        %mul3A_452 = arith.mulf %get3A_423, %gather3A_197 : vector<16xf32>
        %add3A_453 = arith.constant 128 : i32
        %add3A_454 = arith.addi %add3A_183, %add3A_453 : i32
        %add3A_455 = arith.constant 32 : i32
        %add3A_456 = arith.addi %add3A_454, %add3A_455 : i32
        %swap3A_457 = arith.index_cast %add3A_456 : i32 to index
        %swap3A_458 = tpu.vector_load %arg7[%swap3A_457] {strides = array<i32>} : memref<65536xf32, #tpu.memory_space<vmem>>, vector<16xf32>,
        %swap3A_459 = vector.shape_cast %swap3A_458 : vector<16xf32> to vector<16xf32>
        %swap3A_460 = vector.shape_cast %mul3A_452 : vector<16xf32> to vector<16xf32>
        tpu.vector_store %arg7[%swap3A_457], %swap3A_460 {strides = array<i32>} : memref<65536xf32, #tpu.memory_space<vmem>>, vector<16xf32>,
        %mul3A_461 = arith.mulf %get3A_423, %gather3A_205 : vector<16xf32>
        %add3A_462 = arith.constant 256 : i32
        %add3A_463 = arith.addi %add3A_183, %add3A_462 : i32
        %add3A_464 = arith.constant 32 : i32
        %add3A_465 = arith.addi %add3A_463, %add3A_464 : i32
        %swap3A_466 = arith.index_cast %add3A_465 : i32 to index
        %swap3A_467 = tpu.vector_load %arg7[%swap3A_466] {strides = array<i32>} : memref<65536xf32, #tpu.memory_space<vmem>>, vector<16xf32>,
        %swap3A_468 = vector.shape_cast %swap3A_467 : vector<16xf32> to vector<16xf32>
        %swap3A_469 = vector.shape_cast %mul3A_461 : vector<16xf32> to vector<16xf32>
        tpu.vector_store %arg7[%swap3A_466], %swap3A_469 {strides = array<i32>} : memref<65536xf32, #tpu.memory_space<vmem>>, vector<16xf32>,
        %mul3A_470 = arith.mulf %get3A_423, %gather3A_213 : vector<16xf32>
        %add3A_471 = arith.constant 384 : i32
        %add3A_472 = arith.addi %add3A_183, %add3A_471 : i32
        %add3A_473 = arith.constant 32 : i32
        %add3A_474 = arith.addi %add3A_472, %add3A_473 : i32
        %swap3A_475 = arith.index_cast %add3A_474 : i32 to index
        %swap3A_476 = tpu.vector_load %arg7[%swap3A_475] {strides = array<i32>} : memref<65536xf32, #tpu.memory_space<vmem>>, vector<16xf32>,
        %swap3A_477 = vector.shape_cast %swap3A_476 : vector<16xf32> to vector<16xf32>
        %swap3A_478 = vector.shape_cast %mul3A_470 : vector<16xf32> to vector<16xf32>
        tpu.vector_store %arg7[%swap3A_475], %swap3A_478 {strides = array<i32>} : memref<65536xf32, #tpu.memory_space<vmem>>, vector<16xf32>,
        %mul3A_479 = arith.mulf %get3A_430, %gather3A_189 : vector<16xf32>
        %add3A_480 = arith.constant 512 : i32
        %add3A_481 = arith.addi %add3A_183, %add3A_480 : i32
        %add3A_482 = arith.constant 32 : i32
        %add3A_483 = arith.addi %add3A_481, %add3A_482 : i32
        %swap3A_484 = arith.index_cast %add3A_483 : i32 to index
        %swap3A_485 = tpu.vector_load %arg7[%swap3A_484] {strides = array<i32>} : memref<65536xf32, #tpu.memory_space<vmem>>, vector<16xf32>,
        %swap3A_486 = vector.shape_cast %swap3A_485 : vector<16xf32> to vector<16xf32>
        %swap3A_487 = vector.shape_cast %mul3A_479 : vector<16xf32> to vector<16xf32>
        tpu.vector_store %arg7[%swap3A_484], %swap3A_487 {strides = array<i32>} : memref<65536xf32, #tpu.memory_space<vmem>>, vector<16xf32>,
        %mul3A_488 = arith.mulf %get3A_437, %gather3A_189 : vector<16xf32>
        %add3A_489 = arith.constant 640 : i32
        %add3A_490 = arith.addi %add3A_183, %add3A_489 : i32
        %add3A_491 = arith.constant 32 : i32
        %add3A_492 = arith.addi %add3A_490, %add3A_491 : i32
        %swap3A_493 = arith.index_cast %add3A_492 : i32 to index
        %swap3A_494 = tpu.vector_load %arg7[%swap3A_493] {strides = array<i32>} : memref<65536xf32, #tpu.memory_space<vmem>>, vector<16xf32>,
        %swap3A_495 = vector.shape_cast %swap3A_494 : vector<16xf32> to vector<16xf32>
        %swap3A_496 = vector.shape_cast %mul3A_488 : vector<16xf32> to vector<16xf32>
        tpu.vector_store %arg7[%swap3A_493], %swap3A_496 {strides = array<i32>} : memref<65536xf32, #tpu.memory_space<vmem>>, vector<16xf32>,
        %mul3A_497 = arith.mulf %get3A_444, %gather3A_189 : vector<16xf32>
        %add3A_498 = arith.constant 768 : i32
        %add3A_499 = arith.addi %add3A_183, %add3A_498 : i32
        %add3A_500 = arith.constant 32 : i32
        %add3A_501 = arith.addi %add3A_499, %add3A_500 : i32
        %swap3A_502 = arith.index_cast %add3A_501 : i32 to index
        %swap3A_503 = tpu.vector_load %arg7[%swap3A_502] {strides = array<i32>} : memref<65536xf32, #tpu.memory_space<vmem>>, vector<16xf32>,
        %swap3A_504 = vector.shape_cast %swap3A_503 : vector<16xf32> to vector<16xf32>
        %swap3A_505 = vector.shape_cast %mul3A_497 : vector<16xf32> to vector<16xf32>
        tpu.vector_store %arg7[%swap3A_502], %swap3A_505 {strides = array<i32>} : memref<65536xf32, #tpu.memory_space<vmem>>, vector<16xf32>,
        %mul3A_506 = arith.mulf %get3A_430, %gather3A_197 : vector<16xf32>
        %mul3A_507 = arith.mulf %get3A_437, %gather3A_205 : vector<16xf32>
        %add3A_508 = arith.addf %mul3A_506, %mul3A_507 : vector<16xf32>
        %mul3A_509 = arith.mulf %get3A_444, %gather3A_213 : vector<16xf32>
        %add3A_510 = arith.addf %add3A_508, %mul3A_509 : vector<16xf32>
        %mul3A_511 = arith.constant 0.577350259 : f32
        %mul3A_512 = vector.broadcast %mul3A_511 : f32 to vector<16xf32>
        %mul3A_513 = arith.mulf %add3A_510, %mul3A_512 : vector<16xf32>
        %add3A_514 = arith.constant 896 : i32
        %add3A_515 = arith.addi %add3A_183, %add3A_514 : i32
        %add3A_516 = arith.constant 32 : i32
        %add3A_517 = arith.addi %add3A_515, %add3A_516 : i32
        %swap3A_518 = arith.index_cast %add3A_517 : i32 to index
        %swap3A_519 = tpu.vector_load %arg7[%swap3A_518] {strides = array<i32>} : memref<65536xf32, #tpu.memory_space<vmem>>, vector<16xf32>,
        %swap3A_520 = vector.shape_cast %swap3A_519 : vector<16xf32> to vector<16xf32>
        %swap3A_521 = vector.shape_cast %mul3A_513 : vector<16xf32> to vector<16xf32>
        tpu.vector_store %arg7[%swap3A_518], %swap3A_521 {strides = array<i32>} : memref<65536xf32, #tpu.memory_space<vmem>>, vector<16xf32>,
        %add3A_522 = arith.constant 48 : i32
        %add3A_523 = arith.addi %add3A_175, %add3A_522 : i32
        %get3A_524 = arith.index_cast %add3A_523 : i32 to index
        %get3A_525 = tpu.vector_load %arg5[%get3A_524] {strides = array<i32>} : memref<32768xf32, #tpu.memory_space<vmem>>, vector<16xf32>,
        %get3A_526 = vector.shape_cast %get3A_525 : vector<16xf32> to vector<16xf32>
        %add3A_527 = arith.constant 128 : i32
        %add3A_528 = arith.addi %add3A_175, %add3A_527 : i32
        %add3A_529 = arith.constant 48 : i32
        %add3A_530 = arith.addi %add3A_528, %add3A_529 : i32
        %get3A_531 = arith.index_cast %add3A_530 : i32 to index
        %get3A_532 = tpu.vector_load %arg5[%get3A_531] {strides = array<i32>} : memref<32768xf32, #tpu.memory_space<vmem>>, vector<16xf32>,
        %get3A_533 = vector.shape_cast %get3A_532 : vector<16xf32> to vector<16xf32>
        %add3A_534 = arith.constant 256 : i32
        %add3A_535 = arith.addi %add3A_175, %add3A_534 : i32
        %add3A_536 = arith.constant 48 : i32
        %add3A_537 = arith.addi %add3A_535, %add3A_536 : i32
        %get3A_538 = arith.index_cast %add3A_537 : i32 to index
        %get3A_539 = tpu.vector_load %arg5[%get3A_538] {strides = array<i32>} : memref<32768xf32, #tpu.memory_space<vmem>>, vector<16xf32>,
        %get3A_540 = vector.shape_cast %get3A_539 : vector<16xf32> to vector<16xf32>
        %add3A_541 = arith.constant 384 : i32
        %add3A_542 = arith.addi %add3A_175, %add3A_541 : i32
        %add3A_543 = arith.constant 48 : i32
        %add3A_544 = arith.addi %add3A_542, %add3A_543 : i32
        %get3A_545 = arith.index_cast %add3A_544 : i32 to index
        %get3A_546 = tpu.vector_load %arg5[%get3A_545] {strides = array<i32>} : memref<32768xf32, #tpu.memory_space<vmem>>, vector<16xf32>,
        %get3A_547 = vector.shape_cast %get3A_546 : vector<16xf32> to vector<16xf32>
        %mul3A_548 = arith.mulf %get3A_526, %gather3A_189 : vector<16xf32>
        %add3A_549 = arith.constant 48 : i32
        %add3A_550 = arith.addi %add3A_183, %add3A_549 : i32
        %swap3A_551 = arith.index_cast %add3A_550 : i32 to index
        %swap3A_552 = tpu.vector_load %arg7[%swap3A_551] {strides = array<i32>} : memref<65536xf32, #tpu.memory_space<vmem>>, vector<16xf32>,
        %swap3A_553 = vector.shape_cast %swap3A_552 : vector<16xf32> to vector<16xf32>
        %swap3A_554 = vector.shape_cast %mul3A_548 : vector<16xf32> to vector<16xf32>
        tpu.vector_store %arg7[%swap3A_551], %swap3A_554 {strides = array<i32>} : memref<65536xf32, #tpu.memory_space<vmem>>, vector<16xf32>,
        %mul3A_555 = arith.mulf %get3A_526, %gather3A_197 : vector<16xf32>
        %add3A_556 = arith.constant 128 : i32
        %add3A_557 = arith.addi %add3A_183, %add3A_556 : i32
        %add3A_558 = arith.constant 48 : i32
        %add3A_559 = arith.addi %add3A_557, %add3A_558 : i32
        %swap3A_560 = arith.index_cast %add3A_559 : i32 to index
        %swap3A_561 = tpu.vector_load %arg7[%swap3A_560] {strides = array<i32>} : memref<65536xf32, #tpu.memory_space<vmem>>, vector<16xf32>,
        %swap3A_562 = vector.shape_cast %swap3A_561 : vector<16xf32> to vector<16xf32>
        %swap3A_563 = vector.shape_cast %mul3A_555 : vector<16xf32> to vector<16xf32>
        tpu.vector_store %arg7[%swap3A_560], %swap3A_563 {strides = array<i32>} : memref<65536xf32, #tpu.memory_space<vmem>>, vector<16xf32>,
        %mul3A_564 = arith.mulf %get3A_526, %gather3A_205 : vector<16xf32>
        %add3A_565 = arith.constant 256 : i32
        %add3A_566 = arith.addi %add3A_183, %add3A_565 : i32
        %add3A_567 = arith.constant 48 : i32
        %add3A_568 = arith.addi %add3A_566, %add3A_567 : i32
        %swap3A_569 = arith.index_cast %add3A_568 : i32 to index
        %swap3A_570 = tpu.vector_load %arg7[%swap3A_569] {strides = array<i32>} : memref<65536xf32, #tpu.memory_space<vmem>>, vector<16xf32>,
        %swap3A_571 = vector.shape_cast %swap3A_570 : vector<16xf32> to vector<16xf32>
        %swap3A_572 = vector.shape_cast %mul3A_564 : vector<16xf32> to vector<16xf32>
        tpu.vector_store %arg7[%swap3A_569], %swap3A_572 {strides = array<i32>} : memref<65536xf32, #tpu.memory_space<vmem>>, vector<16xf32>,
        %mul3A_573 = arith.mulf %get3A_526, %gather3A_213 : vector<16xf32>
        %add3A_574 = arith.constant 384 : i32
        %add3A_575 = arith.addi %add3A_183, %add3A_574 : i32
        %add3A_576 = arith.constant 48 : i32
        %add3A_577 = arith.addi %add3A_575, %add3A_576 : i32
        %swap3A_578 = arith.index_cast %add3A_577 : i32 to index
        %swap3A_579 = tpu.vector_load %arg7[%swap3A_578] {strides = array<i32>} : memref<65536xf32, #tpu.memory_space<vmem>>, vector<16xf32>,
        %swap3A_580 = vector.shape_cast %swap3A_579 : vector<16xf32> to vector<16xf32>
        %swap3A_581 = vector.shape_cast %mul3A_573 : vector<16xf32> to vector<16xf32>
        tpu.vector_store %arg7[%swap3A_578], %swap3A_581 {strides = array<i32>} : memref<65536xf32, #tpu.memory_space<vmem>>, vector<16xf32>,
        %mul3A_582 = arith.mulf %get3A_533, %gather3A_189 : vector<16xf32>
        %add3A_583 = arith.constant 512 : i32
        %add3A_584 = arith.addi %add3A_183, %add3A_583 : i32
        %add3A_585 = arith.constant 48 : i32
        %add3A_586 = arith.addi %add3A_584, %add3A_585 : i32
        %swap3A_587 = arith.index_cast %add3A_586 : i32 to index
        %swap3A_588 = tpu.vector_load %arg7[%swap3A_587] {strides = array<i32>} : memref<65536xf32, #tpu.memory_space<vmem>>, vector<16xf32>,
        %swap3A_589 = vector.shape_cast %swap3A_588 : vector<16xf32> to vector<16xf32>
        %swap3A_590 = vector.shape_cast %mul3A_582 : vector<16xf32> to vector<16xf32>
        tpu.vector_store %arg7[%swap3A_587], %swap3A_590 {strides = array<i32>} : memref<65536xf32, #tpu.memory_space<vmem>>, vector<16xf32>,
        %mul3A_591 = arith.mulf %get3A_540, %gather3A_189 : vector<16xf32>
        %add3A_592 = arith.constant 640 : i32
        %add3A_593 = arith.addi %add3A_183, %add3A_592 : i32
        %add3A_594 = arith.constant 48 : i32
        %add3A_595 = arith.addi %add3A_593, %add3A_594 : i32
        %swap3A_596 = arith.index_cast %add3A_595 : i32 to index
        %swap3A_597 = tpu.vector_load %arg7[%swap3A_596] {strides = array<i32>} : memref<65536xf32, #tpu.memory_space<vmem>>, vector<16xf32>,
        %swap3A_598 = vector.shape_cast %swap3A_597 : vector<16xf32> to vector<16xf32>
        %swap3A_599 = vector.shape_cast %mul3A_591 : vector<16xf32> to vector<16xf32>
        tpu.vector_store %arg7[%swap3A_596], %swap3A_599 {strides = array<i32>} : memref<65536xf32, #tpu.memory_space<vmem>>, vector<16xf32>,
        %mul3A_600 = arith.mulf %get3A_547, %gather3A_189 : vector<16xf32>
        %add3A_601 = arith.constant 768 : i32
        %add3A_602 = arith.addi %add3A_183, %add3A_601 : i32
        %add3A_603 = arith.constant 48 : i32
        %add3A_604 = arith.addi %add3A_602, %add3A_603 : i32
        %swap3A_605 = arith.index_cast %add3A_604 : i32 to index
        %swap3A_606 = tpu.vector_load %arg7[%swap3A_605] {strides = array<i32>} : memref<65536xf32, #tpu.memory_space<vmem>>, vector<16xf32>,
        %swap3A_607 = vector.shape_cast %swap3A_606 : vector<16xf32> to vector<16xf32>
        %swap3A_608 = vector.shape_cast %mul3A_600 : vector<16xf32> to vector<16xf32>
        tpu.vector_store %arg7[%swap3A_605], %swap3A_608 {strides = array<i32>} : memref<65536xf32, #tpu.memory_space<vmem>>, vector<16xf32>,
        %mul3A_609 = arith.mulf %get3A_533, %gather3A_197 : vector<16xf32>
        %mul3A_610 = arith.mulf %get3A_540, %gather3A_205 : vector<16xf32>
        %add3A_611 = arith.addf %mul3A_609, %mul3A_610 : vector<16xf32>
        %mul3A_612 = arith.mulf %get3A_547, %gather3A_213 : vector<16xf32>
        %add3A_613 = arith.addf %add3A_611, %mul3A_612 : vector<16xf32>
        %mul3A_614 = arith.constant 0.577350259 : f32
        %mul3A_615 = vector.broadcast %mul3A_614 : f32 to vector<16xf32>
        %mul3A_616 = arith.mulf %add3A_613, %mul3A_615 : vector<16xf32>
        %add3A_617 = arith.constant 896 : i32
        %add3A_618 = arith.addi %add3A_183, %add3A_617 : i32
        %add3A_619 = arith.constant 48 : i32
        %add3A_620 = arith.addi %add3A_618, %add3A_619 : i32
        %swap3A_621 = arith.index_cast %add3A_620 : i32 to index
        %swap3A_622 = tpu.vector_load %arg7[%swap3A_621] {strides = array<i32>} : memref<65536xf32, #tpu.memory_space<vmem>>, vector<16xf32>,
        %swap3A_623 = vector.shape_cast %swap3A_622 : vector<16xf32> to vector<16xf32>
        %swap3A_624 = vector.shape_cast %mul3A_616 : vector<16xf32> to vector<16xf32>
        tpu.vector_store %arg7[%swap3A_621], %swap3A_624 {strides = array<i32>} : memref<65536xf32, #tpu.memory_space<vmem>>, vector<16xf32>,
        %add3A_625 = arith.constant 64 : i32
        %add3A_626 = arith.addi %add3A_175, %add3A_625 : i32
        %get3A_627 = arith.index_cast %add3A_626 : i32 to index
        %get3A_628 = tpu.vector_load %arg5[%get3A_627] {strides = array<i32>} : memref<32768xf32, #tpu.memory_space<vmem>>, vector<16xf32>,
        %get3A_629 = vector.shape_cast %get3A_628 : vector<16xf32> to vector<16xf32>
        %add3A_630 = arith.constant 128 : i32
        %add3A_631 = arith.addi %add3A_175, %add3A_630 : i32
        %add3A_632 = arith.constant 64 : i32
        %add3A_633 = arith.addi %add3A_631, %add3A_632 : i32
        %get3A_634 = arith.index_cast %add3A_633 : i32 to index
        %get3A_635 = tpu.vector_load %arg5[%get3A_634] {strides = array<i32>} : memref<32768xf32, #tpu.memory_space<vmem>>, vector<16xf32>,
        %get3A_636 = vector.shape_cast %get3A_635 : vector<16xf32> to vector<16xf32>
        %add3A_637 = arith.constant 256 : i32
        %add3A_638 = arith.addi %add3A_175, %add3A_637 : i32
        %add3A_639 = arith.constant 64 : i32
        %add3A_640 = arith.addi %add3A_638, %add3A_639 : i32
        %get3A_641 = arith.index_cast %add3A_640 : i32 to index
        %get3A_642 = tpu.vector_load %arg5[%get3A_641] {strides = array<i32>} : memref<32768xf32, #tpu.memory_space<vmem>>, vector<16xf32>,
        %get3A_643 = vector.shape_cast %get3A_642 : vector<16xf32> to vector<16xf32>
        %add3A_644 = arith.constant 384 : i32
        %add3A_645 = arith.addi %add3A_175, %add3A_644 : i32
        %add3A_646 = arith.constant 64 : i32
        %add3A_647 = arith.addi %add3A_645, %add3A_646 : i32
        %get3A_648 = arith.index_cast %add3A_647 : i32 to index
        %get3A_649 = tpu.vector_load %arg5[%get3A_648] {strides = array<i32>} : memref<32768xf32, #tpu.memory_space<vmem>>, vector<16xf32>,
        %get3A_650 = vector.shape_cast %get3A_649 : vector<16xf32> to vector<16xf32>
        %mul3A_651 = arith.mulf %get3A_629, %gather3A_189 : vector<16xf32>
        %add3A_652 = arith.constant 64 : i32
        %add3A_653 = arith.addi %add3A_183, %add3A_652 : i32
        %swap3A_654 = arith.index_cast %add3A_653 : i32 to index
        %swap3A_655 = tpu.vector_load %arg7[%swap3A_654] {strides = array<i32>} : memref<65536xf32, #tpu.memory_space<vmem>>, vector<16xf32>,
        %swap3A_656 = vector.shape_cast %swap3A_655 : vector<16xf32> to vector<16xf32>
        %swap3A_657 = vector.shape_cast %mul3A_651 : vector<16xf32> to vector<16xf32>
        tpu.vector_store %arg7[%swap3A_654], %swap3A_657 {strides = array<i32>} : memref<65536xf32, #tpu.memory_space<vmem>>, vector<16xf32>,
        %mul3A_658 = arith.mulf %get3A_629, %gather3A_197 : vector<16xf32>
        %add3A_659 = arith.constant 128 : i32
        %add3A_660 = arith.addi %add3A_183, %add3A_659 : i32
        %add3A_661 = arith.constant 64 : i32
        %add3A_662 = arith.addi %add3A_660, %add3A_661 : i32
        %swap3A_663 = arith.index_cast %add3A_662 : i32 to index
        %swap3A_664 = tpu.vector_load %arg7[%swap3A_663] {strides = array<i32>} : memref<65536xf32, #tpu.memory_space<vmem>>, vector<16xf32>,
        %swap3A_665 = vector.shape_cast %swap3A_664 : vector<16xf32> to vector<16xf32>
        %swap3A_666 = vector.shape_cast %mul3A_658 : vector<16xf32> to vector<16xf32>
        tpu.vector_store %arg7[%swap3A_663], %swap3A_666 {strides = array<i32>} : memref<65536xf32, #tpu.memory_space<vmem>>, vector<16xf32>,
        %mul3A_667 = arith.mulf %get3A_629, %gather3A_205 : vector<16xf32>
        %add3A_668 = arith.constant 256 : i32
        %add3A_669 = arith.addi %add3A_183, %add3A_668 : i32
        %add3A_670 = arith.constant 64 : i32
        %add3A_671 = arith.addi %add3A_669, %add3A_670 : i32
        %swap3A_672 = arith.index_cast %add3A_671 : i32 to index
        %swap3A_673 = tpu.vector_load %arg7[%swap3A_672] {strides = array<i32>} : memref<65536xf32, #tpu.memory_space<vmem>>, vector<16xf32>,
        %swap3A_674 = vector.shape_cast %swap3A_673 : vector<16xf32> to vector<16xf32>
        %swap3A_675 = vector.shape_cast %mul3A_667 : vector<16xf32> to vector<16xf32>
        tpu.vector_store %arg7[%swap3A_672], %swap3A_675 {strides = array<i32>} : memref<65536xf32, #tpu.memory_space<vmem>>, vector<16xf32>,
        %mul3A_676 = arith.mulf %get3A_629, %gather3A_213 : vector<16xf32>
        %add3A_677 = arith.constant 384 : i32
        %add3A_678 = arith.addi %add3A_183, %add3A_677 : i32
        %add3A_679 = arith.constant 64 : i32
        %add3A_680 = arith.addi %add3A_678, %add3A_679 : i32
        %swap3A_681 = arith.index_cast %add3A_680 : i32 to index
        %swap3A_682 = tpu.vector_load %arg7[%swap3A_681] {strides = array<i32>} : memref<65536xf32, #tpu.memory_space<vmem>>, vector<16xf32>,
        %swap3A_683 = vector.shape_cast %swap3A_682 : vector<16xf32> to vector<16xf32>
        %swap3A_684 = vector.shape_cast %mul3A_676 : vector<16xf32> to vector<16xf32>
        tpu.vector_store %arg7[%swap3A_681], %swap3A_684 {strides = array<i32>} : memref<65536xf32, #tpu.memory_space<vmem>>, vector<16xf32>,
        %mul3A_685 = arith.mulf %get3A_636, %gather3A_189 : vector<16xf32>
        %add3A_686 = arith.constant 512 : i32
        %add3A_687 = arith.addi %add3A_183, %add3A_686 : i32
        %add3A_688 = arith.constant 64 : i32
        %add3A_689 = arith.addi %add3A_687, %add3A_688 : i32
        %swap3A_690 = arith.index_cast %add3A_689 : i32 to index
        %swap3A_691 = tpu.vector_load %arg7[%swap3A_690] {strides = array<i32>} : memref<65536xf32, #tpu.memory_space<vmem>>, vector<16xf32>,
        %swap3A_692 = vector.shape_cast %swap3A_691 : vector<16xf32> to vector<16xf32>
        %swap3A_693 = vector.shape_cast %mul3A_685 : vector<16xf32> to vector<16xf32>
        tpu.vector_store %arg7[%swap3A_690], %swap3A_693 {strides = array<i32>} : memref<65536xf32, #tpu.memory_space<vmem>>, vector<16xf32>,
        %mul3A_694 = arith.mulf %get3A_643, %gather3A_189 : vector<16xf32>
        %add3A_695 = arith.constant 640 : i32
        %add3A_696 = arith.addi %add3A_183, %add3A_695 : i32
        %add3A_697 = arith.constant 64 : i32
        %add3A_698 = arith.addi %add3A_696, %add3A_697 : i32
        %swap3A_699 = arith.index_cast %add3A_698 : i32 to index
        %swap3A_700 = tpu.vector_load %arg7[%swap3A_699] {strides = array<i32>} : memref<65536xf32, #tpu.memory_space<vmem>>, vector<16xf32>,
        %swap3A_701 = vector.shape_cast %swap3A_700 : vector<16xf32> to vector<16xf32>
        %swap3A_702 = vector.shape_cast %mul3A_694 : vector<16xf32> to vector<16xf32>
        tpu.vector_store %arg7[%swap3A_699], %swap3A_702 {strides = array<i32>} : memref<65536xf32, #tpu.memory_space<vmem>>, vector<16xf32>,
        %mul3A_703 = arith.mulf %get3A_650, %gather3A_189 : vector<16xf32>
        %add3A_704 = arith.constant 768 : i32
        %add3A_705 = arith.addi %add3A_183, %add3A_704 : i32
        %add3A_706 = arith.constant 64 : i32
        %add3A_707 = arith.addi %add3A_705, %add3A_706 : i32
        %swap3A_708 = arith.index_cast %add3A_707 : i32 to index
        %swap3A_709 = tpu.vector_load %arg7[%swap3A_708] {strides = array<i32>} : memref<65536xf32, #tpu.memory_space<vmem>>, vector<16xf32>,
        %swap3A_710 = vector.shape_cast %swap3A_709 : vector<16xf32> to vector<16xf32>
        %swap3A_711 = vector.shape_cast %mul3A_703 : vector<16xf32> to vector<16xf32>
        tpu.vector_store %arg7[%swap3A_708], %swap3A_711 {strides = array<i32>} : memref<65536xf32, #tpu.memory_space<vmem>>, vector<16xf32>,
        %mul3A_712 = arith.mulf %get3A_636, %gather3A_197 : vector<16xf32>
        %mul3A_713 = arith.mulf %get3A_643, %gather3A_205 : vector<16xf32>
        %add3A_714 = arith.addf %mul3A_712, %mul3A_713 : vector<16xf32>
        %mul3A_715 = arith.mulf %get3A_650, %gather3A_213 : vector<16xf32>
        %add3A_716 = arith.addf %add3A_714, %mul3A_715 : vector<16xf32>
        %mul3A_717 = arith.constant 0.577350259 : f32
        %mul3A_718 = vector.broadcast %mul3A_717 : f32 to vector<16xf32>
        %mul3A_719 = arith.mulf %add3A_716, %mul3A_718 : vector<16xf32>
        %add3A_720 = arith.constant 896 : i32
        %add3A_721 = arith.addi %add3A_183, %add3A_720 : i32
        %add3A_722 = arith.constant 64 : i32
        %add3A_723 = arith.addi %add3A_721, %add3A_722 : i32
        %swap3A_724 = arith.index_cast %add3A_723 : i32 to index
        %swap3A_725 = tpu.vector_load %arg7[%swap3A_724] {strides = array<i32>} : memref<65536xf32, #tpu.memory_space<vmem>>, vector<16xf32>,
        %swap3A_726 = vector.shape_cast %swap3A_725 : vector<16xf32> to vector<16xf32>
        %swap3A_727 = vector.shape_cast %mul3A_719 : vector<16xf32> to vector<16xf32>
        tpu.vector_store %arg7[%swap3A_724], %swap3A_727 {strides = array<i32>} : memref<65536xf32, #tpu.memory_space<vmem>>, vector<16xf32>,
        %add3A_728 = arith.constant 80 : i32
        %add3A_729 = arith.addi %add3A_175, %add3A_728 : i32
        %get3A_730 = arith.index_cast %add3A_729 : i32 to index
        %get3A_731 = tpu.vector_load %arg5[%get3A_730] {strides = array<i32>} : memref<32768xf32, #tpu.memory_space<vmem>>, vector<16xf32>,
        %get3A_732 = vector.shape_cast %get3A_731 : vector<16xf32> to vector<16xf32>
        %add3A_733 = arith.constant 128 : i32
        %add3A_734 = arith.addi %add3A_175, %add3A_733 : i32
        %add3A_735 = arith.constant 80 : i32
        %add3A_736 = arith.addi %add3A_734, %add3A_735 : i32
        %get3A_737 = arith.index_cast %add3A_736 : i32 to index
        %get3A_738 = tpu.vector_load %arg5[%get3A_737] {strides = array<i32>} : memref<32768xf32, #tpu.memory_space<vmem>>, vector<16xf32>,
        %get3A_739 = vector.shape_cast %get3A_738 : vector<16xf32> to vector<16xf32>
        %add3A_740 = arith.constant 256 : i32
        %add3A_741 = arith.addi %add3A_175, %add3A_740 : i32
        %add3A_742 = arith.constant 80 : i32
        %add3A_743 = arith.addi %add3A_741, %add3A_742 : i32
        %get3A_744 = arith.index_cast %add3A_743 : i32 to index
        %get3A_745 = tpu.vector_load %arg5[%get3A_744] {strides = array<i32>} : memref<32768xf32, #tpu.memory_space<vmem>>, vector<16xf32>,
        %get3A_746 = vector.shape_cast %get3A_745 : vector<16xf32> to vector<16xf32>
        %add3A_747 = arith.constant 384 : i32
        %add3A_748 = arith.addi %add3A_175, %add3A_747 : i32
        %add3A_749 = arith.constant 80 : i32
        %add3A_750 = arith.addi %add3A_748, %add3A_749 : i32
        %get3A_751 = arith.index_cast %add3A_750 : i32 to index
        %get3A_752 = tpu.vector_load %arg5[%get3A_751] {strides = array<i32>} : memref<32768xf32, #tpu.memory_space<vmem>>, vector<16xf32>,
        %get3A_753 = vector.shape_cast %get3A_752 : vector<16xf32> to vector<16xf32>
        %mul3A_754 = arith.mulf %get3A_732, %gather3A_189 : vector<16xf32>
        %add3A_755 = arith.constant 80 : i32
        %add3A_756 = arith.addi %add3A_183, %add3A_755 : i32
        %swap3A_757 = arith.index_cast %add3A_756 : i32 to index
        %swap3A_758 = tpu.vector_load %arg7[%swap3A_757] {strides = array<i32>} : memref<65536xf32, #tpu.memory_space<vmem>>, vector<16xf32>,
        %swap3A_759 = vector.shape_cast %swap3A_758 : vector<16xf32> to vector<16xf32>
        %swap3A_760 = vector.shape_cast %mul3A_754 : vector<16xf32> to vector<16xf32>
        tpu.vector_store %arg7[%swap3A_757], %swap3A_760 {strides = array<i32>} : memref<65536xf32, #tpu.memory_space<vmem>>, vector<16xf32>,
        %mul3A_761 = arith.mulf %get3A_732, %gather3A_197 : vector<16xf32>
        %add3A_762 = arith.constant 128 : i32
        %add3A_763 = arith.addi %add3A_183, %add3A_762 : i32
        %add3A_764 = arith.constant 80 : i32
        %add3A_765 = arith.addi %add3A_763, %add3A_764 : i32
        %swap3A_766 = arith.index_cast %add3A_765 : i32 to index
        %swap3A_767 = tpu.vector_load %arg7[%swap3A_766] {strides = array<i32>} : memref<65536xf32, #tpu.memory_space<vmem>>, vector<16xf32>,
        %swap3A_768 = vector.shape_cast %swap3A_767 : vector<16xf32> to vector<16xf32>
        %swap3A_769 = vector.shape_cast %mul3A_761 : vector<16xf32> to vector<16xf32>
        tpu.vector_store %arg7[%swap3A_766], %swap3A_769 {strides = array<i32>} : memref<65536xf32, #tpu.memory_space<vmem>>, vector<16xf32>,
        %mul3A_770 = arith.mulf %get3A_732, %gather3A_205 : vector<16xf32>
        %add3A_771 = arith.constant 256 : i32
        %add3A_772 = arith.addi %add3A_183, %add3A_771 : i32
        %add3A_773 = arith.constant 80 : i32
        %add3A_774 = arith.addi %add3A_772, %add3A_773 : i32
        %swap3A_775 = arith.index_cast %add3A_774 : i32 to index
        %swap3A_776 = tpu.vector_load %arg7[%swap3A_775] {strides = array<i32>} : memref<65536xf32, #tpu.memory_space<vmem>>, vector<16xf32>,
        %swap3A_777 = vector.shape_cast %swap3A_776 : vector<16xf32> to vector<16xf32>
        %swap3A_778 = vector.shape_cast %mul3A_770 : vector<16xf32> to vector<16xf32>
        tpu.vector_store %arg7[%swap3A_775], %swap3A_778 {strides = array<i32>} : memref<65536xf32, #tpu.memory_space<vmem>>, vector<16xf32>,
        %mul3A_779 = arith.mulf %get3A_732, %gather3A_213 : vector<16xf32>
        %add3A_780 = arith.constant 384 : i32
        %add3A_781 = arith.addi %add3A_183, %add3A_780 : i32
        %add3A_782 = arith.constant 80 : i32
        %add3A_783 = arith.addi %add3A_781, %add3A_782 : i32
        %swap3A_784 = arith.index_cast %add3A_783 : i32 to index
        %swap3A_785 = tpu.vector_load %arg7[%swap3A_784] {strides = array<i32>} : memref<65536xf32, #tpu.memory_space<vmem>>, vector<16xf32>,
        %swap3A_786 = vector.shape_cast %swap3A_785 : vector<16xf32> to vector<16xf32>
        %swap3A_787 = vector.shape_cast %mul3A_779 : vector<16xf32> to vector<16xf32>
        tpu.vector_store %arg7[%swap3A_784], %swap3A_787 {strides = array<i32>} : memref<65536xf32, #tpu.memory_space<vmem>>, vector<16xf32>,
        %mul3A_788 = arith.mulf %get3A_739, %gather3A_189 : vector<16xf32>
        %add3A_789 = arith.constant 512 : i32
        %add3A_790 = arith.addi %add3A_183, %add3A_789 : i32
        %add3A_791 = arith.constant 80 : i32
        %add3A_792 = arith.addi %add3A_790, %add3A_791 : i32
        %swap3A_793 = arith.index_cast %add3A_792 : i32 to index
        %swap3A_794 = tpu.vector_load %arg7[%swap3A_793] {strides = array<i32>} : memref<65536xf32, #tpu.memory_space<vmem>>, vector<16xf32>,
        %swap3A_795 = vector.shape_cast %swap3A_794 : vector<16xf32> to vector<16xf32>
        %swap3A_796 = vector.shape_cast %mul3A_788 : vector<16xf32> to vector<16xf32>
        tpu.vector_store %arg7[%swap3A_793], %swap3A_796 {strides = array<i32>} : memref<65536xf32, #tpu.memory_space<vmem>>, vector<16xf32>,
        %mul3A_797 = arith.mulf %get3A_746, %gather3A_189 : vector<16xf32>
        %add3A_798 = arith.constant 640 : i32
        %add3A_799 = arith.addi %add3A_183, %add3A_798 : i32
        %add3A_800 = arith.constant 80 : i32
        %add3A_801 = arith.addi %add3A_799, %add3A_800 : i32
        %swap3A_802 = arith.index_cast %add3A_801 : i32 to index
        %swap3A_803 = tpu.vector_load %arg7[%swap3A_802] {strides = array<i32>} : memref<65536xf32, #tpu.memory_space<vmem>>, vector<16xf32>,
        %swap3A_804 = vector.shape_cast %swap3A_803 : vector<16xf32> to vector<16xf32>
        %swap3A_805 = vector.shape_cast %mul3A_797 : vector<16xf32> to vector<16xf32>
        tpu.vector_store %arg7[%swap3A_802], %swap3A_805 {strides = array<i32>} : memref<65536xf32, #tpu.memory_space<vmem>>, vector<16xf32>,
        %mul3A_806 = arith.mulf %get3A_753, %gather3A_189 : vector<16xf32>
        %add3A_807 = arith.constant 768 : i32
        %add3A_808 = arith.addi %add3A_183, %add3A_807 : i32
        %add3A_809 = arith.constant 80 : i32
        %add3A_810 = arith.addi %add3A_808, %add3A_809 : i32
        %swap3A_811 = arith.index_cast %add3A_810 : i32 to index
        %swap3A_812 = tpu.vector_load %arg7[%swap3A_811] {strides = array<i32>} : memref<65536xf32, #tpu.memory_space<vmem>>, vector<16xf32>,
        %swap3A_813 = vector.shape_cast %swap3A_812 : vector<16xf32> to vector<16xf32>
        %swap3A_814 = vector.shape_cast %mul3A_806 : vector<16xf32> to vector<16xf32>
        tpu.vector_store %arg7[%swap3A_811], %swap3A_814 {strides = array<i32>} : memref<65536xf32, #tpu.memory_space<vmem>>, vector<16xf32>,
        %mul3A_815 = arith.mulf %get3A_739, %gather3A_197 : vector<16xf32>
        %mul3A_816 = arith.mulf %get3A_746, %gather3A_205 : vector<16xf32>
        %add3A_817 = arith.addf %mul3A_815, %mul3A_816 : vector<16xf32>
        %mul3A_818 = arith.mulf %get3A_753, %gather3A_213 : vector<16xf32>
        %add3A_819 = arith.addf %add3A_817, %mul3A_818 : vector<16xf32>
        %mul3A_820 = arith.constant 0.577350259 : f32
        %mul3A_821 = vector.broadcast %mul3A_820 : f32 to vector<16xf32>
        %mul3A_822 = arith.mulf %add3A_819, %mul3A_821 : vector<16xf32>
        %add3A_823 = arith.constant 896 : i32
        %add3A_824 = arith.addi %add3A_183, %add3A_823 : i32
        %add3A_825 = arith.constant 80 : i32
        %add3A_826 = arith.addi %add3A_824, %add3A_825 : i32
        %swap3A_827 = arith.index_cast %add3A_826 : i32 to index
        %swap3A_828 = tpu.vector_load %arg7[%swap3A_827] {strides = array<i32>} : memref<65536xf32, #tpu.memory_space<vmem>>, vector<16xf32>,
        %swap3A_829 = vector.shape_cast %swap3A_828 : vector<16xf32> to vector<16xf32>
        %swap3A_830 = vector.shape_cast %mul3A_822 : vector<16xf32> to vector<16xf32>
        tpu.vector_store %arg7[%swap3A_827], %swap3A_830 {strides = array<i32>} : memref<65536xf32, #tpu.memory_space<vmem>>, vector<16xf32>,
        %add3A_831 = arith.constant 96 : i32
        %add3A_832 = arith.addi %add3A_175, %add3A_831 : i32
        %get3A_833 = arith.index_cast %add3A_832 : i32 to index
        %get3A_834 = tpu.vector_load %arg5[%get3A_833] {strides = array<i32>} : memref<32768xf32, #tpu.memory_space<vmem>>, vector<16xf32>,
        %get3A_835 = vector.shape_cast %get3A_834 : vector<16xf32> to vector<16xf32>
        %add3A_836 = arith.constant 128 : i32
        %add3A_837 = arith.addi %add3A_175, %add3A_836 : i32
        %add3A_838 = arith.constant 96 : i32
        %add3A_839 = arith.addi %add3A_837, %add3A_838 : i32
        %get3A_840 = arith.index_cast %add3A_839 : i32 to index
        %get3A_841 = tpu.vector_load %arg5[%get3A_840] {strides = array<i32>} : memref<32768xf32, #tpu.memory_space<vmem>>, vector<16xf32>,
        %get3A_842 = vector.shape_cast %get3A_841 : vector<16xf32> to vector<16xf32>
        %add3A_843 = arith.constant 256 : i32
        %add3A_844 = arith.addi %add3A_175, %add3A_843 : i32
        %add3A_845 = arith.constant 96 : i32
        %add3A_846 = arith.addi %add3A_844, %add3A_845 : i32
        %get3A_847 = arith.index_cast %add3A_846 : i32 to index
        %get3A_848 = tpu.vector_load %arg5[%get3A_847] {strides = array<i32>} : memref<32768xf32, #tpu.memory_space<vmem>>, vector<16xf32>,
        %get3A_849 = vector.shape_cast %get3A_848 : vector<16xf32> to vector<16xf32>
        %add3A_850 = arith.constant 384 : i32
        %add3A_851 = arith.addi %add3A_175, %add3A_850 : i32
        %add3A_852 = arith.constant 96 : i32
        %add3A_853 = arith.addi %add3A_851, %add3A_852 : i32
        %get3A_854 = arith.index_cast %add3A_853 : i32 to index
        %get3A_855 = tpu.vector_load %arg5[%get3A_854] {strides = array<i32>} : memref<32768xf32, #tpu.memory_space<vmem>>, vector<16xf32>,
        %get3A_856 = vector.shape_cast %get3A_855 : vector<16xf32> to vector<16xf32>
        %mul3A_857 = arith.mulf %get3A_835, %gather3A_189 : vector<16xf32>
        %add3A_858 = arith.constant 96 : i32
        %add3A_859 = arith.addi %add3A_183, %add3A_858 : i32
        %swap3A_860 = arith.index_cast %add3A_859 : i32 to index
        %swap3A_861 = tpu.vector_load %arg7[%swap3A_860] {strides = array<i32>} : memref<65536xf32, #tpu.memory_space<vmem>>, vector<16xf32>,
        %swap3A_862 = vector.shape_cast %swap3A_861 : vector<16xf32> to vector<16xf32>
        %swap3A_863 = vector.shape_cast %mul3A_857 : vector<16xf32> to vector<16xf32>
        tpu.vector_store %arg7[%swap3A_860], %swap3A_863 {strides = array<i32>} : memref<65536xf32, #tpu.memory_space<vmem>>, vector<16xf32>,
        %mul3A_864 = arith.mulf %get3A_835, %gather3A_197 : vector<16xf32>
        %add3A_865 = arith.constant 128 : i32
        %add3A_866 = arith.addi %add3A_183, %add3A_865 : i32
        %add3A_867 = arith.constant 96 : i32
        %add3A_868 = arith.addi %add3A_866, %add3A_867 : i32
        %swap3A_869 = arith.index_cast %add3A_868 : i32 to index
        %swap3A_870 = tpu.vector_load %arg7[%swap3A_869] {strides = array<i32>} : memref<65536xf32, #tpu.memory_space<vmem>>, vector<16xf32>,
        %swap3A_871 = vector.shape_cast %swap3A_870 : vector<16xf32> to vector<16xf32>
        %swap3A_872 = vector.shape_cast %mul3A_864 : vector<16xf32> to vector<16xf32>
        tpu.vector_store %arg7[%swap3A_869], %swap3A_872 {strides = array<i32>} : memref<65536xf32, #tpu.memory_space<vmem>>, vector<16xf32>,
        %mul3A_873 = arith.mulf %get3A_835, %gather3A_205 : vector<16xf32>
        %add3A_874 = arith.constant 256 : i32
        %add3A_875 = arith.addi %add3A_183, %add3A_874 : i32
        %add3A_876 = arith.constant 96 : i32
        %add3A_877 = arith.addi %add3A_875, %add3A_876 : i32
        %swap3A_878 = arith.index_cast %add3A_877 : i32 to index
        %swap3A_879 = tpu.vector_load %arg7[%swap3A_878] {strides = array<i32>} : memref<65536xf32, #tpu.memory_space<vmem>>, vector<16xf32>,
        %swap3A_880 = vector.shape_cast %swap3A_879 : vector<16xf32> to vector<16xf32>
        %swap3A_881 = vector.shape_cast %mul3A_873 : vector<16xf32> to vector<16xf32>
        tpu.vector_store %arg7[%swap3A_878], %swap3A_881 {strides = array<i32>} : memref<65536xf32, #tpu.memory_space<vmem>>, vector<16xf32>,
        %mul3A_882 = arith.mulf %get3A_835, %gather3A_213 : vector<16xf32>
        %add3A_883 = arith.constant 384 : i32
        %add3A_884 = arith.addi %add3A_183, %add3A_883 : i32
        %add3A_885 = arith.constant 96 : i32
        %add3A_886 = arith.addi %add3A_884, %add3A_885 : i32
        %swap3A_887 = arith.index_cast %add3A_886 : i32 to index
        %swap3A_888 = tpu.vector_load %arg7[%swap3A_887] {strides = array<i32>} : memref<65536xf32, #tpu.memory_space<vmem>>, vector<16xf32>,
        %swap3A_889 = vector.shape_cast %swap3A_888 : vector<16xf32> to vector<16xf32>
        %swap3A_890 = vector.shape_cast %mul3A_882 : vector<16xf32> to vector<16xf32>
        tpu.vector_store %arg7[%swap3A_887], %swap3A_890 {strides = array<i32>} : memref<65536xf32, #tpu.memory_space<vmem>>, vector<16xf32>,
        %mul3A_891 = arith.mulf %get3A_842, %gather3A_189 : vector<16xf32>
        %add3A_892 = arith.constant 512 : i32
        %add3A_893 = arith.addi %add3A_183, %add3A_892 : i32
        %add3A_894 = arith.constant 96 : i32
        %add3A_895 = arith.addi %add3A_893, %add3A_894 : i32
        %swap3A_896 = arith.index_cast %add3A_895 : i32 to index
        %swap3A_897 = tpu.vector_load %arg7[%swap3A_896] {strides = array<i32>} : memref<65536xf32, #tpu.memory_space<vmem>>, vector<16xf32>,
        %swap3A_898 = vector.shape_cast %swap3A_897 : vector<16xf32> to vector<16xf32>
        %swap3A_899 = vector.shape_cast %mul3A_891 : vector<16xf32> to vector<16xf32>
        tpu.vector_store %arg7[%swap3A_896], %swap3A_899 {strides = array<i32>} : memref<65536xf32, #tpu.memory_space<vmem>>, vector<16xf32>,
        %mul3A_900 = arith.mulf %get3A_849, %gather3A_189 : vector<16xf32>
        %add3A_901 = arith.constant 640 : i32
        %add3A_902 = arith.addi %add3A_183, %add3A_901 : i32
        %add3A_903 = arith.constant 96 : i32
        %add3A_904 = arith.addi %add3A_902, %add3A_903 : i32
        %swap3A_905 = arith.index_cast %add3A_904 : i32 to index
        %swap3A_906 = tpu.vector_load %arg7[%swap3A_905] {strides = array<i32>} : memref<65536xf32, #tpu.memory_space<vmem>>, vector<16xf32>,
        %swap3A_907 = vector.shape_cast %swap3A_906 : vector<16xf32> to vector<16xf32>
        %swap3A_908 = vector.shape_cast %mul3A_900 : vector<16xf32> to vector<16xf32>
        tpu.vector_store %arg7[%swap3A_905], %swap3A_908 {strides = array<i32>} : memref<65536xf32, #tpu.memory_space<vmem>>, vector<16xf32>,
        %mul3A_909 = arith.mulf %get3A_856, %gather3A_189 : vector<16xf32>
        %add3A_910 = arith.constant 768 : i32
        %add3A_911 = arith.addi %add3A_183, %add3A_910 : i32
        %add3A_912 = arith.constant 96 : i32
        %add3A_913 = arith.addi %add3A_911, %add3A_912 : i32
        %swap3A_914 = arith.index_cast %add3A_913 : i32 to index
        %swap3A_915 = tpu.vector_load %arg7[%swap3A_914] {strides = array<i32>} : memref<65536xf32, #tpu.memory_space<vmem>>, vector<16xf32>,
        %swap3A_916 = vector.shape_cast %swap3A_915 : vector<16xf32> to vector<16xf32>
        %swap3A_917 = vector.shape_cast %mul3A_909 : vector<16xf32> to vector<16xf32>
        tpu.vector_store %arg7[%swap3A_914], %swap3A_917 {strides = array<i32>} : memref<65536xf32, #tpu.memory_space<vmem>>, vector<16xf32>,
        %mul3A_918 = arith.mulf %get3A_842, %gather3A_197 : vector<16xf32>
        %mul3A_919 = arith.mulf %get3A_849, %gather3A_205 : vector<16xf32>
        %add3A_920 = arith.addf %mul3A_918, %mul3A_919 : vector<16xf32>
        %mul3A_921 = arith.mulf %get3A_856, %gather3A_213 : vector<16xf32>
        %add3A_922 = arith.addf %add3A_920, %mul3A_921 : vector<16xf32>
        %mul3A_923 = arith.constant 0.577350259 : f32
        %mul3A_924 = vector.broadcast %mul3A_923 : f32 to vector<16xf32>
        %mul3A_925 = arith.mulf %add3A_922, %mul3A_924 : vector<16xf32>
        %add3A_926 = arith.constant 896 : i32
        %add3A_927 = arith.addi %add3A_183, %add3A_926 : i32
        %add3A_928 = arith.constant 96 : i32
        %add3A_929 = arith.addi %add3A_927, %add3A_928 : i32
        %swap3A_930 = arith.index_cast %add3A_929 : i32 to index
        %swap3A_931 = tpu.vector_load %arg7[%swap3A_930] {strides = array<i32>} : memref<65536xf32, #tpu.memory_space<vmem>>, vector<16xf32>,
        %swap3A_932 = vector.shape_cast %swap3A_931 : vector<16xf32> to vector<16xf32>
        %swap3A_933 = vector.shape_cast %mul3A_925 : vector<16xf32> to vector<16xf32>
        tpu.vector_store %arg7[%swap3A_930], %swap3A_933 {strides = array<i32>} : memref<65536xf32, #tpu.memory_space<vmem>>, vector<16xf32>,
        %add3A_934 = arith.constant 112 : i32
        %add3A_935 = arith.addi %add3A_175, %add3A_934 : i32
        %get3A_936 = arith.index_cast %add3A_935 : i32 to index
        %get3A_937 = tpu.vector_load %arg5[%get3A_936] {strides = array<i32>} : memref<32768xf32, #tpu.memory_space<vmem>>, vector<16xf32>,
        %get3A_938 = vector.shape_cast %get3A_937 : vector<16xf32> to vector<16xf32>
        %add3A_939 = arith.constant 128 : i32
        %add3A_940 = arith.addi %add3A_175, %add3A_939 : i32
        %add3A_941 = arith.constant 112 : i32
        %add3A_942 = arith.addi %add3A_940, %add3A_941 : i32
        %get3A_943 = arith.index_cast %add3A_942 : i32 to index
        %get3A_944 = tpu.vector_load %arg5[%get3A_943] {strides = array<i32>} : memref<32768xf32, #tpu.memory_space<vmem>>, vector<16xf32>,
        %get3A_945 = vector.shape_cast %get3A_944 : vector<16xf32> to vector<16xf32>
        %add3A_946 = arith.constant 256 : i32
        %add3A_947 = arith.addi %add3A_175, %add3A_946 : i32
        %add3A_948 = arith.constant 112 : i32
        %add3A_949 = arith.addi %add3A_947, %add3A_948 : i32
        %get3A_950 = arith.index_cast %add3A_949 : i32 to index
        %get3A_951 = tpu.vector_load %arg5[%get3A_950] {strides = array<i32>} : memref<32768xf32, #tpu.memory_space<vmem>>, vector<16xf32>,
        %get3A_952 = vector.shape_cast %get3A_951 : vector<16xf32> to vector<16xf32>
        %add3A_953 = arith.constant 384 : i32
        %add3A_954 = arith.addi %add3A_175, %add3A_953 : i32
        %add3A_955 = arith.constant 112 : i32
        %add3A_956 = arith.addi %add3A_954, %add3A_955 : i32
        %get3A_957 = arith.index_cast %add3A_956 : i32 to index
        %get3A_958 = tpu.vector_load %arg5[%get3A_957] {strides = array<i32>} : memref<32768xf32, #tpu.memory_space<vmem>>, vector<16xf32>,
        %get3A_959 = vector.shape_cast %get3A_958 : vector<16xf32> to vector<16xf32>
        %mul3A_960 = arith.mulf %get3A_938, %gather3A_189 : vector<16xf32>
        %add3A_961 = arith.constant 112 : i32
        %add3A_962 = arith.addi %add3A_183, %add3A_961 : i32
        %swap3A_963 = arith.index_cast %add3A_962 : i32 to index
        %swap3A_964 = tpu.vector_load %arg7[%swap3A_963] {strides = array<i32>} : memref<65536xf32, #tpu.memory_space<vmem>>, vector<16xf32>,
        %swap3A_965 = vector.shape_cast %swap3A_964 : vector<16xf32> to vector<16xf32>
        %swap3A_966 = vector.shape_cast %mul3A_960 : vector<16xf32> to vector<16xf32>
        tpu.vector_store %arg7[%swap3A_963], %swap3A_966 {strides = array<i32>} : memref<65536xf32, #tpu.memory_space<vmem>>, vector<16xf32>,
        %mul3A_967 = arith.mulf %get3A_938, %gather3A_197 : vector<16xf32>
        %add3A_968 = arith.constant 128 : i32
        %add3A_969 = arith.addi %add3A_183, %add3A_968 : i32
        %add3A_970 = arith.constant 112 : i32
        %add3A_971 = arith.addi %add3A_969, %add3A_970 : i32
        %swap3A_972 = arith.index_cast %add3A_971 : i32 to index
        %swap3A_973 = tpu.vector_load %arg7[%swap3A_972] {strides = array<i32>} : memref<65536xf32, #tpu.memory_space<vmem>>, vector<16xf32>,
        %swap3A_974 = vector.shape_cast %swap3A_973 : vector<16xf32> to vector<16xf32>
        %swap3A_975 = vector.shape_cast %mul3A_967 : vector<16xf32> to vector<16xf32>
        tpu.vector_store %arg7[%swap3A_972], %swap3A_975 {strides = array<i32>} : memref<65536xf32, #tpu.memory_space<vmem>>, vector<16xf32>,
        %mul3A_976 = arith.mulf %get3A_938, %gather3A_205 : vector<16xf32>
        %add3A_977 = arith.constant 256 : i32
        %add3A_978 = arith.addi %add3A_183, %add3A_977 : i32
        %add3A_979 = arith.constant 112 : i32
        %add3A_980 = arith.addi %add3A_978, %add3A_979 : i32
        %swap3A_981 = arith.index_cast %add3A_980 : i32 to index
        %swap3A_982 = tpu.vector_load %arg7[%swap3A_981] {strides = array<i32>} : memref<65536xf32, #tpu.memory_space<vmem>>, vector<16xf32>,
        %swap3A_983 = vector.shape_cast %swap3A_982 : vector<16xf32> to vector<16xf32>
        %swap3A_984 = vector.shape_cast %mul3A_976 : vector<16xf32> to vector<16xf32>
        tpu.vector_store %arg7[%swap3A_981], %swap3A_984 {strides = array<i32>} : memref<65536xf32, #tpu.memory_space<vmem>>, vector<16xf32>,
        %mul3A_985 = arith.mulf %get3A_938, %gather3A_213 : vector<16xf32>
        %add3A_986 = arith.constant 384 : i32
        %add3A_987 = arith.addi %add3A_183, %add3A_986 : i32
        %add3A_988 = arith.constant 112 : i32
        %add3A_989 = arith.addi %add3A_987, %add3A_988 : i32
        %swap3A_990 = arith.index_cast %add3A_989 : i32 to index
        %swap3A_991 = tpu.vector_load %arg7[%swap3A_990] {strides = array<i32>} : memref<65536xf32, #tpu.memory_space<vmem>>, vector<16xf32>,
        %swap3A_992 = vector.shape_cast %swap3A_991 : vector<16xf32> to vector<16xf32>
        %swap3A_993 = vector.shape_cast %mul3A_985 : vector<16xf32> to vector<16xf32>
        tpu.vector_store %arg7[%swap3A_990], %swap3A_993 {strides = array<i32>} : memref<65536xf32, #tpu.memory_space<vmem>>, vector<16xf32>,
        %mul3A_994 = arith.mulf %get3A_945, %gather3A_189 : vector<16xf32>
        %add3A_995 = arith.constant 512 : i32
        %add3A_996 = arith.addi %add3A_183, %add3A_995 : i32
        %add3A_997 = arith.constant 112 : i32
        %add3A_998 = arith.addi %add3A_996, %add3A_997 : i32
        %swap3A_999 = arith.index_cast %add3A_998 : i32 to index
        %swap3A_1000 = tpu.vector_load %arg7[%swap3A_999] {strides = array<i32>} : memref<65536xf32, #tpu.memory_space<vmem>>, vector<16xf32>,
        %swap3A_1001 = vector.shape_cast %swap3A_1000 : vector<16xf32> to vector<16xf32>
        %swap3A_1002 = vector.shape_cast %mul3A_994 : vector<16xf32> to vector<16xf32>
        tpu.vector_store %arg7[%swap3A_999], %swap3A_1002 {strides = array<i32>} : memref<65536xf32, #tpu.memory_space<vmem>>, vector<16xf32>,
        %mul3A_1003 = arith.mulf %get3A_952, %gather3A_189 : vector<16xf32>
        %add3A_1004 = arith.constant 640 : i32
        %add3A_1005 = arith.addi %add3A_183, %add3A_1004 : i32
        %add3A_1006 = arith.constant 112 : i32
        %add3A_1007 = arith.addi %add3A_1005, %add3A_1006 : i32
        %swap3A_1008 = arith.index_cast %add3A_1007 : i32 to index
        %swap3A_1009 = tpu.vector_load %arg7[%swap3A_1008] {strides = array<i32>} : memref<65536xf32, #tpu.memory_space<vmem>>, vector<16xf32>,
        %swap3A_1010 = vector.shape_cast %swap3A_1009 : vector<16xf32> to vector<16xf32>
        %swap3A_1011 = vector.shape_cast %mul3A_1003 : vector<16xf32> to vector<16xf32>
        tpu.vector_store %arg7[%swap3A_1008], %swap3A_1011 {strides = array<i32>} : memref<65536xf32, #tpu.memory_space<vmem>>, vector<16xf32>,
        %mul3A_1012 = arith.mulf %get3A_959, %gather3A_189 : vector<16xf32>
        %add3A_1013 = arith.constant 768 : i32
        %add3A_1014 = arith.addi %add3A_183, %add3A_1013 : i32
        %add3A_1015 = arith.constant 112 : i32
        %add3A_1016 = arith.addi %add3A_1014, %add3A_1015 : i32
        %swap3A_1017 = arith.index_cast %add3A_1016 : i32 to index
        %swap3A_1018 = tpu.vector_load %arg7[%swap3A_1017] {strides = array<i32>} : memref<65536xf32, #tpu.memory_space<vmem>>, vector<16xf32>,
        %swap3A_1019 = vector.shape_cast %swap3A_1018 : vector<16xf32> to vector<16xf32>
        %swap3A_1020 = vector.shape_cast %mul3A_1012 : vector<16xf32> to vector<16xf32>
        tpu.vector_store %arg7[%swap3A_1017], %swap3A_1020 {strides = array<i32>} : memref<65536xf32, #tpu.memory_space<vmem>>, vector<16xf32>,
        %mul3A_1021 = arith.mulf %get3A_945, %gather3A_197 : vector<16xf32>
        %mul3A_1022 = arith.mulf %get3A_952, %gather3A_205 : vector<16xf32>
        %add3A_1023 = arith.addf %mul3A_1021, %mul3A_1022 : vector<16xf32>
        %mul3A_1024 = arith.mulf %get3A_959, %gather3A_213 : vector<16xf32>
        %add3A_1025 = arith.addf %add3A_1023, %mul3A_1024 : vector<16xf32>
        %mul3A_1026 = arith.constant 0.577350259 : f32
        %mul3A_1027 = vector.broadcast %mul3A_1026 : f32 to vector<16xf32>
        %mul3A_1028 = arith.mulf %add3A_1025, %mul3A_1027 : vector<16xf32>
        %add3A_1029 = arith.constant 896 : i32
        %add3A_1030 = arith.addi %add3A_183, %add3A_1029 : i32
        %add3A_1031 = arith.constant 112 : i32
        %add3A_1032 = arith.addi %add3A_1030, %add3A_1031 : i32
        %swap3A_1033 = arith.index_cast %add3A_1032 : i32 to index
        %swap3A_1034 = tpu.vector_load %arg7[%swap3A_1033] {strides = array<i32>} : memref<65536xf32, #tpu.memory_space<vmem>>, vector<16xf32>,
        %swap3A_1035 = vector.shape_cast %swap3A_1034 : vector<16xf32> to vector<16xf32>
        %swap3A_1036 = vector.shape_cast %mul3A_1028 : vector<16xf32> to vector<16xf32>
        tpu.vector_store %arg7[%swap3A_1033], %swap3A_1036 {strides = array<i32>} : memref<65536xf32, #tpu.memory_space<vmem>>, vector<16xf32>,
      }
      %scan3A_154 = arith.constant 32 : i32
      %add3A_155 = arith.addi %add3A_8, %while3A_134 : i32
      %mul3A_156 = arith.constant 32768 : i32
      %mul3A_157 = arith.muli %rem3A_136, %mul3A_156 : i32
      %mul3A_158 = arith.constant 32768 : i32
      %mul3A_159 = arith.muli %add3A_155, %mul3A_158 : i32
      %dma_start3A_160 = tpu.memref_slice %arg7[%mul3A_157] : memref<65536xf32, #tpu.memory_space<vmem>> -> memref<32768xf32, #tpu.memory_space<vmem>>
      %dma_start3A_161 = tpu.memref_slice %arg4[%mul3A_159] : memref<102400000xf32, #tpu.memory_space<hbm>> -> memref<32768xf32, #tpu.memory_space<hbm>>
      %dma_start3A_162 = tpu.memref_slice %arg4[%mul3A_159] : memref<102400000xf32, #tpu.memory_space<hbm>> -> memref<32768xf32, #tpu.memory_space<hbm>>
      %dma_start3A_163 = tpu.memref_slice %arg7[%mul3A_157] : memref<65536xf32, #tpu.memory_space<vmem>> -> memref<32768xf32, #tpu.memory_space<vmem>>
      tpu.enqueue_dma source(%dma_start3A_163 : memref<32768xf32, #tpu.memory_space<vmem>>) target(%dma_start3A_162 : memref<32768xf32, #tpu.memory_space<hbm>>) target_semaphore(%arg10 : memref<!tpu.dma_semaphore, #tpu.memory_space<semaphore_mem>>)
      %add3A_164 = arith.constant 2 : i32
      %add3A_165 = arith.addi %while3A_134, %add3A_164 : i32
      %lt3A_166 = arith.cmpi slt, %add3A_165, %add3A_4 : i32
      %convert_element_type3A_167 = arith.extui %lt3A_166 : i1 to i32
      %cond3A_168 = arith.constant 0 : i32
      %cond3A_169 = arith.cmpi ne, %convert_element_type3A_167, %cond3A_168 : i32
      scf.if %cond3A_169 {
        %add3A_170 = arith.constant 2 : i32
        %add3A_171 = arith.addi %while3A_134, %add3A_170 : i32
        %add3A_172 = arith.addi %add3A_8, %add3A_171 : i32
        %mul3A_173 = arith.constant 16384 : i32
        %mul3A_174 = arith.muli %add3A_172, %mul3A_173 : i32
        %mul3A_175 = arith.constant 16384 : i32
        %mul3A_176 = arith.muli %rem3A_136, %mul3A_175 : i32
        %dma_start3A_177 = tpu.memref_slice %arg5[%mul3A_176] : memref<32768xf32, #tpu.memory_space<vmem>> -> memref<16384xf32, #tpu.memory_space<vmem>>
        %dma_start3A_178 = tpu.memref_slice %arg2[%mul3A_174] : memref<51200000xf32, #tpu.memory_space<hbm>> -> memref<16384xf32, #tpu.memory_space<hbm>>
        %dma_start3A_179 = tpu.memref_slice %arg5[%mul3A_176] : memref<32768xf32, #tpu.memory_space<vmem>> -> memref<16384xf32, #tpu.memory_space<vmem>>
        %dma_start3A_180 = tpu.memref_slice %arg2[%mul3A_174] : memref<51200000xf32, #tpu.memory_space<hbm>> -> memref<16384xf32, #tpu.memory_space<hbm>>
        tpu.enqueue_dma source(%dma_start3A_180 : memref<16384xf32, #tpu.memory_space<hbm>>) target(%dma_start3A_179 : memref<16384xf32, #tpu.memory_space<vmem>>) target_semaphore(%arg8 : memref<!tpu.dma_semaphore, #tpu.memory_space<semaphore_mem>>)
      } else {
      }
    }
    %sub3A = arith.constant 2 : i32
    %sub3A_106 = arith.subi %add3A_4, %sub3A : i32
    %sub3A_107 = arith.constant 2 : i32
    %sub3A_108 = arith.subi %add3A_4, %sub3A_107 : i32
    %rem3A = arith.constant 2 : i32
    %rem3A_109 = arith.remsi %sub3A_108, %rem3A : i32
    %add3A_110 = arith.addi %add3A_8, %sub3A_106 : i32
    %mul3A_111 = arith.constant 32768 : i32
    %mul3A_112 = arith.muli %rem3A_109, %mul3A_111 : i32
    %mul3A_113 = arith.constant 32768 : i32
    %mul3A_114 = arith.muli %add3A_110, %mul3A_113 : i32
    %dma_wait3A_115 = tpu.memref_slice %arg7[%mul3A_112] : memref<65536xf32, #tpu.memory_space<vmem>> -> memref<32768xf32, #tpu.memory_space<vmem>>
    %dma_wait3A_116 = tpu.memref_slice %arg4[%mul3A_114] : memref<102400000xf32, #tpu.memory_space<hbm>> -> memref<32768xf32, #tpu.memory_space<hbm>>
    %dma_wait3A_117 = tpu.memref_slice %arg4[%mul3A_114] : memref<102400000xf32, #tpu.memory_space<hbm>> -> memref<32768xf32, #tpu.memory_space<hbm>>
    %dma_wait3A_118 = tpu.memref_slice %arg7[%mul3A_112] : memref<65536xf32, #tpu.memory_space<vmem>> -> memref<32768xf32, #tpu.memory_space<vmem>>
    tpu.wait_dma2 semaphore(%arg10 : memref<!tpu.dma_semaphore, #tpu.memory_space<semaphore_mem>>) src(%dma_wait3A_118 : memref<32768xf32, #tpu.memory_space<vmem>>) dst(%dma_wait3A_117 : memref<32768xf32, #tpu.memory_space<hbm>>)
    %sub3A_119 = arith.constant 1 : i32
    %sub3A_120 = arith.subi %add3A_4, %sub3A_119 : i32
    %sub3A_121 = arith.constant 1 : i32
    %sub3A_122 = arith.subi %add3A_4, %sub3A_121 : i32
    %rem3A_123 = arith.constant 2 : i32
    %rem3A_124 = arith.remsi %sub3A_122, %rem3A_123 : i32
    %add3A_125 = arith.addi %add3A_8, %sub3A_120 : i32
    %mul3A_126 = arith.constant 32768 : i32
    %mul3A_127 = arith.muli %rem3A_124, %mul3A_126 : i32
    %mul3A_128 = arith.constant 32768 : i32
    %mul3A_129 = arith.muli %add3A_125, %mul3A_128 : i32
    %dma_wait3A_130 = tpu.memref_slice %arg7[%mul3A_127] : memref<65536xf32, #tpu.memory_space<vmem>> -> memref<32768xf32, #tpu.memory_space<vmem>>
    %dma_wait3A_131 = tpu.memref_slice %arg4[%mul3A_129] : memref<102400000xf32, #tpu.memory_space<hbm>> -> memref<32768xf32, #tpu.memory_space<hbm>>
    %dma_wait3A_132 = tpu.memref_slice %arg4[%mul3A_129] : memref<102400000xf32, #tpu.memory_space<hbm>> -> memref<32768xf32, #tpu.memory_space<hbm>>
    %dma_wait3A_133 = tpu.memref_slice %arg7[%mul3A_127] : memref<65536xf32, #tpu.memory_space<vmem>> -> memref<32768xf32, #tpu.memory_space<vmem>>
    tpu.wait_dma2 semaphore(%arg10 : memref<!tpu.dma_semaphore, #tpu.memory_space<semaphore_mem>>) src(%dma_wait3A_133 : memref<32768xf32, #tpu.memory_space<vmem>>) dst(%dma_wait3A_132 : memref<32768xf32, #tpu.memory_space<hbm>>)
    return
  }
}

</mosaic_0001>

<sc_bundles>
// kernel: kernel.3.cloned.1.call-start
scs
__scs_entry_jumppad:
0x0: {  	(pc) =	sbr.rel $0x88, $3  }
0x1: {  	(tag) =	ssettag $0x0;
	lr =	simm.s32 $0x1  }
0x2: {  	[smem:$0x3F9F] =	sst lr;
	_ =	strace $0xD0000000  }
0x3: {  	_ = 	snop  }
0x4: {  	_ = 	snop  }
0x5: {  	_ = 	snop  }
0x6: {  	_ = 	snop  }
0x7: {  	_ = 	snop  }
__scs_overlays_trampoline_lowered:
0x8: {  	[smem:$0x3FAE] =	sst s0  }
0x9: {  	[smem:$0x3FAF] =	sst s1  }
0xa: {  	[smem:$0x3FB0] =	sst s2  }
0xb: {  	[smem:$0x3FB1] =	sst s3  }
0xc: {  	[smem:$0x3FB2] =	sst s4  }
0xd: {  	[smem:$0x3FB3] =	sst s5  }
0xe: {  	[smem:$0x3FB4] =	sst s6  }
0xf: {  	[smem:$0x3FB5] =	sst s7  }
0x10: {  	[smem:$0x3FB6] =	sst s8  }
0x11: {  	[smem:$0x3FB7] =	sst s9;
	s0 =	simm.s32 @!p0 $0x0  }
0x12: {  	s1 =	sld [smem:$0x3F9D];
	s0 =	simm.s32 @p0 $0x1  }
0x13: {  	[smem:$0x3FB8] =	sst s0;
	s0 =	simm.s32 @!p1 $0x0  }
0x14: {  	s2 =	sld [smem:$0x3F9C];
	s0 =	simm.s32 @p1 $0x1  }
0x15: {  	[smem:$0x3FB9] =	sst s0;
	s0 =	simm.s32 @!p2 $0x0  }
0x16: {  	s3 =	sld [smem:$0x3FDB];
	s0 =	simm.s32 @p2 $0x1  }
0x17: {  	s4 =	simm.s32 $0x1BF5;
	[smem:$0x3FBB] =	sst s0  }
0x18: {  	s0 =	sld [smem:$0x3F9E];
	_ =	swait.ge [sflag:s4], $0x0  }
0x19: {  	s7 =	sld [smem:$0x3F9F]  }
0x1a: {  	s8 =	sadd.s32 $0xFFFFE003, lr  }
0x1b: {  	s9 =	sadd.s32 $0xFFFFFEF7, lr;
	s5 =	simm.s32 $0xFFFFFFFF;
	p2 =	slt.u32 s8, $0xFFFFF086  }
0x1c: {  	p1 =	slt.u32 s9, $0xF7A;
	s5 =	simm.s32 @!p2 $0x0  }
0x1d: {  	s5 =	simm.s32 @p1 $0x1;
	p0 =	seq.s32 s7, s2  }
0x1e: {  	s7 =	smul.u32 @!p0 $0xF7A, s2;
	p2 =	seq.s32 @!p0 s5, $0x0  }
0x1f: {  	s9 =	smul.u32 $0xF7A, s1;
	s8 =	simm.s32 @!p0 $0x1BF5;
	p2 =	por !p2, p0  }
0x20: {  	[sflag:s8] =	ssyncset.s32 @!p0 $0xFFFFF086;
	s6 =	sadd.s32 @!p0 s3, s7;
	s7 =	simm.s32 @!p0 $0x108  }
0x21: {  	s3 =	sadd.s32 s3, s9;
	s6 =	sadd.s32 @!p0 $0x88, s6;
	s7 =	simm.s32 @p2 $0x1082  }
0x22: {  	[simem:s7], [sflag:s8] =	dma.local @!p0 [hbm:s6], $0xF7A  }
0x23: {  	s9 =	sor.u32 $0xD0000000, s2;
	s6 =	simm.s32 $0x108;
	_ =	swait.ge @!p0 [sflag:s8], $0x0  }
0x24: {  	s3 =	sadd.s32 $0x88, s3;
	s6 =	simm.s32 @!p1 $0x1082;
	[sflag:s4] =	ssyncset.s32 $0xFFFFF086  }
0x25: {  	[simem:s6], [sflag:s4] =	dma.local [hbm:s3], $0xF7A  }
0x26: {  	[smem:$0x3F9F] =	sst s1;
	(tag) =	ssettag s2;
	_ =	strace s9  }
0x27: {  	s1 =	sld [smem:$0x3FAF]  }
0x28: {  	s2 =	sld [smem:$0x3FB0]  }
0x29: {  	s4 =	sld [smem:$0x3FB2]  }
0x2a: {  	p0 =	seq.s32 s5, $0x0;
	s5 =	sld [smem:$0x3FB3]  }
0x2b: {  	s6 =	sld [smem:$0x3FB4]  }
0x2c: {  	s7 =	sld [smem:$0x3FB5]  }
0x2d: {  	s3 =	simm.s32 $0x108;
	s8 =	sld [smem:$0x3FB6]  }
0x2e: {  	s3 =	simm.s32 @!p0 $0x1082;
	s9 =	sld [smem:$0x3FB7]  }
0x2f: {  	lr =	sadd.s32 s0, s3;
	s0 =	sld [smem:$0x3FAE]  }
0x30: {  	s3 =	sld [smem:$0x3FB1]  }
0x31: {  	[smem:$0x3FBA] =	sst s10  }
0x32: {  	s10 =	sld [smem:$0x3FB8];
	_ =	sdelay $0x3  }
0x33: {  	p0 =	seq.s32 s10, $0x1;
	s10 =	sld [smem:$0x3FBA];
	_ =	sdelay $0x3  }
0x34: {  	[smem:$0x3FBA] =	sst s10  }
0x35: {  	s10 =	sld [smem:$0x3FB9];
	_ =	sdelay $0x3  }
0x36: {  	p1 =	seq.s32 s10, $0x1;
	s10 =	sld [smem:$0x3FBA];
	_ =	sdelay $0x3  }
0x37: {  	[smem:$0x3FBA] =	sst s10  }
0x38: {  	s10 =	sld [smem:$0x3FBB]  }
0x39: {  	_ = 	snop;
	(pc) =	sbr.ind lr, $3  }
0x3a: {  	_ = 	snop  }
0x3b: {  	_ = 	snop  }
0x3c: {  	p2 =	seq.s32 s10, $0x1;
	s10 =	sld [smem:$0x3FBA]  }
0x3d: {  	_ =	shalt  }
0x3e: {  	_ =	shalt  }
0x3f: {  	_ =	shalt  }
0x40: {  	_ =	shalt  }
0x41: {  	_ =	shalt  }
0x42: {  	_ =	shalt  }
0x43: {  	_ =	shalt  }
0x44: {  	_ =	shalt  }
0x45: {  	_ =	shalt  }
0x46: {  	_ =	shalt  }
0x47: {  	_ =	shalt  }
0x48: {  	_ =	shalt  }
0x49: {  	_ =	shalt  }
0x4a: {  	_ =	shalt  }
0x4b: {  	_ =	shalt  }
0x4c: {  	_ =	shalt  }
0x4d: {  	_ =	shalt  }
0x4e: {  	_ =	shalt  }
0x4f: {  	_ =	shalt  }
0x50: {  	_ =	shalt  }
0x51: {  	_ =	shalt  }
0x52: {  	_ =	shalt  }
0x53: {  	_ =	shalt  }
0x54: {  	_ =	shalt  }
0x55: {  	_ =	shalt  }
0x56: {  	_ =	shalt  }
0x57: {  	_ =	shalt  }
0x58: {  	_ =	shalt  }
0x59: {  	_ =	shalt  }
0x5a: {  	_ =	shalt  }
0x5b: {  	_ =	shalt  }
0x5c: {  	_ =	shalt  }
0x5d: {  	_ =	shalt  }
0x5e: {  	_ =	shalt  }
0x5f: {  	_ =	shalt  }
0x60: {  	_ =	shalt  }
0x61: {  	_ =	shalt  }
0x62: {  	_ =	shalt  }
0x63: {  	_ =	shalt  }
0x64: {  	_ =	shalt  }
0x65: {  	_ =	shalt  }
0x66: {  	_ =	shalt  }
0x67: {  	_ =	shalt  }
0x68: {  	_ =	shalt  }
0x69: {  	_ =	shalt  }
0x6a: {  	_ =	shalt  }
0x6b: {  	_ =	shalt  }
0x6c: {  	_ =	shalt  }
0x6d: {  	_ =	shalt  }
0x6e: {  	_ =	shalt  }
0x6f: {  	_ =	shalt  }
0x70: {  	_ =	shalt  }
0x71: {  	_ =	shalt  }
0x72: {  	_ =	shalt  }
0x73: {  	_ =	shalt  }
0x74: {  	_ =	shalt  }
0x75: {  	_ =	shalt  }
0x76: {  	_ =	shalt  }
0x77: {  	_ =	shalt  }
0x78: {  	_ =	shalt  }
0x79: {  	_ =	shalt  }
0x7a: {  	_ =	shalt  }
0x7b: {  	_ =	shalt  }
0x7c: {  	_ =	shalt  }
0x7d: {  	_ =	shalt  }
0x7e: {  	_ =	shalt  }
0x7f: {  	_ =	shalt  }
0x80: {  	_ =	shalt  }
0x81: {  	_ =	shalt  }
0x82: {  	_ =	shalt  }
0x83: {  	_ =	shalt  }
0x84: {  	_ =	shalt  }
0x85: {  	_ =	shalt  }
0x86: {  	_ =	shalt  }
0x87: {  	_ =	shalt  }
.Lfunc_end0:
.L_simem_size_0:
called_computation_lowered:
.L_overlay_start_0:
0x88: {  	s2 =	sld [smem:$0x3FD9]  }
0x89: {  	s3 =	sld [smem:$0x3FFE];
	_ =	sdelay $0x1  }
0x8a: {  	s1 =	srdreg.scid  }
0x8b: {  	s0 =	sand.u32 $0x1, s1  }
0x8c: {  	s17 =	sshll.u32 s0, $0xA;
	s2 =	sadd.s32 s3, s2  }
0x8d: {  	s2 =	sadd.s32 s2, s17  }
0x8e: {  	[smem:$0x3FC6] =	sst s2  }
0x8f: {  	_ = 	snop  }
0x90: {  	s2 =	sld [smem:$0x3FC9]  }
0x91: {  	s18 =	sld [smem:$0x3FD0];
	(tm) =	ssettm $0x1  }
0x92: {  	s4 =	sld [smem:$0x3FFB];
	_ =	sdelay $0x3  }
0x93: {  	_ =	strace s4  }
0x94: {  	s4 =	sld [smem:$0x3FFC];
	_ =	sdelay $0x3  }
0x95: {  	_ =	strace s4  }
0x96: {  	s4 =	sld [smem:$0x3FFD];
	_ =	sdelay $0x3  }
0x97: {  	_ =	strace s4  }
0x98: {  	_ =	strace $0x8FFFFFFF  }
0x99: {  	s19 =	sld [smem:$0x3FDB];
	_ =	sdelay $0x1  }
0x9a: {  	s5 =	simm.s32 $_scs_section_size  }
0x9b: {  	s6 =	simm.s32 $_size__tile_overlayer_lowered;
	s7 =	simm.s32 $_tile_overlayer_lowered  }
0x9c: {  	s22 =	simm.s32 $0x1BFF;
	s21 =	sshll.u32 s7, $0x1;
	s4 =	sadd.s32 s5, s19  }
0x9d: {  	s8 =	simm.s32 $0x0;
	s20 =	sshll.u32 s6, $0x1;
	s6 =	sadd.s32 s21, s4  }
0x9e: {  	[timem:s8], [sflag:s22] =	dma.local [hbm:s6], s20  }
0x9f: {  	_ =	swait.ge [sflag:s22], s20  }
0xa0: {  	s5 =	ssub.s32 $0x0, s20;
	[sflag:s22] =	ssyncset.done $0x0  }
0xa1: {  	[sflag:s22] =	ssyncadd.s32 s5;
	_ =	sdelay $0x1  }
0xa2: {  	s23 =	simm.s32 $0x1B8B  }
0xa3: {  	_ =	swait.ge [sflag:s23], $0x1  }
0xa4: {  	[sflag:s23] =	ssyncset.done $0x0  }
0xa5: {  	s25 =	simm.s32 $0x1B8E;
	s24 =	sld [smem:$0x3FFE];
	[sflag:s23] =	ssyncadd.s32 $0xFFFFFFFF  }
0xa6: {  	s26 =	simm.s32 $execute0_lowered;
	[smem:$0x3FD2] =	sst s25  }
0xa7: {  	s6 =	sshll.u32 s26, $0x1;
	_ =	strace $0x80000046;
	[dreg:$0x1] =	wrdreg $0xFFFFFFFF  }
0xa8: {  	s28 =	simm.s32 $_size_execute0_lowered;
	s4 =	sadd.s32 s4, s6;
	[dreg:$0x0] =	wrdreg $0x0  }
0xa9: {  	s6 =	sshll.u32 s28, $0x1;
	[dreg:$0x2] =	wrdreg s4  }
0xaa: {  	[dreg:$0x3] =	wrdreg s6  }
0xab: {  	[dreg:$0x4] =	wrdreg $0xC0  }
0xac: {  	_ =	task [dreg:s8], $0x5FFFF  }
0xad: {  	[dreg:$0x1] =	wrdreg $0xFFFFFFFF  }
0xae: {  	[dreg:$0x0] =	wrdreg $0x60  }
0xaf: {  	[dreg:$0x2] =	wrdreg s2  }
0xb0: {  	[dreg:$0x3] =	wrdreg s24  }
0xb1: {  	[dreg:$0x4] =	wrdreg s18  }
0xb2: {  	[dreg:$0x5] =	wrdreg $0x9  }
0xb3: {  	_ =	task.clear_ibuf [dreg:s8], $0x6FFFF;
	_ =	strace $0x90000046  }
0xb4: {  	s29 =	simm.s32 $0x9;
	_ =	strace $0x80000048  }
0xb5: {  	_ =	swait.ge [sflag:s29], $0x1  }
0xb6: {  	[sflag:s29] =	ssyncadd.s32 $0xFFFFFFFF  }
0xb7: {  	_ =	strace $0x90000048  }
0xb8: {  	_ =	sfence  }
0xb9: {  	s30 =	sld [smem:$0x0];
	_ =	sdelay $0x2  }
0xba: {  	s31 =	sshll.u32 s1, $0xD;
	s1 =	sshrl.u32 s1, $0x2  }
0xbb: {  	s3 =	sand.u32 $0x4000, s31;
	s1 =	sadd.s32 s1, s30  }
0xbc: {  	s0 =	sor.u32 s3, s0;
	s1 =	sshll.u32 s1, $0x11  }
0xbd: {  	s0 =	sor.u32 s1, s0  }
0xbe: {  	s0 =	sadd.s32 $0x8F2B, s0  }
0xbf: {  	[sflag:s0] =	ssyncadd.remote.s32 $0x1  }
0xc0: {  	_ =	sfence.sel $0xFFFF  }
0xc1: {  	[dreg:$0x0] =	wrdreg $0xFFFFFFFF;
	(pc) =	sbr.abs _section_cstart, $3  }
0xc2: {  	[dreg:$0x1] =	wrdreg $0xFFFFFFFF  }
0xc3: {  	_ =	task.clear_ibuf [dreg:s8], $0x2FFFF;
	_ =	strace $0x9FFFFFFF  }
0xc4: {  	(tm) =	ssettm $0x7FFFFFFF  }
0xc5: {  	_ =	shalt  }
tec
execute0_lowered:
.L_overlay_start_1:
0x0: {  	(tag) =	ssettag $0x1  }
0x1: {  	s0 =	srdreg.scid;
	s1 =	rddreg [dreg:$0x0]  }
0x2: {  	s2 =	stileid.u32;
	s6 =	rddreg [dreg:$0x1]  }
0x3: {  	s3 =	rddreg [dreg:$0x2];
	s4 =	simm.s32 $0x0;
	s23 =	simm.s32 $0x2  }
0x4: {  	s24 =	simm.s32 $0x1;
	s0 =	sand.u32 $0x1, s0;
	s2 =	sshll.u32 s2, $0x1  }
0x5: {  	s25 =	simm.s32 $0x3;
	s26 =	simm.s32 $0x0;
	s2 =	sor.u32 s0, s2  }
0x6: {  	[smem:$0x7FF] =	sst s4;
	s0 =	ssub.s32 $0x2, s0;
	s5 =	smul.u32 $0x61, s2  }
0x7: {  	_ =	strace $0x80000047;
	s7 =	smin.u32 s2, $0x15;
	s8 =	sshrl.u32 s0, $0x1  }
0x8: {  	p0 =	slt.u32 s2, $0x15;
	s0 =	ssub.s32 s0, s8;
	s5 =	sadd.s32 s7, s5  }
0x9: {  	s17 =	smax.u32 s0, $0x1;
	s7 =	sshll.u32 s5, $0x2;
	s30 =	sshll.u32 s5, $0xB  }
0xa: {  	s16 =	sadd.s32 s7, s6;
	s6 =	simm.s32 $0x62;
	s7 =	sadd.s32 s1, s30  }
0xb: {  	s6 =	simm.s32 @!p0 $0x61;
	s31 =	sadd.s32 $0x800, s7;
	s9 =	sadd.s32 $0x400, s16  }
0xc: {  	s10 =	sadd.s32 $0x34D4, s16;
	s11 =	sadd.s32 $0x65A8, s16;
	s12 =	sadd.s32 $0x967C, s16  }
0xd: {  	s13 =	sadd.s32 $0x584, s16;
	s14 =	sadd.s32 $0x3658, s16;
	s15 =	sadd.s32 $0x672C, s16  }
0xe: {  	s16 =	sadd.s32 $0x9800, s16;
	p0 =	sgt.u32 s2, $0x14;
	[dreg:$0x4] =	wrdreg s31  }
.LBB2_1:
0xf: {  	[tilespmem:s4], [sflag:$0x1] =	stream.linear.gather [hbm4b:s7+s4], $0x4000, $0x38;
	[tilespmem:$0x1B180] =	vst v63  }
0x10: {  	s0 =	rddreg [dreg:$0x4];
	s2 =	simm.s32 $0x4000  }
0x11: {  	[tilespmem:s2], [sflag:$0x1] =	stream.linear.gather [hbm4b:s0+s4], $0x4000, $0x38;
	[tilespmem:$0x1B180] =	vst v63  }
0x12: {  	s21 =	simm.s32 $0x8000  }
0x13: {  	[tilespmem:s21], [sflag:$0x2] =	stream.linear.gather [hbm4b:s9+s4], $0xC20, $0x38;
	[tilespmem:$0x1B180] =	vst v63  }
0x14: {  	s22 =	simm.s32 $0x8C40  }
0x15: {  	[tilespmem:s22], [sflag:$0x2] =	stream.linear.gather [hbm4b:s10+s4], $0xC20, $0x38;
	[tilespmem:$0x1B180] =	vst v63  }
0x16: {  	s30 =	simm.s32 $0x9880  }
0x17: {  	[tilespmem:s30], [sflag:$0x2] =	stream.linear.gather [hbm4b:s11+s4], $0xC20, $0x38;
	[tilespmem:$0x1B180] =	vst v63  }
0x18: {  	s31 =	simm.s32 $0xA4C0  }
0x19: {  	[tilespmem:s31], [sflag:$0x2] =	stream.linear.gather [hbm4b:s12+s4], $0xC20, $0x38;
	[tilespmem:$0x1B180] =	vst v63  }
0x1a: {  	s0 =	simm.s32 @!p0 $0x0;
	s2 =	simm.s32 @!p0 $0x8C20  }
0x1b: {  	[tilespmem:s2], [sflag:$0x2] =	stream.linear.gather @!p0 [hbm4b:s13+s0], $0x20, $0x38;
	[tilespmem:$0x1B180] =	vst v63  }
0x1c: {  	s2 =	simm.s32 @!p0 $0x9860  }
0x1d: {  	[tilespmem:s2], [sflag:$0x2] =	stream.linear.gather @!p0 [hbm4b:s14+s0], $0x20, $0x38;
	[tilespmem:$0x1B180] =	vst v63  }
0x1e: {  	s2 =	simm.s32 @!p0 $0xA4A0  }
0x1f: {  	[tilespmem:s2], [sflag:$0x2] =	stream.linear.gather @!p0 [hbm4b:s15+s0], $0x20, $0x38;
	[tilespmem:$0x1B180] =	vst v63  }
0x20: {  	s2 =	simm.s32 @!p0 $0xB0E0  }
0x21: {  	[tilespmem:s2], [sflag:$0x2] =	stream.linear.gather @!p0 [hbm4b:s16+s0], $0x20, $0x38;
	[tilespmem:$0x1B180] =	vst v63  }
0x22: {  	_ =	swait.ge [sflag:s23], $0xC20  }
0x23: {  	[sflag:s23] =	ssyncset.done $0x0  }
0x24: {  	[sflag:s23] =	ssyncadd.s32 $0xFFFFF3E0  }
0x25: {  	_ =	swait.ge [sflag:s23], $0xC20  }
0x26: {  	[sflag:s23] =	ssyncset.done $0x0  }
0x27: {  	[sflag:s23] =	ssyncadd.s32 $0xFFFFF3E0  }
0x28: {  	_ =	swait.ge [sflag:s23], $0xC20  }
0x29: {  	[sflag:s23] =	ssyncset.done $0x0  }
0x2a: {  	[sflag:s23] =	ssyncadd.s32 $0xFFFFF3E0  }
0x2b: {  	_ =	swait.ge [sflag:s23], $0xC20  }
0x2c: {  	[sflag:s23] =	ssyncset.done $0x0  }
0x2d: {  	s0 =	simm.s32 @!p0 $0x2;
	[sflag:s23] =	ssyncadd.s32 $0xFFFFF3E0  }
0x2e: {  	_ =	swait.ge @!p0 [sflag:s0], $0x20  }
0x2f: {  	[sflag:s0] =	ssyncset.done @!p0 $0x0  }
0x30: {  	[sflag:s0] =	ssyncadd.s32 @!p0 $0xFFFFFFE0  }
0x31: {  	_ =	swait.ge @!p0 [sflag:s0], $0x20  }
0x32: {  	[sflag:s0] =	ssyncset.done @!p0 $0x0  }
0x33: {  	[sflag:s0] =	ssyncadd.s32 @!p0 $0xFFFFFFE0  }
0x34: {  	_ =	swait.ge @!p0 [sflag:s0], $0x20  }
0x35: {  	[sflag:s0] =	ssyncset.done @!p0 $0x0  }
0x36: {  	[sflag:s0] =	ssyncadd.s32 @!p0 $0xFFFFFFE0  }
0x37: {  	_ =	swait.ge @!p0 [sflag:s0], $0x20  }
0x38: {  	p1 =	por $0x0, $0x0;
	[sflag:s0] =	ssyncset.done @!p0 $0x0  }
0x39: {  	s28 =	simm.s32 $0x0;
	s29 =	simm.s32 $0x0;
	[sflag:s0] =	ssyncadd.s32 @!p0 $0xFFFFFFE0  }
.LBB2_2:
0x3a: {  	p2 =	slt.u32 s29, $0x2  }
0x3b: {  	s0 =	simm.s32 @!p2 $0x3  }
0x3c: {  	_ =	swait.ge @!p2 [sflag:s0], $0x8000  }
0x3d: {  	[sflag:s0] =	ssyncset.done @!p2 $0x0  }
0x3e: {  	s2 =	sshll.u32 s29, $0x5;
	[sflag:s0] =	ssyncadd.s32 @!p2 $0xFFFF8000  }
0x3f: {  	s22 =	sadd.s32 $0x0, s28;
	s21 =	sand.u32 $0xFFFFFF80, s2;
	_ =	swait.ge [sflag:s24], $0x4000  }
0x40: {  	s2 =	simm.s32 $0x1;
	s0 =	sadd.s32 $0x9880, s21;
	[sflag:s24] =	ssyncset.done $0x0  }
0x41: {  	s8 =	sand.u32 $0xFFFFFFF0, s22;
	s2 =	simm.s32 @!p1 $0x0;
	v0 =	vmov s0;
	[sflag:s24] =	ssyncadd.s32 $0xFFFFC000  }
0x42: {  	s18 =	sshll.u32 s2, $0xE;
	v2 =	vld [tilespmem:s8+$0x8000]  }
0x43: {  	s31 =	sor.u32 $0x100, s18;
	v1 =	vld [tilespmem:s8+$0x8C40]  }
0x44: {  	v5 =	vld [tilespmem:s31+$0xFFFFFF00]  }
0x45: {  	s0 =	sand.u32 $0x70, s22;
	v6 =	vld [tilespmem:s31+$0xFFFFFF80]  }
0x46: {  	s19 =	simm.s32 $0x0;
	v4 =	vld.idx.msk [tilespmem:v0+s0+$0x0 ss:$0x1], $0xffff  }
0x47: {  	v7 =	vld [tilespmem:s8+$0xA4C0];
	s0 =	sand.u32 $0xF, s19  }
0x48: {  	v8 =	vld [tilespmem:s31+$0x0];
	v9 =	vmov s0  }
0x49: {  	v10 =	vld [tilespmem:s31+$0x80];
	v1 =	vperm.xlane v1, v9  }
0x4a: {  	v3 =	vperm.xlane v2, v9  }
0x4b: {  	v2 =	vperm.xlane v4, v9;
	v11 =	vmul.f32 v5, v1  }
0x4c: {  	s20 =	sshll.u32 s2, $0xF;
	v12 =	vmul.f32 v6, v1;
	v4 =	vperm.xlane v7, v9  }
0x4d: {  	s20 =	sadd.s32 $0xB380, s20;
	v6 =	vmul.f32 v6, v3;
	v7 =	vmul.f32 v8, v2  }
0x4e: {  	v9 =	vmul.f32 v10, v3;
	[tilespmem:s20+$0xFFFFFE80] =	vst v11  }
0x4f: {  	[tilespmem:s20+$0x0] =	vst v6;
	v6 =	vmul.f32 v10, v4;
	v10 =	vmul.f32 v5, v2;
	v7 =	vadd.f32 v7, v12  }
0x50: {  	v8 =	vmul.f32 v8, v3;
	[tilespmem:s20+$0x100] =	vst v9  }
0x51: {  	v9 =	vmul.f32 v5, v3;
	[tilespmem:s20+$0xFFFFFF00] =	vst v10;
	v6 =	vadd.f32 v6, v7  }
0x52: {  	v5 =	vmul.f32 v5, v4;
	[tilespmem:s20+$0x80] =	vst v8  }
0x53: {  	[tilespmem:s20+$0xFFFFFE00] =	vst v9;
	v6 =	vmul.f32 $5.773502590e-01, v6  }
0x54: {  	[tilespmem:s20+$0xFFFFFF80] =	vst v5  }
0x55: {  	[tilespmem:s20+$0x180] =	vst v6  }
0x56: {  	v5 =	vld [tilespmem:s31+$0xFFFFFF90]  }
0x57: {  	v6 =	vld [tilespmem:s31+$0x10]  }
0x58: {  	v7 =	vld [tilespmem:s31+$0x90]  }
0x59: {  	v8 =	vld [tilespmem:s31+$0xFFFFFF10];
	_ =	sdelay $0x1  }
0x5a: {  	v9 =	vmul.f32 v5, v3;
	v5 =	vmul.f32 v5, v1  }
0x5b: {  	v10 =	vmul.f32 v6, v2;
	v6 =	vmul.f32 v6, v3  }
0x5c: {  	[tilespmem:s20+$0x10] =	vst v9;
	v9 =	vmul.f32 v7, v3  }
0x5d: {  	v5 =	vadd.f32 v10, v5;
	v7 =	vmul.f32 v7, v4;
	v10 =	vmul.f32 v8, v2;
	[tilespmem:s20+$0x90] =	vst v6  }
0x5e: {  	v6 =	vmul.f32 v8, v3;
	[tilespmem:s20+$0x110] =	vst v9  }
0x5f: {  	v5 =	vadd.f32 v7, v5;
	v7 =	vmul.f32 v8, v4;
	[tilespmem:s20+$0xFFFFFF10] =	vst v10  }
0x60: {  	[tilespmem:s20+$0xFFFFFE10] =	vst v6;
	v6 =	vmul.f32 v8, v1  }
0x61: {  	v5 =	vmul.f32 $5.773502590e-01, v5;
	[tilespmem:s20+$0xFFFFFF90] =	vst v7  }
0x62: {  	[tilespmem:s20+$0xFFFFFE90] =	vst v6  }
0x63: {  	[tilespmem:s20+$0x190] =	vst v5  }
0x64: {  	v5 =	vld [tilespmem:s31+$0xFFFFFFA0]  }
0x65: {  	v6 =	vld [tilespmem:s31+$0x20]  }
0x66: {  	v8 =	vld [tilespmem:s31+$0xFFFFFF20]  }
0x67: {  	v7 =	vld [tilespmem:s31+$0xA0];
	_ =	sdelay $0x1  }
0x68: {  	v9 =	vmul.f32 v5, v3;
	v5 =	vmul.f32 v5, v1  }
0x69: {  	v10 =	vmul.f32 v6, v3;
	v6 =	vmul.f32 v6, v2  }
0x6a: {  	v11 =	vmul.f32 v8, v3;
	[tilespmem:s20+$0x20] =	vst v9  }
0x6b: {  	v9 =	vmul.f32 v7, v3;
	[tilespmem:s20+$0xA0] =	vst v10;
	v5 =	vadd.f32 v6, v5;
	v6 =	vmul.f32 v7, v4  }
0x6c: {  	v7 =	vmul.f32 v8, v1;
	[tilespmem:s20+$0xFFFFFE20] =	vst v11  }
0x6d: {  	[tilespmem:s20+$0x120] =	vst v9;
	v9 =	vmul.f32 v8, v2;
	v5 =	vadd.f32 v6, v5  }
0x6e: {  	v6 =	vmul.f32 v8, v4;
	[tilespmem:s20+$0xFFFFFEA0] =	vst v7  }
0x6f: {  	[tilespmem:s20+$0xFFFFFF20] =	vst v9;
	v5 =	vmul.f32 $5.773502590e-01, v5  }
0x70: {  	[tilespmem:s20+$0xFFFFFFA0] =	vst v6  }
0x71: {  	[tilespmem:s20+$0x1A0] =	vst v5  }
0x72: {  	v5 =	vld [tilespmem:s31+$0xFFFFFFB0]  }
0x73: {  	v6 =	vld [tilespmem:s31+$0x30]  }
0x74: {  	v8 =	vld [tilespmem:s31+$0xFFFFFF30]  }
0x75: {  	v7 =	vld [tilespmem:s31+$0xB0];
	_ =	sdelay $0x1  }
0x76: {  	v9 =	vmul.f32 v5, v3;
	v5 =	vmul.f32 v5, v1  }
0x77: {  	v10 =	vmul.f32 v6, v3;
	v6 =	vmul.f32 v6, v2  }
0x78: {  	v11 =	vmul.f32 v8, v1;
	[tilespmem:s20+$0x30] =	vst v9  }
0x79: {  	v9 =	vmul.f32 v7, v3;
	v7 =	vmul.f32 v7, v4;
	[tilespmem:s20+$0xB0] =	vst v10;
	v5 =	vadd.f32 v6, v5  }
0x7a: {  	v6 =	vmul.f32 v8, v2;
	[tilespmem:s20+$0xFFFFFEB0] =	vst v11  }
0x7b: {  	[tilespmem:s20+$0x130] =	vst v9;
	v9 =	vmul.f32 v8, v4;
	v5 =	vadd.f32 v7, v5  }
0x7c: {  	v7 =	vmul.f32 v8, v3;
	[tilespmem:s20+$0xFFFFFF30] =	vst v6  }
0x7d: {  	[tilespmem:s20+$0xFFFFFFB0] =	vst v9;
	v5 =	vmul.f32 $5.773502590e-01, v5  }
0x7e: {  	[tilespmem:s20+$0xFFFFFE30] =	vst v7  }
0x7f: {  	[tilespmem:s20+$0x1B0] =	vst v5  }
0x80: {  	v5 =	vld [tilespmem:s31+$0xFFFFFFC0]  }
0x81: {  	v6 =	vld [tilespmem:s31+$0x40]  }
0x82: {  	v8 =	vld [tilespmem:s31+$0xFFFFFF40]  }
0x83: {  	v7 =	vld [tilespmem:s31+$0xC0];
	_ =	sdelay $0x1  }
0x84: {  	v9 =	vmul.f32 v5, v3;
	v5 =	vmul.f32 v5, v1  }
0x85: {  	v10 =	vmul.f32 v6, v3;
	v6 =	vmul.f32 v6, v2  }
0x86: {  	v11 =	vmul.f32 v8, v3;
	[tilespmem:s20+$0x40] =	vst v9  }
0x87: {  	v9 =	vmul.f32 v7, v3;
	v7 =	vmul.f32 v7, v4;
	[tilespmem:s20+$0xC0] =	vst v10;
	v5 =	vadd.f32 v6, v5  }
0x88: {  	v6 =	vmul.f32 v8, v4;
	[tilespmem:s20+$0xFFFFFE40] =	vst v11  }
0x89: {  	[tilespmem:s20+$0x140] =	vst v9;
	v9 =	vmul.f32 v8, v1;
	v5 =	vadd.f32 v7, v5  }
0x8a: {  	v7 =	vmul.f32 v8, v2;
	[tilespmem:s20+$0xFFFFFFC0] =	vst v6  }
0x8b: {  	[tilespmem:s20+$0xFFFFFEC0] =	vst v9;
	v5 =	vmul.f32 $5.773502590e-01, v5  }
0x8c: {  	[tilespmem:s20+$0xFFFFFF40] =	vst v7  }
0x8d: {  	[tilespmem:s20+$0x1C0] =	vst v5  }
0x8e: {  	v5 =	vld [tilespmem:s31+$0xFFFFFFD0]  }
0x8f: {  	v6 =	vld [tilespmem:s31+$0x50]  }
0x90: {  	v8 =	vld [tilespmem:s31+$0xFFFFFF50]  }
0x91: {  	v7 =	vld [tilespmem:s31+$0xD0];
	_ =	sdelay $0x1  }
0x92: {  	v9 =	vmul.f32 v5, v3;
	v5 =	vmul.f32 v5, v1  }
0x93: {  	v10 =	vmul.f32 v6, v3;
	v6 =	vmul.f32 v6, v2  }
0x94: {  	v11 =	vmul.f32 v8, v3;
	[tilespmem:s20+$0x50] =	vst v9  }
0x95: {  	s21 =	sand.u32 $0x1, s29;
	v63 =	vmul.f32 v7, v4;
	v9 =	vmul.f32 v7, v3;
	[tilespmem:s20+$0xD0] =	vst v10;
	v10 =	vadd.f32 v6, v5  }
0x96: {  	s22 =	sshll.u32 s21, $0xF;
	s2 =	sshll.u32 s21, $0xE;
	s30 =	smov.u32 s20;
	v6 =	vmul.f32 v8, v2;
	[tilespmem:s20+$0xFFFFFE50] =	vst v11  }
0x97: {  	s18 =	smov.u32 s31;
	s19 =	simm.s32 $0x1;
	s0 =	sadd.s32 $0xB180, s22;
	v5 =	vmul.f32 v8, v1;
	v7 =	vmul.f32 v8, v4;
	[tilespmem:s20+$0x150] =	vst v9;
	v8 =	vadd.f32 v63, v10  }
.LBB2_3:
0x98: {  	p2 =	sne.s32 s19, $0x1F;
	[tilespmem:s20+$0xFFFFFF50] =	vst v6;
	s30 =	sadd.s32 $0x400, s30;
	s31 =	sadd.s32 $0x200, s31  }
0x99: {  	s21 =	smov.u32 s19;
	s19 =	sadd.s32 $0x1, s19;
	[tilespmem:s20+$0xFFFFFFD0] =	vst v7;
	v6 =	vmul.f32 $5.773502590e-01, v8  }
0x9a: {  	[tilespmem:s20+$0xFFFFFED0] =	vst v5  }
0x9b: {  	[tilespmem:s20+$0x1D0] =	vst v6  }
0x9c: {  	v5 =	vld [tilespmem:s18+$0xFFFFFFE0]  }
0x9d: {  	v6 =	vld [tilespmem:s18+$0x60]  }
0x9e: {  	v7 =	vld [tilespmem:s18+$0xE0]  }
0x9f: {  	v8 =	vld [tilespmem:s18+$0xFFFFFF60];
	_ =	sdelay $0x1  }
0xa0: {  	v9 =	vmul.f32 v5, v3;
	v5 =	vmul.f32 v5, v1  }
0xa1: {  	v10 =	vmul.f32 v6, v3;
	v6 =	vmul.f32 v6, v2  }
0xa2: {  	[tilespmem:s20+$0x60] =	vst v9;
	v9 =	vmul.f32 v7, v3;
	v7 =	vmul.f32 v7, v4  }
0xa3: {  	s8 =	sadd.s32 s21, s28;
	v11 =	vmul.f32 v8, v3;
	v12 =	vmul.f32 v8, v2;
	[tilespmem:s20+$0xE0] =	vst v10;
	v5 =	vadd.f32 v6, v5  }
0xa4: {  	s22 =	sand.u32 $0xFFFFFFF0, s8;
	s8 =	sand.u32 $0x70, s8;
	v6 =	vmul.f32 v8, v1;
	v8 =	vmul.f32 v8, v4;
	[tilespmem:s20+$0x160] =	vst v9  }
0xa5: {  	[tilespmem:s20+$0xFFFFFE60] =	vst v11;
	v5 =	vadd.f32 v7, v5  }
0xa6: {  	[tilespmem:s20+$0xFFFFFFE0] =	vst v8  }
0xa7: {  	[tilespmem:s20+$0xFFFFFF60] =	vst v12;
	v5 =	vmul.f32 $5.773502590e-01, v5  }
0xa8: {  	[tilespmem:s20+$0xFFFFFEE0] =	vst v6  }
0xa9: {  	[tilespmem:s20+$0x1E0] =	vst v5  }
0xaa: {  	v5 =	vld [tilespmem:s18+$0xFFFFFFF0]  }
0xab: {  	v6 =	vld [tilespmem:s18+$0x70]  }
0xac: {  	v7 =	vld [tilespmem:s18+$0xF0]  }
0xad: {  	v8 =	vld [tilespmem:s18+$0xFFFFFF70];
	s18 =	smov.u32 s31;
	_ =	sdelay $0x1  }
0xae: {  	v9 =	vmul.f32 v5, v3;
	v5 =	vmul.f32 v5, v1  }
0xaf: {  	v10 =	vmul.f32 v6, v3;
	v6 =	vmul.f32 v6, v2  }
0xb0: {  	[tilespmem:s20+$0x70] =	vst v9;
	v9 =	vmul.f32 v7, v3;
	v7 =	vmul.f32 v7, v4  }
0xb1: {  	v3 =	vmul.f32 v8, v3;
	v1 =	vmul.f32 v8, v1;
	[tilespmem:s20+$0xF0] =	vst v10;
	v5 =	vadd.f32 v6, v5  }
0xb2: {  	v2 =	vmul.f32 v8, v2;
	v4 =	vmul.f32 v8, v4;
	[tilespmem:s20+$0x170] =	vst v9  }
0xb3: {  	[tilespmem:s20+$0xFFFFFE70] =	vst v3;
	v3 =	vadd.f32 v7, v5  }
0xb4: {  	[tilespmem:s20+$0xFFFFFFF0] =	vst v4  }
0xb5: {  	[tilespmem:s20+$0xFFFFFEF0] =	vst v1;
	v1 =	vmul.f32 $5.773502590e-01, v3  }
0xb6: {  	[tilespmem:s20+$0xFFFFFF70] =	vst v2  }
0xb7: {  	[tilespmem:s20+$0x1F0] =	vst v1;
	s20 =	smov.u32 s30;
	_ =	sdelay $0x1  }
0xb8: {  	v2 =	vld [tilespmem:s22+$0x8000]  }
0xb9: {  	v1 =	vld [tilespmem:s22+$0x8C40]  }
0xba: {  	v5 =	vld [tilespmem:s31+$0xFFFFFF00]  }
0xbb: {  	v4 =	vld.idx.msk [tilespmem:v0+s8+$0x0 ss:$0x1], $0xffff  }
0xbc: {  	v6 =	vld [tilespmem:s31+$0x0]  }
0xbd: {  	v7 =	vld [tilespmem:s31+$0xFFFFFF80]  }
0xbe: {  	s8 =	sand.u32 $0xF, s21;
	v8 =	vld [tilespmem:s22+$0xA4C0]  }
0xbf: {  	v9 =	vmov s8  }
0xc0: {  	v1 =	vperm.xlane v1, v9;
	v10 =	vld [tilespmem:s31+$0x80]  }
0xc1: {  	v3 =	vperm.xlane v2, v9;
	v2 =	vperm.xlane v4, v9  }
0xc2: {  	v11 =	vmul.f32 v5, v1;
	v12 =	vmul.f32 v7, v1  }
0xc3: {  	v7 =	vmul.f32 v7, v3;
	v4 =	vperm.xlane v8, v9  }
0xc4: {  	v8 =	vmul.f32 v5, v3;
	v9 =	vmul.f32 v6, v2;
	[tilespmem:s30+$0xFFFFFE80] =	vst v11  }
0xc5: {  	[tilespmem:s30+$0x0] =	vst v7;
	v7 =	vmul.f32 v10, v3;
	v10 =	vmul.f32 v10, v4  }
0xc6: {  	v6 =	vmul.f32 v6, v3;
	v11 =	vmul.f32 v5, v2;
	v9 =	vadd.f32 v9, v12  }
0xc7: {  	[tilespmem:s30+$0x100] =	vst v7  }
0xc8: {  	v7 =	vadd.f32 v10, v9;
	[tilespmem:s30+$0xFFFFFF00] =	vst v11  }
0xc9: {  	v5 =	vmul.f32 v5, v4;
	[tilespmem:s30+$0x80] =	vst v6  }
0xca: {  	v6 =	vmul.f32 $5.773502590e-01, v7;
	[tilespmem:s30+$0xFFFFFE00] =	vst v8  }
0xcb: {  	[tilespmem:s30+$0xFFFFFF80] =	vst v5  }
0xcc: {  	[tilespmem:s30+$0x180] =	vst v6  }
0xcd: {  	v5 =	vld [tilespmem:s31+$0xFFFFFF90]  }
0xce: {  	v6 =	vld [tilespmem:s31+$0x10]  }
0xcf: {  	v7 =	vld [tilespmem:s31+$0xFFFFFF10]  }
0xd0: {  	v8 =	vld [tilespmem:s31+$0x90];
	_ =	sdelay $0x1  }
0xd1: {  	v9 =	vmul.f32 v5, v3;
	v5 =	vmul.f32 v5, v1  }
0xd2: {  	v10 =	vmul.f32 v6, v3;
	v6 =	vmul.f32 v6, v2  }
0xd3: {  	v11 =	vmul.f32 v7, v3;
	v12 =	vmul.f32 v7, v2;
	[tilespmem:s30+$0x10] =	vst v9  }
0xd4: {  	v9 =	vmul.f32 v8, v3;
	v5 =	vadd.f32 v6, v5;
	v6 =	vmul.f32 v8, v4  }
0xd5: {  	v8 =	vmul.f32 v7, v4;
	[tilespmem:s30+$0x90] =	vst v10  }
0xd6: {  	[tilespmem:s30+$0x110] =	vst v9;
	v5 =	vadd.f32 v6, v5  }
0xd7: {  	[tilespmem:s30+$0xFFFFFF10] =	vst v12  }
0xd8: {  	v6 =	vmul.f32 v7, v1;
	[tilespmem:s30+$0xFFFFFE10] =	vst v11;
	v5 =	vmul.f32 $5.773502590e-01, v5  }
0xd9: {  	[tilespmem:s30+$0xFFFFFF90] =	vst v8  }
0xda: {  	[tilespmem:s30+$0x190] =	vst v5  }
0xdb: {  	[tilespmem:s30+$0xFFFFFE90] =	vst v6  }
0xdc: {  	v5 =	vld [tilespmem:s31+$0xFFFFFFA0]  }
0xdd: {  	v6 =	vld [tilespmem:s31+$0x20]  }
0xde: {  	v7 =	vld [tilespmem:s31+$0xA0]  }
0xdf: {  	v8 =	vld [tilespmem:s31+$0xFFFFFF20];
	_ =	sdelay $0x1  }
0xe0: {  	v9 =	vmul.f32 v5, v3;
	v5 =	vmul.f32 v5, v1  }
0xe1: {  	v10 =	vmul.f32 v6, v3;
	v6 =	vmul.f32 v6, v2  }
0xe2: {  	[tilespmem:s30+$0x20] =	vst v9;
	v9 =	vmul.f32 v7, v3  }
0xe3: {  	v11 =	vmul.f32 v8, v3;
	[tilespmem:s30+$0xA0] =	vst v10;
	v5 =	vadd.f32 v6, v5;
	v6 =	vmul.f32 v7, v4  }
0xe4: {  	v7 =	vmul.f32 v8, v1;
	v10 =	vmul.f32 v8, v2;
	[tilespmem:s30+$0x120] =	vst v9  }
0xe5: {  	v8 =	vmul.f32 v8, v4;
	[tilespmem:s30+$0xFFFFFE20] =	vst v11;
	v5 =	vadd.f32 v6, v5  }
0xe6: {  	[tilespmem:s30+$0xFFFFFEA0] =	vst v7  }
0xe7: {  	[tilespmem:s30+$0xFFFFFF20] =	vst v10;
	v5 =	vmul.f32 $5.773502590e-01, v5  }
0xe8: {  	[tilespmem:s30+$0xFFFFFFA0] =	vst v8  }
0xe9: {  	[tilespmem:s30+$0x1A0] =	vst v5  }
0xea: {  	v5 =	vld [tilespmem:s31+$0xFFFFFFB0]  }
0xeb: {  	v6 =	vld [tilespmem:s31+$0x30]  }
0xec: {  	v7 =	vld [tilespmem:s31+$0xB0]  }
0xed: {  	v8 =	vld [tilespmem:s31+$0xFFFFFF30];
	_ =	sdelay $0x1  }
0xee: {  	v9 =	vmul.f32 v5, v3;
	v5 =	vmul.f32 v5, v1  }
0xef: {  	v10 =	vmul.f32 v6, v3;
	v6 =	vmul.f32 v6, v2  }
0xf0: {  	[tilespmem:s30+$0x30] =	vst v9;
	v9 =	vmul.f32 v7, v3;
	v7 =	vmul.f32 v7, v4  }
0xf1: {  	v11 =	vmul.f32 v8, v1;
	v12 =	vmul.f32 v8, v2;
	[tilespmem:s30+$0xB0] =	vst v10;
	v5 =	vadd.f32 v6, v5  }
0xf2: {  	v6 =	vmul.f32 v8, v3;
	v8 =	vmul.f32 v8, v4;
	[tilespmem:s30+$0x130] =	vst v9  }
0xf3: {  	[tilespmem:s30+$0xFFFFFEB0] =	vst v11;
	v5 =	vadd.f32 v7, v5  }
0xf4: {  	[tilespmem:s30+$0xFFFFFF30] =	vst v12  }
0xf5: {  	[tilespmem:s30+$0xFFFFFFB0] =	vst v8;
	v5 =	vmul.f32 $5.773502590e-01, v5  }
0xf6: {  	[tilespmem:s30+$0xFFFFFE30] =	vst v6  }
0xf7: {  	[tilespmem:s30+$0x1B0] =	vst v5  }
0xf8: {  	v5 =	vld [tilespmem:s31+$0xFFFFFFC0]  }
0xf9: {  	v6 =	vld [tilespmem:s31+$0x40]  }
0xfa: {  	v7 =	vld [tilespmem:s31+$0xC0]  }
0xfb: {  	v8 =	vld [tilespmem:s31+$0xFFFFFF40];
	_ =	sdelay $0x1  }
0xfc: {  	v9 =	vmul.f32 v5, v3;
	v5 =	vmul.f32 v5, v1  }
0xfd: {  	v10 =	vmul.f32 v6, v3;
	v6 =	vmul.f32 v6, v2  }
0xfe: {  	[tilespmem:s30+$0x40] =	vst v9;
	v9 =	vmul.f32 v7, v3;
	v7 =	vmul.f32 v7, v4  }
0xff: {  	v11 =	vmul.f32 v8, v3;
	v12 =	vmul.f32 v8, v1;
	[tilespmem:s30+$0xC0] =	vst v10;
	v5 =	vadd.f32 v6, v5  }
0x100: {  	v6 =	vmul.f32 v8, v2;
	v8 =	vmul.f32 v8, v4;
	[tilespmem:s30+$0x140] =	vst v9  }
0x101: {  	[tilespmem:s30+$0xFFFFFE40] =	vst v11;
	v5 =	vadd.f32 v7, v5  }
0x102: {  	[tilespmem:s30+$0xFFFFFFC0] =	vst v8  }
0x103: {  	[tilespmem:s30+$0xFFFFFEC0] =	vst v12;
	v5 =	vmul.f32 $5.773502590e-01, v5  }
0x104: {  	[tilespmem:s30+$0xFFFFFF40] =	vst v6  }
0x105: {  	[tilespmem:s30+$0x1C0] =	vst v5  }
0x106: {  	v5 =	vld [tilespmem:s31+$0xFFFFFFD0]  }
0x107: {  	v6 =	vld [tilespmem:s31+$0x50]  }
0x108: {  	v7 =	vld [tilespmem:s31+$0xD0]  }
0x109: {  	v8 =	vld [tilespmem:s31+$0xFFFFFF50];
	_ =	sdelay $0x1  }
0x10a: {  	v9 =	vmul.f32 v5, v3;
	v5 =	vmul.f32 v5, v1  }
.Ltmp0:
0x10b: {  	v10 =	vmul.f32 v6, v3;
	v6 =	vmul.f32 v6, v2;
	(pc) =	sbr.rel @p2 .LBB2_3-.Ltmp0, $4  }
0x10c: {  	[tilespmem:s30+$0x50] =	vst v9;
	v9 =	vmul.f32 v7, v3  }
0x10d: {  	v12 =	vmul.f32 v7, v4;
	v11 =	vmul.f32 v8, v3;
	[tilespmem:s30+$0xD0] =	vst v10;
	v10 =	vadd.f32 v6, v5  }
0x10e: {  	v5 =	vmul.f32 v8, v1;
	v6 =	vmul.f32 v8, v2;
	[tilespmem:s30+$0x150] =	vst v9  }
0x10f: {  	v7 =	vmul.f32 v8, v4;
	[tilespmem:s30+$0xFFFFFE50] =	vst v11;
	v8 =	vadd.f32 v12, v10  }
0x110: {  	[tilespmem:s20+$0xFFFFFF50] =	vst v6  }
0x111: {  	[tilespmem:s20+$0xFFFFFED0] =	vst v5;
	v0 =	vmul.f32 $5.773502590e-01, v8  }
0x112: {  	[tilespmem:s20+$0xFFFFFFD0] =	vst v7  }
0x113: {  	[tilespmem:s20+$0x1D0] =	vst v0  }
0x114: {  	v0 =	vld [tilespmem:s18+$0xFFFFFFE0]  }
0x115: {  	v5 =	vld [tilespmem:s18+$0x60]  }
0x116: {  	v6 =	vld [tilespmem:s18+$0xE0]  }
0x117: {  	v7 =	vld [tilespmem:s18+$0xFFFFFF60];
	_ =	sdelay $0x1  }
0x118: {  	v51 =	vmul.f32 v0, v3;
	v0 =	vmul.f32 v0, v1  }
0x119: {  	v9 =	vmul.f32 v5, v3;
	v5 =	vmul.f32 v5, v2  }
0x11a: {  	v52 =	vmul.f32 v6, v3;
	[tilespmem:s20+$0x60] =	vst v51  }
0x11b: {  	v6 =	vmul.f32 v6, v4;
	v10 =	vmul.f32 v7, v3;
	[tilespmem:s20+$0xE0] =	vst v9;
	v0 =	vadd.f32 v5, v0  }
0x11c: {  	v53 =	vmul.f32 v7, v4;
	[tilespmem:s20+$0x160] =	vst v52  }
0x11d: {  	v54 =	vmul.f32 v7, v2;
	[tilespmem:s20+$0xFFFFFE60] =	vst v10;
	v0 =	vadd.f32 v6, v0  }
0x11e: {  	v55 =	vmul.f32 v7, v1;
	[tilespmem:s20+$0xFFFFFFE0] =	vst v53  }
0x11f: {  	[tilespmem:s20+$0xFFFFFF60] =	vst v54;
	v0 =	vmul.f32 $5.773502590e-01, v0  }
0x120: {  	[tilespmem:s20+$0xFFFFFEE0] =	vst v55  }
0x121: {  	[tilespmem:s20+$0x1E0] =	vst v0  }
0x122: {  	v0 =	vld [tilespmem:s18+$0xFFFFFFF0]  }
0x123: {  	v5 =	vld [tilespmem:s18+$0x70]  }
0x124: {  	v6 =	vld [tilespmem:s18+$0xF0]  }
0x125: {  	v56 =	vld [tilespmem:s18+$0xFFFFFF70];
	_ =	sdelay $0x1  }
0x126: {  	v57 =	vmul.f32 v0, v3;
	v0 =	vmul.f32 v0, v1  }
0x127: {  	v58 =	vmul.f32 v5, v3;
	v5 =	vmul.f32 v5, v2  }
0x128: {  	v59 =	vmul.f32 v6, v3;
	[tilespmem:s20+$0x70] =	vst v57  }
0x129: {  	v6 =	vmul.f32 v6, v4;
	v60 =	vmul.f32 v56, v3;
	[tilespmem:s20+$0xF0] =	vst v58;
	v0 =	vadd.f32 v5, v0  }
0x12a: {  	v61 =	vmul.f32 v56, v4;
	[tilespmem:s20+$0x170] =	vst v59  }
0x12b: {  	v62 =	vmul.f32 v56, v1;
	[tilespmem:s20+$0xFFFFFE70] =	vst v60;
	v0 =	vadd.f32 v6, v0  }
0x12c: {  	s8 =	sadd.s32 s5, s29;
	v63 =	vmul.f32 v56, v2;
	[tilespmem:s20+$0xFFFFFFF0] =	vst v61  }
0x12d: {  	s8 =	sshll.u32 s8, $0xC;
	[tilespmem:s20+$0xFFFFFEF0] =	vst v62;
	v0 =	vmul.f32 $5.773502590e-01, v0  }
0x12e: {  	s8 =	sand.u32 $0x1FFFF000, s8;
	[tilespmem:s20+$0xFFFFFF70] =	vst v63  }
0x12f: {  	s8 =	sadd.s32 s3, s8;
	[tilespmem:s20+$0x1F0] =	vst v0  }
0x130: {  	[hbm4b:s8+s4] =	stream.linear.scatter [tilespmem:s0], [sflag:$0x3], $0x8000, $0x38;
	[tilespmem:$0x1B180] =	vst v63  }
0x131: {  	s0 =	sadd.s32 $0x2, s29  }
0x132: {  	p2 =	sge.u32 s0, s6  }
0x133: {  	s0 =	sadd.s32 @!p2 s5, s0  }
0x134: {  	s0 =	sshll.u32 @!p2 s0, $0xB  }
0x135: {  	s0 =	sand.u32 @!p2 $0x1FFFF800, s0  }
0x136: {  	s29 =	sadd.s32 $0x1, s29;
	s8 =	simm.s32 @!p2 $0x0;
	s0 =	sadd.s32 @!p2 s1, s0  }
0x137: {  	[tilespmem:s2], [sflag:$0x1] =	stream.linear.gather @!p2 [hbm4b:s0+s8], $0x4000, $0x38;
	[tilespmem:$0x1B180] =	vst v63  }
0x138: {  	p2 =	sne.s32 s29, s6  }
.Ltmp1:
0x139: {  	_ = 	snop;
	(pc) =	sbr.rel @p2 .LBB2_2-.Ltmp1, $2  }
0x13a: {  	_ =	sdelay $0x2  }
0x13b: {  	s28 =	sadd.s32 $0x20, s28;
	p1 =	por !p1, !p1  }
0x13c: {  	s26 =	sadd.s32 $0x1, s26  }
0x13d: {  	_ =	swait.ge [sflag:s25], $0x8000;
	p1 =	sne.s32 s26, s17  }
.Ltmp2:
0x13e: {  	[sflag:s25] =	ssyncset.done $0x0;
	(pc) =	sbr.rel @p1 .LBB2_1-.Ltmp2, $4  }
0x13f: {  	[sflag:s25] =	ssyncadd.s32 $0xFFFF8000  }
0x140: {  	_ =	swait.ge [sflag:s25], $0x8000  }
0x141: {  	[sflag:s25] =	ssyncset.done $0x0  }
0x142: {  	[sflag:s25] =	ssyncadd.s32 $0xFFFF8000  }
0x143: {  	_ =	sfence.sel $0x180000  }
0x144: {  	[bflag:$0x0] =	sbarrier.arrive $0xFFFF  }
0x145: {  	_ =	strace $0x90000047  }
0x146: {  	s0 =	stileid.u32;
	[bflag:$0x2] =	sbarrier.arrive $0xFFFF  }
0x147: {  	p0 =	sne.s32 s0, $0x0;
	s0 =	rddreg [dreg:$0x3]  }
0x148: {  	s0 =	sadd.s32 @!p0 $0x100000, s0  }
0x149: {  	[sflag:s0] =	ssyncadd.tile.s32 @!p0 $0x1;
	_ =	shalt  }
.Lfunc_end2:
_tile_overlayer_lowered:
.L_overlay_start_2:
0x14a: {  	(tag) =	ssettag $0x2  }
0x14b: {  	s0 =	rddreg [dreg:$0x0];
	s2 =	stileid.u32  }
0x14c: {  	s1 =	rddreg [dreg:$0x1];
	p0 =	sne.s32 s2, $0x0  }
0x14d: {  	s3 =	rddreg [dreg:$0x2];
	[bflag:$0x3] =	sbarrier.arrive $0xFFFF;
	s2 =	simm.s32 @!p0 $0x1C04  }
0x14e: {  	[timem:s3], [sflag:s2] =	dma.local @!p0 [hbm:s0], s1  }
0x14f: {  	s0 =	simm.s32 @!p0 $0x4  }
0x150: {  	_ =	swait.ge @!p0 [sflag:s0], s1  }
0x151: {  	s1 =	ssub.s32 @!p0 $0x0, s1;
	[sflag:s0] =	ssyncset.done @!p0 $0x0  }
0x152: {  	[sflag:s0] =	ssyncadd.s32 @!p0 s1  }
0x153: {  	[bflag:$0x3] =	sbarrier.arrive $0xFFFF  }
0x154: {  	_ =	shalt  }

</sc_bundles>
